<compile_context>
chip_gen: v7x
topology: tpu7x:2x2x1
jax: 0.10.2.dev20260603
libtpu: 0.0.44.dev20260713+nightly
codegen_flags: <defaults>
</compile_context>

<pallas_src>
import functools

import jax
import jax.numpy as jnp
from jax import lax
from jax.experimental import pallas as pl
from jax.experimental.pallas import tpu as pltpu
from jax.experimental.pallas import tpu_sc as plsc

N = 10000
E = 320000
D = 128
NG = 64

NC = 2
NS = 16
NW = NC * NS

LANES = 128
STEPS = 80
EPT = STEPS * LANES
E_PAD = NW * EPT
ACC_ROWS = 10112
RPT = ACC_ROWS // NS
TRASH = N
N_TRASH = ACC_ROWS - N

_MESH = plsc.VectorSubcoreMesh(core_axis_name="c", subcore_axis_name="s")



_NBUF = 3
_SCATTER_OUT = jax.ShapeDtypeStruct((NC, ACC_ROWS, D), jnp.float32)
_SCATTER_SCRATCH = [
    [pltpu.VMEM((LANES,), jnp.int32) for _ in range(_NBUF)],
    [pltpu.VMEM((LANES,), jnp.int32) for _ in range(_NBUF)],
    [pltpu.VMEM((LANES, D), jnp.float32) for _ in range(_NBUF)],
    pltpu.MemorySpace.VMEM_SHARED((ACC_ROWS, D), jnp.float32),
    [pltpu.SemaphoreType.DMA for _ in range(_NBUF)],
    [pltpu.SemaphoreType.DMA for _ in range(_NBUF)],
]


def _sc_scatter_rows_body(g_hbm, src_hbm, dst_hbm, z_hbm, out_hbm,
                          src_b, dst_b, rows, acc, isems, gsems):
    c = lax.axis_index("c")
    s = lax.axis_index("s")
    wid = s * NC + c
    base = wid * EPT

    def fire_idx(j, b):
        pltpu.async_copy(src_hbm.at[pl.ds(base + j * LANES, LANES)],
                         src_b[b], isems[b])
        pltpu.async_copy(dst_hbm.at[pl.ds(base + j * LANES, LANES)],
                         dst_b[b], isems[b])

    def wait_idx(b):
        pltpu.make_async_copy(src_hbm.at[pl.ds(base, LANES)],
                              src_b[b], isems[b]).wait()
        pltpu.make_async_copy(dst_hbm.at[pl.ds(base, LANES)],
                              dst_b[b], isems[b]).wait()

    def fire_gather(b):
        pltpu.async_copy(g_hbm.at[src_b[b]], rows[b], gsems[b])

    def wait_gather(b):
        pltpu.make_async_copy(g_hbm.at[src_b[b]], rows[b], gsems[b]).wait()

    for b in range(_NBUF):
        fire_idx(b, b)
    pltpu.sync_copy(z_hbm, acc.at[pl.ds(s * RPT, RPT)])
    wait_idx(0)
    fire_gather(0)
    wait_idx(1)
    fire_gather(1)
    plsc.subcore_barrier()

    def step(j, b):
        wait_idx((b + 2) % _NBUF)
        fire_gather((b + 2) % _NBUF)
        wait_gather(b)
        pltpu.sync_copy(rows[b], acc.at[dst_b[b]], add=True)
        fire_idx(j + _NBUF, b)

    def body(k, carry):
        j0 = k * _NBUF
        for b in range(_NBUF):
            step(j0 + b, b)
        return carry

    n_main = (STEPS - 4) // _NBUF
    lax.fori_loop(0, n_main, body, 0, unroll=False)
    for j in range(n_main * _NBUF, STEPS):
        b = j % _NBUF
        if j + 2 < STEPS:
            wait_idx((b + 2) % _NBUF)
            fire_gather((b + 2) % _NBUF)
        wait_gather(b)
        pltpu.sync_copy(rows[b], acc.at[dst_b[b]], add=True)
        if j + _NBUF < STEPS:
            fire_idx(j + _NBUF, b)
    plsc.subcore_barrier()
    pltpu.sync_copy(acc.at[pl.ds(s * RPT, RPT)],
                    out_hbm.at[c].at[pl.ds(s * RPT, RPT)])


_sc_scatter_rows = functools.partial(
    pl.kernel, out_type=_SCATTER_OUT, mesh=_MESH,
    scratch_types=_SCATTER_SCRATCH)(_sc_scatter_rows_body)


_DEG_OUT = jax.ShapeDtypeStruct((NC, ACC_ROWS, D), jnp.float32)
_DEG_SCRATCH = [
    [pltpu.VMEM((LANES,), jnp.int32) for _ in range(_NBUF)],
    pltpu.VMEM((LANES, D), jnp.float32),
    pltpu.MemorySpace.VMEM_SHARED((ACC_ROWS, D), jnp.float32),
    [pltpu.SemaphoreType.DMA for _ in range(_NBUF)],
]


def _sc_degree_body(dst_hbm, ones_hbm, z_hbm, out_hbm, dst_b, ones_v, acc,
                    isems):
    c = lax.axis_index("c")
    s = lax.axis_index("s")
    wid = s * NC + c
    base = wid * EPT

    def fire_idx(j, b):
        pltpu.async_copy(dst_hbm.at[pl.ds(base + j * LANES, LANES)],
                         dst_b[b], isems[b])

    def wait_idx(b):
        pltpu.make_async_copy(dst_hbm.at[pl.ds(base, LANES)],
                              dst_b[b], isems[b]).wait()

    for b in range(_NBUF):
        fire_idx(b, b)
    pltpu.sync_copy(z_hbm, acc.at[pl.ds(s * RPT, RPT)])
    pltpu.sync_copy(ones_hbm, ones_v)
    plsc.subcore_barrier()

    def body(k, carry):
        j0 = k * _NBUF
        for b in range(_NBUF):
            wait_idx(b)
            pltpu.sync_copy(ones_v, acc.at[dst_b[b]], add=True)
            fire_idx(j0 + b + _NBUF, b)
        return carry

    n_main = (STEPS - 3) // _NBUF
    lax.fori_loop(0, n_main, body, 0, unroll=False)
    for j in range(n_main * _NBUF, STEPS):
        b = j % _NBUF
        wait_idx(b)
        pltpu.sync_copy(ones_v, acc.at[dst_b[b]], add=True)
        if j + _NBUF < STEPS:
            fire_idx(j + _NBUF, b)
    plsc.subcore_barrier()
    pltpu.sync_copy(acc.at[pl.ds(s * RPT, RPT)],
                    out_hbm.at[c].at[pl.ds(s * RPT, RPT)])


_sc_degree = functools.partial(
    pl.kernel, out_type=_DEG_OUT, mesh=_MESH,
    scratch_types=_DEG_SCRATCH)(_sc_degree_body)



_BLK = 1000


def _deg_spec():
    return pl.BlockSpec((NC, _BLK, D), lambda i: (0, i, 0))


def _s_spec():
    return pl.BlockSpec((NC, _BLK, D), lambda i: (0, i, 0))


def _dinv_block(degp_ref):
    deg = degp_ref[0, :, 0:1] + degp_ref[1, :, 0:1] + 1.0
    return lax.rsqrt(deg)


def _tc_g1_body(degp_ref, x_ref, w_ref, g_ref):
    dinv = _dinv_block(degp_ref)
    g_ref[...] = dinv * jnp.dot(x_ref[...], w_ref[...],
                                preferred_element_type=jnp.float32)


def _tc_g1(degp, x, W1):
    return pl.pallas_call(
        _tc_g1_body,
        grid=(N // _BLK,),
        in_specs=[
            _deg_spec(),
            pl.BlockSpec((_BLK, D), lambda i: (i, 0)),
            pl.BlockSpec((D, D), lambda i: (0, 0)),
        ],
        out_specs=pl.BlockSpec((_BLK, D), lambda i: (i, 0)),
        out_shape=jax.ShapeDtypeStruct((N, D), jnp.float32),
    )(degp, x, W1)


def _tc_g2_body(degp_ref, s_ref, g1_ref, b1_ref, w2_ref, g2_ref):
    dinv = _dinv_block(degp_ref)
    h1 = dinv * (s_ref[0] + s_ref[1] + g1_ref[...]) + b1_ref[...]
    h1 = jnp.maximum(h1, 0.0)
    g2_ref[...] = dinv * jnp.dot(h1, w2_ref[...],
                                 preferred_element_type=jnp.float32)


def _tc_g2(degp, S1, g1, b1r, W2):
    return pl.pallas_call(
        _tc_g2_body,
        grid=(N // _BLK,),
        in_specs=[
            _deg_spec(),
            _s_spec(),
            pl.BlockSpec((_BLK, D), lambda i: (i, 0)),
            pl.BlockSpec((1, D), lambda i: (0, 0)),
            pl.BlockSpec((D, D), lambda i: (0, 0)),
        ],
        out_specs=pl.BlockSpec((_BLK, D), lambda i: (i, 0)),
        out_shape=jax.ShapeDtypeStruct((N, D), jnp.float32),
    )(degp, S1, g1, b1r, W2)


def _tc_head_body(degp_ref, s_ref, g2_ref, b2_ref,
                  batch_ref, wm1_ref, bm1_ref, wm2_ref, bm2_ref, out_ref):
    dinv = _dinv_block(degp_ref)
    h2 = dinv * (s_ref[0] + s_ref[1] + g2_ref[...]) + b2_ref[...]
    gid = lax.broadcasted_iota(jnp.int32, (NG, N), 0).astype(jnp.float32)
    onehot = (batch_ref[...] == gid).astype(jnp.float32)
    sums = jnp.dot(onehot, h2, preferred_element_type=jnp.float32)
    counts = jnp.sum(onehot, axis=1, keepdims=True)
    pooled = sums / jnp.maximum(counts, 1.0)
    z = jnp.dot(pooled, wm1_ref[...], preferred_element_type=jnp.float32)
    z = jnp.maximum(z + bm1_ref[...], 0.0)
    out_ref[...] = (jnp.sum(z * wm2_ref[...], axis=1, keepdims=True)
                    + bm2_ref[...])


def _tc_head(degp, S2, g2, b2r, batchf, Wm1, bm1r, wm2r, bm2r):
    return pl.pallas_call(
        _tc_head_body,
        grid=(1,),
        in_specs=[
            pl.BlockSpec((NC, N, D), lambda i: (0, 0, 0)),
            pl.BlockSpec((NC, N, D), lambda i: (0, 0, 0)),
            pl.BlockSpec((N, D), lambda i: (0, 0)),
            pl.BlockSpec((1, D), lambda i: (0, 0)),
            pl.BlockSpec((1, N), lambda i: (0, 0)),
            pl.BlockSpec((D, 16), lambda i: (0, 0)),
            pl.BlockSpec((1, 16), lambda i: (0, 0)),
            pl.BlockSpec((1, 16), lambda i: (0, 0)),
            pl.BlockSpec((1, 1), lambda i: (0, 0)),
        ],
        out_specs=pl.BlockSpec((NG, 1), lambda i: (0, 0)),
        out_shape=jax.ShapeDtypeStruct((NG, 1), jnp.float32),
    )(degp, S2, g2, b2r, batchf, Wm1, bm1r, wm2r, bm2r)



def kernel(x, edge_index, batch, W1, b1, W2, b2, Wm1, bm1, Wm2, bm2):
    src = edge_index[0]
    dst = edge_index[1]
    pad = E_PAD - E
    it = jnp.arange(pad, dtype=jnp.int32)
    src_p = jnp.concatenate([src, it % N])
    dst_p = jnp.concatenate([dst, TRASH + (it % N_TRASH)])
    zeros_d = jnp.zeros((RPT, D), jnp.float32)
    ones_d = jnp.ones((LANES, D), jnp.float32)

    degp = _sc_degree(dst_p, ones_d, zeros_d)

    g1 = _tc_g1(degp, x, W1)
    S1 = _sc_scatter_rows(g1, src_p, dst_p, zeros_d)
    g2 = _tc_g2(degp, S1, g1, b1.reshape(1, D), W2)
    S2 = _sc_scatter_rows(g2, src_p, dst_p, zeros_d)
    out = _tc_head(degp, S2, g2,
                   b2.reshape(1, D),
                   batch.astype(jnp.float32).reshape(1, N),
                   Wm1, bm1.reshape(1, 16),
                   Wm2.reshape(1, 16), bm2.reshape(1, 1))
    return out.reshape(-1)

# --- scband reference (transcript-rebuilt; emitter-appended) ---
"""Pipeline reference for scband-gnn-67602785239526 (READ-ONLY COPY).

The authoritative reference and input builder live on the scoring server;
editing this copy changes nothing except your own understanding.
"""

import jax, jax.numpy as jnp
import numpy as np

N = 10000
E = 320000
D_IN = 128
D_H = 128
D_OUT = 128
N_GRAPHS = 64


def setup_inputs(seed: int = 0) -> dict:
    key = jax.random.key(seed)
    ks = jax.random.split(key, 12)
    x = jax.random.normal(ks[0], (N, D_IN), dtype=jnp.float32)
    edge_index = jax.random.randint(ks[1], (2, E), 0, N, dtype=jnp.int32)
    batch = jnp.sort(jax.random.randint(ks[2], (N,), 0, N_GRAPHS, dtype=jnp.int32))
    W1 = jax.random.normal(ks[3], (D_IN, D_H), dtype=jnp.float32) * 0.05
    b1 = jnp.zeros((D_H,), dtype=jnp.float32)
    W2 = jax.random.normal(ks[4], (D_H, D_OUT), dtype=jnp.float32) * 0.05
    b2 = jnp.zeros((D_OUT,), dtype=jnp.float32)
    Wm1 = jax.random.normal(ks[5], (D_OUT, 16), dtype=jnp.float32) * 0.05
    bm1 = jnp.zeros((16,), dtype=jnp.float32)
    Wm2 = jax.random.normal(ks[6], (16, 1), dtype=jnp.float32) * 0.05
    bm2 = jnp.zeros((1,), dtype=jnp.float32)
    return {"x": x, "edge_index": edge_index, "batch": batch,
            "W1": W1, "b1": b1, "W2": W2, "b2": b2,
            "Wm1": Wm1, "bm1": bm1, "Wm2": Wm2, "bm2": bm2}


def _gcn_conv(x, src, dst, W, b):
    # GCNConv with symmetric normalization and self-loops (self-loops already in src/dst)
    h = x @ W
    deg = jnp.zeros((N,), x.dtype).at[dst].add(1.0)
    dinv = jnp.where(deg > 0, jax.lax.rsqrt(jnp.maximum(deg, 1e-12)), 0.0)
    norm = dinv[src] * dinv[dst]
    msg = h[src] * norm[:, None]
    out = jnp.zeros((N, h.shape[1]), h.dtype).at[dst].add(msg)
    return out + b


def reference(x, edge_index, batch, W1, b1, W2, b2, Wm1, bm1, Wm2, bm2):
    loop = jnp.arange(N, dtype=edge_index.dtype)
    src = jnp.concatenate([edge_index[0], loop])
    dst = jnp.concatenate([edge_index[1], loop])
    h = jax.nn.relu(_gcn_conv(x, src, dst, W1, b1))
    h = _gcn_conv(h, src, dst, W2, b2)
    sums = jax.ops.segment_sum(h, batch, num_segments=N_GRAPHS)
    counts = jax.ops.segment_sum(jnp.ones((N,), h.dtype), batch, num_segments=N_GRAPHS)
    pooled = sums / jnp.maximum(counts, 1.0)[:, None]
    z = jax.nn.relu(pooled @ Wm1 + bm1)
    out = (z @ Wm2 + bm2).reshape(-1)
    return out

if __name__ == "__main__":
    import jax
    _d = setup_inputs()
    print(jax.jit(kernel)(*tuple(_d.values())))

</pallas_src>

<mosaic_0001>
#map = affine_map<(d0, d1) -> (0, 0)>
#map1 = affine_map<(d0, d1) -> (0)>
#map2 = affine_map<(d0, d1) -> (0, 0, 0)>
module attributes {stable_mosaic.version = 14 : i64} {
  func.func @_sc_scatter_rows_body(%arg0: i32, %arg1: i32, %arg2: memref<10000x128xf32, #tpu.memory_space<hbm>>, %arg3: memref<327680xi32, #tpu.memory_space<hbm>>, %arg4: memref<327680xi32, #tpu.memory_space<hbm>>, %arg5: memref<632x128xf32, #tpu.memory_space<hbm>>, %arg6: memref<2x10112x128xf32, #tpu.memory_space<hbm>>, %arg7: memref<128xi32, #tpu.memory_space<vmem>>, %arg8: memref<128xi32, #tpu.memory_space<vmem>>, %arg9: memref<128xi32, #tpu.memory_space<vmem>>, %arg10: memref<128xi32, #tpu.memory_space<vmem>>, %arg11: memref<128xi32, #tpu.memory_space<vmem>>, %arg12: memref<128xi32, #tpu.memory_space<vmem>>, %arg13: memref<128x128xf32, #tpu.memory_space<vmem>>, %arg14: memref<128x128xf32, #tpu.memory_space<vmem>>, %arg15: memref<128x128xf32, #tpu.memory_space<vmem>>, %arg16: memref<10112x128xf32, #tpu.memory_space<vmem_shared>>, %arg17: memref<!tpu.dma_semaphore, #tpu.memory_space<semaphore_mem>>, %arg18: memref<!tpu.dma_semaphore, #tpu.memory_space<semaphore_mem>>, %arg19: memref<!tpu.dma_semaphore, #tpu.memory_space<semaphore_mem>>, %arg20: memref<!tpu.dma_semaphore, #tpu.memory_space<semaphore_mem>>, %arg21: memref<!tpu.dma_semaphore, #tpu.memory_space<semaphore_mem>>, %arg22: memref<!tpu.dma_semaphore, #tpu.memory_space<semaphore_mem>>) attributes {dimension_semantics = [#tpu.dimension_semantics<core_parallel>, #tpu.dimension_semantics<subcore_parallel>], iteration_bounds = array<i64: 2, 16>, scalar_prefetch = 0 : i64, scratch_operands = 16 : i64, tpu.core_type = #tpu.core_type<sc_vector_subcore>, window_params = [{transform_indices = #map}, {transform_indices = #map1}, {transform_indices = #map1}, {transform_indices = #map}, {transform_indices = #map2}]} {
    %mul3A = arith.constant 2 : i32
    %mul3A_0 = arith.muli %arg1, %mul3A : i32
    %add3A = arith.addi %mul3A_0, %arg0 : i32
    %mul3A_1 = arith.constant 10240 : i32
    %mul3A_2 = arith.muli %add3A, %mul3A_1 : i32
    %add3A_3 = arith.constant 0 : i32
    %add3A_4 = arith.addi %mul3A_2, %add3A_3 : i32
    %dma_start3A = tpu.memref_slice %arg3[%add3A_4] : memref<327680xi32, #tpu.memory_space<hbm>> -> memref<128xi32, #tpu.memory_space<hbm>>
    %dma_start3A_5 = tpu.memref_slice %arg3[%add3A_4] : memref<327680xi32, #tpu.memory_space<hbm>> -> memref<128xi32, #tpu.memory_space<hbm>>
    tpu.enqueue_dma source(%dma_start3A_5 : memref<128xi32, #tpu.memory_space<hbm>>) target(%arg7 : memref<128xi32, #tpu.memory_space<vmem>>) target_semaphore(%arg17 : memref<!tpu.dma_semaphore, #tpu.memory_space<semaphore_mem>>)
    %add3A_6 = arith.constant 0 : i32
    %add3A_7 = arith.addi %mul3A_2, %add3A_6 : i32
    %dma_start3A_8 = tpu.memref_slice %arg4[%add3A_7] : memref<327680xi32, #tpu.memory_space<hbm>> -> memref<128xi32, #tpu.memory_space<hbm>>
    %dma_start3A_9 = tpu.memref_slice %arg4[%add3A_7] : memref<327680xi32, #tpu.memory_space<hbm>> -> memref<128xi32, #tpu.memory_space<hbm>>
    tpu.enqueue_dma source(%dma_start3A_9 : memref<128xi32, #tpu.memory_space<hbm>>) target(%arg10 : memref<128xi32, #tpu.memory_space<vmem>>) target_semaphore(%arg17 : memref<!tpu.dma_semaphore, #tpu.memory_space<semaphore_mem>>)
    %add3A_10 = arith.constant 128 : i32
    %add3A_11 = arith.addi %mul3A_2, %add3A_10 : i32
    %dma_start3A_12 = tpu.memref_slice %arg3[%add3A_11] : memref<327680xi32, #tpu.memory_space<hbm>> -> memref<128xi32, #tpu.memory_space<hbm>>
    %dma_start3A_13 = tpu.memref_slice %arg3[%add3A_11] : memref<327680xi32, #tpu.memory_space<hbm>> -> memref<128xi32, #tpu.memory_space<hbm>>
    tpu.enqueue_dma source(%dma_start3A_13 : memref<128xi32, #tpu.memory_space<hbm>>) target(%arg8 : memref<128xi32, #tpu.memory_space<vmem>>) target_semaphore(%arg18 : memref<!tpu.dma_semaphore, #tpu.memory_space<semaphore_mem>>)
    %add3A_14 = arith.constant 128 : i32
    %add3A_15 = arith.addi %mul3A_2, %add3A_14 : i32
    %dma_start3A_16 = tpu.memref_slice %arg4[%add3A_15] : memref<327680xi32, #tpu.memory_space<hbm>> -> memref<128xi32, #tpu.memory_space<hbm>>
    %dma_start3A_17 = tpu.memref_slice %arg4[%add3A_15] : memref<327680xi32, #tpu.memory_space<hbm>> -> memref<128xi32, #tpu.memory_space<hbm>>
    tpu.enqueue_dma source(%dma_start3A_17 : memref<128xi32, #tpu.memory_space<hbm>>) target(%arg11 : memref<128xi32, #tpu.memory_space<vmem>>) target_semaphore(%arg18 : memref<!tpu.dma_semaphore, #tpu.memory_space<semaphore_mem>>)
    %add3A_18 = arith.constant 256 : i32
    %add3A_19 = arith.addi %mul3A_2, %add3A_18 : i32
    %dma_start3A_20 = tpu.memref_slice %arg3[%add3A_19] : memref<327680xi32, #tpu.memory_space<hbm>> -> memref<128xi32, #tpu.memory_space<hbm>>
    %dma_start3A_21 = tpu.memref_slice %arg3[%add3A_19] : memref<327680xi32, #tpu.memory_space<hbm>> -> memref<128xi32, #tpu.memory_space<hbm>>
    tpu.enqueue_dma source(%dma_start3A_21 : memref<128xi32, #tpu.memory_space<hbm>>) target(%arg9 : memref<128xi32, #tpu.memory_space<vmem>>) target_semaphore(%arg19 : memref<!tpu.dma_semaphore, #tpu.memory_space<semaphore_mem>>)
    %add3A_22 = arith.constant 256 : i32
    %add3A_23 = arith.addi %mul3A_2, %add3A_22 : i32
    %dma_start3A_24 = tpu.memref_slice %arg4[%add3A_23] : memref<327680xi32, #tpu.memory_space<hbm>> -> memref<128xi32, #tpu.memory_space<hbm>>
    %dma_start3A_25 = tpu.memref_slice %arg4[%add3A_23] : memref<327680xi32, #tpu.memory_space<hbm>> -> memref<128xi32, #tpu.memory_space<hbm>>
    tpu.enqueue_dma source(%dma_start3A_25 : memref<128xi32, #tpu.memory_space<hbm>>) target(%arg12 : memref<128xi32, #tpu.memory_space<vmem>>) target_semaphore(%arg19 : memref<!tpu.dma_semaphore, #tpu.memory_space<semaphore_mem>>)
    %mul3A_26 = arith.constant 632 : i32
    %mul3A_27 = arith.muli %arg1, %mul3A_26 : i32
    "tpu.region"() ({
      %run_scoped3A = tpu.sem_alloc : memref<!tpu.dma_semaphore, #tpu.memory_space<semaphore_mem>>
      %dma_start3A_103 = arith.constant 0 : i32
      %dma_start3A_104 = tpu.memref_slice %arg16[%mul3A_27, %dma_start3A_103] : memref<10112x128xf32, #tpu.memory_space<vmem_shared>> -> memref<632x128xf32, #tpu.memory_space<vmem_shared>>
      tpu.enqueue_dma source(%arg5 : memref<632x128xf32, #tpu.memory_space<hbm>>) target(%dma_start3A_104 : memref<632x128xf32, #tpu.memory_space<vmem_shared>>) target_semaphore(%run_scoped3A : memref<!tpu.dma_semaphore, #tpu.memory_space<semaphore_mem>>)
      %dma_wait3A_105 = arith.constant 0 : i32
      %dma_wait3A_106 = tpu.memref_slice %arg16[%mul3A_27, %dma_wait3A_105] : memref<10112x128xf32, #tpu.memory_space<vmem_shared>> -> memref<632x128xf32, #tpu.memory_space<vmem_shared>>
      tpu.wait_dma2 semaphore(%run_scoped3A : memref<!tpu.dma_semaphore, #tpu.memory_space<semaphore_mem>>) src(%arg5 : memref<632x128xf32, #tpu.memory_space<hbm>>) dst(%dma_wait3A_106 : memref<632x128xf32, #tpu.memory_space<vmem_shared>>)
      tpu.yield
    }) : () -> ()
    %dma_wait3A = tpu.memref_slice %arg3[%mul3A_2] : memref<327680xi32, #tpu.memory_space<hbm>> -> memref<128xi32, #tpu.memory_space<hbm>>
    %dma_wait3A_28 = tpu.memref_slice %arg3[%mul3A_2] : memref<327680xi32, #tpu.memory_space<hbm>> -> memref<128xi32, #tpu.memory_space<hbm>>
    tpu.wait_dma2 semaphore(%arg17 : memref<!tpu.dma_semaphore, #tpu.memory_space<semaphore_mem>>) src(%dma_wait3A_28 : memref<128xi32, #tpu.memory_space<hbm>>) dst(%arg7 : memref<128xi32, #tpu.memory_space<vmem>>)
    %dma_wait3A_29 = tpu.memref_slice %arg4[%mul3A_2] : memref<327680xi32, #tpu.memory_space<hbm>> -> memref<128xi32, #tpu.memory_space<hbm>>
    %dma_wait3A_30 = tpu.memref_slice %arg4[%mul3A_2] : memref<327680xi32, #tpu.memory_space<hbm>> -> memref<128xi32, #tpu.memory_space<hbm>>
    tpu.wait_dma2 semaphore(%arg17 : memref<!tpu.dma_semaphore, #tpu.memory_space<semaphore_mem>>) src(%dma_wait3A_30 : memref<128xi32, #tpu.memory_space<hbm>>) dst(%arg10 : memref<128xi32, #tpu.memory_space<vmem>>)
    %dma_start3A_31 = arith.constant 0 : i32
    %dma_start3A_32 = arith.constant 0 : i32
    %dma_start3A_33 = tpu.memref_slice %arg2[%dma_start3A_31, %dma_start3A_32] : memref<10000x128xf32, #tpu.memory_space<hbm>> -> memref<10000x128xf32, #tpu.memory_space<hbm>>
    tpu.enqueue_indirect_dma source(%dma_start3A_33 : memref<10000x128xf32, #tpu.memory_space<hbm>>) target(%arg13 : memref<128x128xf32, #tpu.memory_space<vmem>>) offsets(%arg7 : memref<128xi32, #tpu.memory_space<vmem>>) semaphore(%arg20 : memref<!tpu.dma_semaphore, #tpu.memory_space<semaphore_mem>>)
    %dma_wait3A_34 = tpu.memref_slice %arg3[%mul3A_2] : memref<327680xi32, #tpu.memory_space<hbm>> -> memref<128xi32, #tpu.memory_space<hbm>>
    %dma_wait3A_35 = tpu.memref_slice %arg3[%mul3A_2] : memref<327680xi32, #tpu.memory_space<hbm>> -> memref<128xi32, #tpu.memory_space<hbm>>
    tpu.wait_dma2 semaphore(%arg18 : memref<!tpu.dma_semaphore, #tpu.memory_space<semaphore_mem>>) src(%dma_wait3A_35 : memref<128xi32, #tpu.memory_space<hbm>>) dst(%arg8 : memref<128xi32, #tpu.memory_space<vmem>>)
    %dma_wait3A_36 = tpu.memref_slice %arg4[%mul3A_2] : memref<327680xi32, #tpu.memory_space<hbm>> -> memref<128xi32, #tpu.memory_space<hbm>>
    %dma_wait3A_37 = tpu.memref_slice %arg4[%mul3A_2] : memref<327680xi32, #tpu.memory_space<hbm>> -> memref<128xi32, #tpu.memory_space<hbm>>
    tpu.wait_dma2 semaphore(%arg18 : memref<!tpu.dma_semaphore, #tpu.memory_space<semaphore_mem>>) src(%dma_wait3A_37 : memref<128xi32, #tpu.memory_space<hbm>>) dst(%arg11 : memref<128xi32, #tpu.memory_space<vmem>>)
    %dma_start3A_38 = arith.constant 0 : i32
    %dma_start3A_39 = arith.constant 0 : i32
    %dma_start3A_40 = tpu.memref_slice %arg2[%dma_start3A_38, %dma_start3A_39] : memref<10000x128xf32, #tpu.memory_space<hbm>> -> memref<10000x128xf32, #tpu.memory_space<hbm>>
    tpu.enqueue_indirect_dma source(%dma_start3A_40 : memref<10000x128xf32, #tpu.memory_space<hbm>>) target(%arg14 : memref<128x128xf32, #tpu.memory_space<vmem>>) offsets(%arg8 : memref<128xi32, #tpu.memory_space<vmem>>) semaphore(%arg21 : memref<!tpu.dma_semaphore, #tpu.memory_space<semaphore_mem>>)
    %barrier3A = arith.constant 0 : index
    tpu.barrier barrier_id(%barrier3A)
    %scan3A = arith.constant 0 : i32
    %scan3A_41 = arith.constant 0 : i32
    %scan3A_42 = arith.constant 25 : i32
    %scan3A_43 = arith.addi %scan3A_41, %scan3A_42 : i32
    %scan3A_44 = arith.constant 1 : i32
    scf.for %scan3A_103 = %scan3A_41 to %scan3A_43 step %scan3A_44  : i32 {
      %mul3A_104 = arith.constant 3 : i32
      %mul3A_105 = arith.muli %scan3A_103, %mul3A_104 : i32
      %add3A_106 = arith.constant 0 : i32
      %add3A_107 = arith.addi %mul3A_105, %add3A_106 : i32
      %dma_wait3A_108 = tpu.memref_slice %arg3[%mul3A_2] : memref<327680xi32, #tpu.memory_space<hbm>> -> memref<128xi32, #tpu.memory_space<hbm>>
      %dma_wait3A_109 = tpu.memref_slice %arg3[%mul3A_2] : memref<327680xi32, #tpu.memory_space<hbm>> -> memref<128xi32, #tpu.memory_space<hbm>>
      tpu.wait_dma2 semaphore(%arg19 : memref<!tpu.dma_semaphore, #tpu.memory_space<semaphore_mem>>) src(%dma_wait3A_109 : memref<128xi32, #tpu.memory_space<hbm>>) dst(%arg9 : memref<128xi32, #tpu.memory_space<vmem>>)
      %dma_wait3A_110 = tpu.memref_slice %arg4[%mul3A_2] : memref<327680xi32, #tpu.memory_space<hbm>> -> memref<128xi32, #tpu.memory_space<hbm>>
      %dma_wait3A_111 = tpu.memref_slice %arg4[%mul3A_2] : memref<327680xi32, #tpu.memory_space<hbm>> -> memref<128xi32, #tpu.memory_space<hbm>>
      tpu.wait_dma2 semaphore(%arg19 : memref<!tpu.dma_semaphore, #tpu.memory_space<semaphore_mem>>) src(%dma_wait3A_111 : memref<128xi32, #tpu.memory_space<hbm>>) dst(%arg12 : memref<128xi32, #tpu.memory_space<vmem>>)
      %dma_start3A_112 = arith.constant 0 : i32
      %dma_start3A_113 = arith.constant 0 : i32
      %dma_start3A_114 = tpu.memref_slice %arg2[%dma_start3A_112, %dma_start3A_113] : memref<10000x128xf32, #tpu.memory_space<hbm>> -> memref<10000x128xf32, #tpu.memory_space<hbm>>
      tpu.enqueue_indirect_dma source(%dma_start3A_114 : memref<10000x128xf32, #tpu.memory_space<hbm>>) target(%arg15 : memref<128x128xf32, #tpu.memory_space<vmem>>) offsets(%arg9 : memref<128xi32, #tpu.memory_space<vmem>>) semaphore(%arg22 : memref<!tpu.dma_semaphore, #tpu.memory_space<semaphore_mem>>)
      %dma_wait3A_115 = arith.constant 0 : i32
      %dma_wait3A_116 = arith.constant 0 : i32
      %dma_wait3A_117 = tpu.memref_slice %arg2[%dma_wait3A_115, %dma_wait3A_116] : memref<10000x128xf32, #tpu.memory_space<hbm>> -> memref<10000x128xf32, #tpu.memory_space<hbm>>
      tpu.wait_indirect_dma semaphore(%arg20 : memref<!tpu.dma_semaphore, #tpu.memory_space<semaphore_mem>>) src(%dma_wait3A_117 : memref<10000x128xf32, #tpu.memory_space<hbm>>) dst(%arg13 : memref<128x128xf32, #tpu.memory_space<vmem>>)
      "tpu.region"() ({
        %run_scoped3A = tpu.sem_alloc : memref<!tpu.dma_semaphore, #tpu.memory_space<semaphore_mem>>
        %dma_start3A_178 = arith.constant 0 : i32
        %dma_start3A_179 = arith.constant 0 : i32
        %dma_start3A_180 = tpu.memref_slice %arg16[%dma_start3A_178, %dma_start3A_179] : memref<10112x128xf32, #tpu.memory_space<vmem_shared>> -> memref<10112x128xf32, #tpu.memory_space<vmem_shared>>
        tpu.enqueue_indirect_dma source(%arg13 : memref<128x128xf32, #tpu.memory_space<vmem>>) target(%dma_start3A_180 : memref<10112x128xf32, #tpu.memory_space<vmem_shared>>) offsets(%arg10 : memref<128xi32, #tpu.memory_space<vmem>>) semaphore(%run_scoped3A : memref<!tpu.dma_semaphore, #tpu.memory_space<semaphore_mem>>) {add = true}
        %dma_wait3A_181 = arith.constant 0 : i32
        %dma_wait3A_182 = arith.constant 0 : i32
        %dma_wait3A_183 = tpu.memref_slice %arg16[%dma_wait3A_181, %dma_wait3A_182] : memref<10112x128xf32, #tpu.memory_space<vmem_shared>> -> memref<10112x128xf32, #tpu.memory_space<vmem_shared>>
        tpu.wait_indirect_dma semaphore(%run_scoped3A : memref<!tpu.dma_semaphore, #tpu.memory_space<semaphore_mem>>) src(%arg13 : memref<128x128xf32, #tpu.memory_space<vmem>>) dst(%dma_wait3A_183 : memref<10112x128xf32, #tpu.memory_space<vmem_shared>>)
        tpu.yield
      }) : () -> ()
      %add3A_118 = arith.constant 3 : i32
      %add3A_119 = arith.addi %add3A_107, %add3A_118 : i32
      %mul3A_120 = arith.constant 128 : i32
      %mul3A_121 = arith.muli %add3A_119, %mul3A_120 : i32
      %add3A_122 = arith.addi %mul3A_2, %mul3A_121 : i32
      %dma_start3A_123 = tpu.memref_slice %arg3[%add3A_122] : memref<327680xi32, #tpu.memory_space<hbm>> -> memref<128xi32, #tpu.memory_space<hbm>>
      %dma_start3A_124 = tpu.memref_slice %arg3[%add3A_122] : memref<327680xi32, #tpu.memory_space<hbm>> -> memref<128xi32, #tpu.memory_space<hbm>>
      tpu.enqueue_dma source(%dma_start3A_124 : memref<128xi32, #tpu.memory_space<hbm>>) target(%arg7 : memref<128xi32, #tpu.memory_space<vmem>>) target_semaphore(%arg17 : memref<!tpu.dma_semaphore, #tpu.memory_space<semaphore_mem>>)
      %mul3A_125 = arith.constant 128 : i32
      %mul3A_126 = arith.muli %add3A_119, %mul3A_125 : i32
      %add3A_127 = arith.addi %mul3A_2, %mul3A_126 : i32
      %dma_start3A_128 = tpu.memref_slice %arg4[%add3A_127] : memref<327680xi32, #tpu.memory_space<hbm>> -> memref<128xi32, #tpu.memory_space<hbm>>
      %dma_start3A_129 = tpu.memref_slice %arg4[%add3A_127] : memref<327680xi32, #tpu.memory_space<hbm>> -> memref<128xi32, #tpu.memory_space<hbm>>
      tpu.enqueue_dma source(%dma_start3A_129 : memref<128xi32, #tpu.memory_space<hbm>>) target(%arg10 : memref<128xi32, #tpu.memory_space<vmem>>) target_semaphore(%arg17 : memref<!tpu.dma_semaphore, #tpu.memory_space<semaphore_mem>>)
      %add3A_130 = arith.constant 1 : i32
      %add3A_131 = arith.addi %mul3A_105, %add3A_130 : i32
      %dma_wait3A_132 = tpu.memref_slice %arg3[%mul3A_2] : memref<327680xi32, #tpu.memory_space<hbm>> -> memref<128xi32, #tpu.memory_space<hbm>>
      %dma_wait3A_133 = tpu.memref_slice %arg3[%mul3A_2] : memref<327680xi32, #tpu.memory_space<hbm>> -> memref<128xi32, #tpu.memory_space<hbm>>
      tpu.wait_dma2 semaphore(%arg17 : memref<!tpu.dma_semaphore, #tpu.memory_space<semaphore_mem>>) src(%dma_wait3A_133 : memref<128xi32, #tpu.memory_space<hbm>>) dst(%arg7 : memref<128xi32, #tpu.memory_space<vmem>>)
      %dma_wait3A_134 = tpu.memref_slice %arg4[%mul3A_2] : memref<327680xi32, #tpu.memory_space<hbm>> -> memref<128xi32, #tpu.memory_space<hbm>>
      %dma_wait3A_135 = tpu.memref_slice %arg4[%mul3A_2] : memref<327680xi32, #tpu.memory_space<hbm>> -> memref<128xi32, #tpu.memory_space<hbm>>
      tpu.wait_dma2 semaphore(%arg17 : memref<!tpu.dma_semaphore, #tpu.memory_space<semaphore_mem>>) src(%dma_wait3A_135 : memref<128xi32, #tpu.memory_space<hbm>>) dst(%arg10 : memref<128xi32, #tpu.memory_space<vmem>>)
      %dma_start3A_136 = arith.constant 0 : i32
      %dma_start3A_137 = arith.constant 0 : i32
      %dma_start3A_138 = tpu.memref_slice %arg2[%dma_start3A_136, %dma_start3A_137] : memref<10000x128xf32, #tpu.memory_space<hbm>> -> memref<10000x128xf32, #tpu.memory_space<hbm>>
      tpu.enqueue_indirect_dma source(%dma_start3A_138 : memref<10000x128xf32, #tpu.memory_space<hbm>>) target(%arg13 : memref<128x128xf32, #tpu.memory_space<vmem>>) offsets(%arg7 : memref<128xi32, #tpu.memory_space<vmem>>) semaphore(%arg20 : memref<!tpu.dma_semaphore, #tpu.memory_space<semaphore_mem>>)
      %dma_wait3A_139 = arith.constant 0 : i32
      %dma_wait3A_140 = arith.constant 0 : i32
      %dma_wait3A_141 = tpu.memref_slice %arg2[%dma_wait3A_139, %dma_wait3A_140] : memref<10000x128xf32, #tpu.memory_space<hbm>> -> memref<10000x128xf32, #tpu.memory_space<hbm>>
      tpu.wait_indirect_dma semaphore(%arg21 : memref<!tpu.dma_semaphore, #tpu.memory_space<semaphore_mem>>) src(%dma_wait3A_141 : memref<10000x128xf32, #tpu.memory_space<hbm>>) dst(%arg14 : memref<128x128xf32, #tpu.memory_space<vmem>>)
      "tpu.region"() ({
        %run_scoped3A = tpu.sem_alloc : memref<!tpu.dma_semaphore, #tpu.memory_space<semaphore_mem>>
        %dma_start3A_178 = arith.constant 0 : i32
        %dma_start3A_179 = arith.constant 0 : i32
        %dma_start3A_180 = tpu.memref_slice %arg16[%dma_start3A_178, %dma_start3A_179] : memref<10112x128xf32, #tpu.memory_space<vmem_shared>> -> memref<10112x128xf32, #tpu.memory_space<vmem_shared>>
        tpu.enqueue_indirect_dma source(%arg14 : memref<128x128xf32, #tpu.memory_space<vmem>>) target(%dma_start3A_180 : memref<10112x128xf32, #tpu.memory_space<vmem_shared>>) offsets(%arg11 : memref<128xi32, #tpu.memory_space<vmem>>) semaphore(%run_scoped3A : memref<!tpu.dma_semaphore, #tpu.memory_space<semaphore_mem>>) {add = true}
        %dma_wait3A_181 = arith.constant 0 : i32
        %dma_wait3A_182 = arith.constant 0 : i32
        %dma_wait3A_183 = tpu.memref_slice %arg16[%dma_wait3A_181, %dma_wait3A_182] : memref<10112x128xf32, #tpu.memory_space<vmem_shared>> -> memref<10112x128xf32, #tpu.memory_space<vmem_shared>>
        tpu.wait_indirect_dma semaphore(%run_scoped3A : memref<!tpu.dma_semaphore, #tpu.memory_space<semaphore_mem>>) src(%arg14 : memref<128x128xf32, #tpu.memory_space<vmem>>) dst(%dma_wait3A_183 : memref<10112x128xf32, #tpu.memory_space<vmem_shared>>)
        tpu.yield
      }) : () -> ()
      %add3A_142 = arith.constant 3 : i32
      %add3A_143 = arith.addi %add3A_131, %add3A_142 : i32
      %mul3A_144 = arith.constant 128 : i32
      %mul3A_145 = arith.muli %add3A_143, %mul3A_144 : i32
      %add3A_146 = arith.addi %mul3A_2, %mul3A_145 : i32
      %dma_start3A_147 = tpu.memref_slice %arg3[%add3A_146] : memref<327680xi32, #tpu.memory_space<hbm>> -> memref<128xi32, #tpu.memory_space<hbm>>
      %dma_start3A_148 = tpu.memref_slice %arg3[%add3A_146] : memref<327680xi32, #tpu.memory_space<hbm>> -> memref<128xi32, #tpu.memory_space<hbm>>
      tpu.enqueue_dma source(%dma_start3A_148 : memref<128xi32, #tpu.memory_space<hbm>>) target(%arg8 : memref<128xi32, #tpu.memory_space<vmem>>) target_semaphore(%arg18 : memref<!tpu.dma_semaphore, #tpu.memory_space<semaphore_mem>>)
      %mul3A_149 = arith.constant 128 : i32
      %mul3A_150 = arith.muli %add3A_143, %mul3A_149 : i32
      %add3A_151 = arith.addi %mul3A_2, %mul3A_150 : i32
      %dma_start3A_152 = tpu.memref_slice %arg4[%add3A_151] : memref<327680xi32, #tpu.memory_space<hbm>> -> memref<128xi32, #tpu.memory_space<hbm>>
      %dma_start3A_153 = tpu.memref_slice %arg4[%add3A_151] : memref<327680xi32, #tpu.memory_space<hbm>> -> memref<128xi32, #tpu.memory_space<hbm>>
      tpu.enqueue_dma source(%dma_start3A_153 : memref<128xi32, #tpu.memory_space<hbm>>) target(%arg11 : memref<128xi32, #tpu.memory_space<vmem>>) target_semaphore(%arg18 : memref<!tpu.dma_semaphore, #tpu.memory_space<semaphore_mem>>)
      %add3A_154 = arith.constant 2 : i32
      %add3A_155 = arith.addi %mul3A_105, %add3A_154 : i32
      %dma_wait3A_156 = tpu.memref_slice %arg3[%mul3A_2] : memref<327680xi32, #tpu.memory_space<hbm>> -> memref<128xi32, #tpu.memory_space<hbm>>
      %dma_wait3A_157 = tpu.memref_slice %arg3[%mul3A_2] : memref<327680xi32, #tpu.memory_space<hbm>> -> memref<128xi32, #tpu.memory_space<hbm>>
      tpu.wait_dma2 semaphore(%arg18 : memref<!tpu.dma_semaphore, #tpu.memory_space<semaphore_mem>>) src(%dma_wait3A_157 : memref<128xi32, #tpu.memory_space<hbm>>) dst(%arg8 : memref<128xi32, #tpu.memory_space<vmem>>)
      %dma_wait3A_158 = tpu.memref_slice %arg4[%mul3A_2] : memref<327680xi32, #tpu.memory_space<hbm>> -> memref<128xi32, #tpu.memory_space<hbm>>
      %dma_wait3A_159 = tpu.memref_slice %arg4[%mul3A_2] : memref<327680xi32, #tpu.memory_space<hbm>> -> memref<128xi32, #tpu.memory_space<hbm>>
      tpu.wait_dma2 semaphore(%arg18 : memref<!tpu.dma_semaphore, #tpu.memory_space<semaphore_mem>>) src(%dma_wait3A_159 : memref<128xi32, #tpu.memory_space<hbm>>) dst(%arg11 : memref<128xi32, #tpu.memory_space<vmem>>)
      %dma_start3A_160 = arith.constant 0 : i32
      %dma_start3A_161 = arith.constant 0 : i32
      %dma_start3A_162 = tpu.memref_slice %arg2[%dma_start3A_160, %dma_start3A_161] : memref<10000x128xf32, #tpu.memory_space<hbm>> -> memref<10000x128xf32, #tpu.memory_space<hbm>>
      tpu.enqueue_indirect_dma source(%dma_start3A_162 : memref<10000x128xf32, #tpu.memory_space<hbm>>) target(%arg14 : memref<128x128xf32, #tpu.memory_space<vmem>>) offsets(%arg8 : memref<128xi32, #tpu.memory_space<vmem>>) semaphore(%arg21 : memref<!tpu.dma_semaphore, #tpu.memory_space<semaphore_mem>>)
      %dma_wait3A_163 = arith.constant 0 : i32
      %dma_wait3A_164 = arith.constant 0 : i32
      %dma_wait3A_165 = tpu.memref_slice %arg2[%dma_wait3A_163, %dma_wait3A_164] : memref<10000x128xf32, #tpu.memory_space<hbm>> -> memref<10000x128xf32, #tpu.memory_space<hbm>>
      tpu.wait_indirect_dma semaphore(%arg22 : memref<!tpu.dma_semaphore, #tpu.memory_space<semaphore_mem>>) src(%dma_wait3A_165 : memref<10000x128xf32, #tpu.memory_space<hbm>>) dst(%arg15 : memref<128x128xf32, #tpu.memory_space<vmem>>)
      "tpu.region"() ({
        %run_scoped3A = tpu.sem_alloc : memref<!tpu.dma_semaphore, #tpu.memory_space<semaphore_mem>>
        %dma_start3A_178 = arith.constant 0 : i32
        %dma_start3A_179 = arith.constant 0 : i32
        %dma_start3A_180 = tpu.memref_slice %arg16[%dma_start3A_178, %dma_start3A_179] : memref<10112x128xf32, #tpu.memory_space<vmem_shared>> -> memref<10112x128xf32, #tpu.memory_space<vmem_shared>>
        tpu.enqueue_indirect_dma source(%arg15 : memref<128x128xf32, #tpu.memory_space<vmem>>) target(%dma_start3A_180 : memref<10112x128xf32, #tpu.memory_space<vmem_shared>>) offsets(%arg12 : memref<128xi32, #tpu.memory_space<vmem>>) semaphore(%run_scoped3A : memref<!tpu.dma_semaphore, #tpu.memory_space<semaphore_mem>>) {add = true}
        %dma_wait3A_181 = arith.constant 0 : i32
        %dma_wait3A_182 = arith.constant 0 : i32
        %dma_wait3A_183 = tpu.memref_slice %arg16[%dma_wait3A_181, %dma_wait3A_182] : memref<10112x128xf32, #tpu.memory_space<vmem_shared>> -> memref<10112x128xf32, #tpu.memory_space<vmem_shared>>
        tpu.wait_indirect_dma semaphore(%run_scoped3A : memref<!tpu.dma_semaphore, #tpu.memory_space<semaphore_mem>>) src(%arg15 : memref<128x128xf32, #tpu.memory_space<vmem>>) dst(%dma_wait3A_183 : memref<10112x128xf32, #tpu.memory_space<vmem_shared>>)
        tpu.yield
      }) : () -> ()
      %add3A_166 = arith.constant 3 : i32
      %add3A_167 = arith.addi %add3A_155, %add3A_166 : i32
      %mul3A_168 = arith.constant 128 : i32
      %mul3A_169 = arith.muli %add3A_167, %mul3A_168 : i32
      %add3A_170 = arith.addi %mul3A_2, %mul3A_169 : i32
      %dma_start3A_171 = tpu.memref_slice %arg3[%add3A_170] : memref<327680xi32, #tpu.memory_space<hbm>> -> memref<128xi32, #tpu.memory_space<hbm>>
      %dma_start3A_172 = tpu.memref_slice %arg3[%add3A_170] : memref<327680xi32, #tpu.memory_space<hbm>> -> memref<128xi32, #tpu.memory_space<hbm>>
      tpu.enqueue_dma source(%dma_start3A_172 : memref<128xi32, #tpu.memory_space<hbm>>) target(%arg9 : memref<128xi32, #tpu.memory_space<vmem>>) target_semaphore(%arg19 : memref<!tpu.dma_semaphore, #tpu.memory_space<semaphore_mem>>)
      %mul3A_173 = arith.constant 128 : i32
      %mul3A_174 = arith.muli %add3A_167, %mul3A_173 : i32
      %add3A_175 = arith.addi %mul3A_2, %mul3A_174 : i32
      %dma_start3A_176 = tpu.memref_slice %arg4[%add3A_175] : memref<327680xi32, #tpu.memory_space<hbm>> -> memref<128xi32, #tpu.memory_space<hbm>>
      %dma_start3A_177 = tpu.memref_slice %arg4[%add3A_175] : memref<327680xi32, #tpu.memory_space<hbm>> -> memref<128xi32, #tpu.memory_space<hbm>>
      tpu.enqueue_dma source(%dma_start3A_177 : memref<128xi32, #tpu.memory_space<hbm>>) target(%arg12 : memref<128xi32, #tpu.memory_space<vmem>>) target_semaphore(%arg19 : memref<!tpu.dma_semaphore, #tpu.memory_space<semaphore_mem>>)
    }
    %scan3A_45 = arith.constant 25 : i32
    %dma_wait3A_46 = tpu.memref_slice %arg3[%mul3A_2] : memref<327680xi32, #tpu.memory_space<hbm>> -> memref<128xi32, #tpu.memory_space<hbm>>
    %dma_wait3A_47 = tpu.memref_slice %arg3[%mul3A_2] : memref<327680xi32, #tpu.memory_space<hbm>> -> memref<128xi32, #tpu.memory_space<hbm>>
    tpu.wait_dma2 semaphore(%arg19 : memref<!tpu.dma_semaphore, #tpu.memory_space<semaphore_mem>>) src(%dma_wait3A_47 : memref<128xi32, #tpu.memory_space<hbm>>) dst(%arg9 : memref<128xi32, #tpu.memory_space<vmem>>)
    %dma_wait3A_48 = tpu.memref_slice %arg4[%mul3A_2] : memref<327680xi32, #tpu.memory_space<hbm>> -> memref<128xi32, #tpu.memory_space<hbm>>
    %dma_wait3A_49 = tpu.memref_slice %arg4[%mul3A_2] : memref<327680xi32, #tpu.memory_space<hbm>> -> memref<128xi32, #tpu.memory_space<hbm>>
    tpu.wait_dma2 semaphore(%arg19 : memref<!tpu.dma_semaphore, #tpu.memory_space<semaphore_mem>>) src(%dma_wait3A_49 : memref<128xi32, #tpu.memory_space<hbm>>) dst(%arg12 : memref<128xi32, #tpu.memory_space<vmem>>)
    %dma_start3A_50 = arith.constant 0 : i32
    %dma_start3A_51 = arith.constant 0 : i32
    %dma_start3A_52 = tpu.memref_slice %arg2[%dma_start3A_50, %dma_start3A_51] : memref<10000x128xf32, #tpu.memory_space<hbm>> -> memref<10000x128xf32, #tpu.memory_space<hbm>>
    tpu.enqueue_indirect_dma source(%dma_start3A_52 : memref<10000x128xf32, #tpu.memory_space<hbm>>) target(%arg15 : memref<128x128xf32, #tpu.memory_space<vmem>>) offsets(%arg9 : memref<128xi32, #tpu.memory_space<vmem>>) semaphore(%arg22 : memref<!tpu.dma_semaphore, #tpu.memory_space<semaphore_mem>>)
    %dma_wait3A_53 = arith.constant 0 : i32
    %dma_wait3A_54 = arith.constant 0 : i32
    %dma_wait3A_55 = tpu.memref_slice %arg2[%dma_wait3A_53, %dma_wait3A_54] : memref<10000x128xf32, #tpu.memory_space<hbm>> -> memref<10000x128xf32, #tpu.memory_space<hbm>>
    tpu.wait_indirect_dma semaphore(%arg20 : memref<!tpu.dma_semaphore, #tpu.memory_space<semaphore_mem>>) src(%dma_wait3A_55 : memref<10000x128xf32, #tpu.memory_space<hbm>>) dst(%arg13 : memref<128x128xf32, #tpu.memory_space<vmem>>)
    "tpu.region"() ({
      %run_scoped3A = tpu.sem_alloc : memref<!tpu.dma_semaphore, #tpu.memory_space<semaphore_mem>>
      %dma_start3A_103 = arith.constant 0 : i32
      %dma_start3A_104 = arith.constant 0 : i32
      %dma_start3A_105 = tpu.memref_slice %arg16[%dma_start3A_103, %dma_start3A_104] : memref<10112x128xf32, #tpu.memory_space<vmem_shared>> -> memref<10112x128xf32, #tpu.memory_space<vmem_shared>>
      tpu.enqueue_indirect_dma source(%arg13 : memref<128x128xf32, #tpu.memory_space<vmem>>) target(%dma_start3A_105 : memref<10112x128xf32, #tpu.memory_space<vmem_shared>>) offsets(%arg10 : memref<128xi32, #tpu.memory_space<vmem>>) semaphore(%run_scoped3A : memref<!tpu.dma_semaphore, #tpu.memory_space<semaphore_mem>>) {add = true}
      %dma_wait3A_106 = arith.constant 0 : i32
      %dma_wait3A_107 = arith.constant 0 : i32
      %dma_wait3A_108 = tpu.memref_slice %arg16[%dma_wait3A_106, %dma_wait3A_107] : memref<10112x128xf32, #tpu.memory_space<vmem_shared>> -> memref<10112x128xf32, #tpu.memory_space<vmem_shared>>
      tpu.wait_indirect_dma semaphore(%run_scoped3A : memref<!tpu.dma_semaphore, #tpu.memory_space<semaphore_mem>>) src(%arg13 : memref<128x128xf32, #tpu.memory_space<vmem>>) dst(%dma_wait3A_108 : memref<10112x128xf32, #tpu.memory_space<vmem_shared>>)
      tpu.yield
    }) : () -> ()
    %add3A_56 = arith.constant 9984 : i32
    %add3A_57 = arith.addi %mul3A_2, %add3A_56 : i32
    %dma_start3A_58 = tpu.memref_slice %arg3[%add3A_57] : memref<327680xi32, #tpu.memory_space<hbm>> -> memref<128xi32, #tpu.memory_space<hbm>>
    %dma_start3A_59 = tpu.memref_slice %arg3[%add3A_57] : memref<327680xi32, #tpu.memory_space<hbm>> -> memref<128xi32, #tpu.memory_space<hbm>>
    tpu.enqueue_dma source(%dma_start3A_59 : memref<128xi32, #tpu.memory_space<hbm>>) target(%arg7 : memref<128xi32, #tpu.memory_space<vmem>>) target_semaphore(%arg17 : memref<!tpu.dma_semaphore, #tpu.memory_space<semaphore_mem>>)
    %add3A_60 = arith.constant 9984 : i32
    %add3A_61 = arith.addi %mul3A_2, %add3A_60 : i32
    %dma_start3A_62 = tpu.memref_slice %arg4[%add3A_61] : memref<327680xi32, #tpu.memory_space<hbm>> -> memref<128xi32, #tpu.memory_space<hbm>>
    %dma_start3A_63 = tpu.memref_slice %arg4[%add3A_61] : memref<327680xi32, #tpu.memory_space<hbm>> -> memref<128xi32, #tpu.memory_space<hbm>>
    tpu.enqueue_dma source(%dma_start3A_63 : memref<128xi32, #tpu.memory_space<hbm>>) target(%arg10 : memref<128xi32, #tpu.memory_space<vmem>>) target_semaphore(%arg17 : memref<!tpu.dma_semaphore, #tpu.memory_space<semaphore_mem>>)
    %dma_wait3A_64 = tpu.memref_slice %arg3[%mul3A_2] : memref<327680xi32, #tpu.memory_space<hbm>> -> memref<128xi32, #tpu.memory_space<hbm>>
    %dma_wait3A_65 = tpu.memref_slice %arg3[%mul3A_2] : memref<327680xi32, #tpu.memory_space<hbm>> -> memref<128xi32, #tpu.memory_space<hbm>>
    tpu.wait_dma2 semaphore(%arg17 : memref<!tpu.dma_semaphore, #tpu.memory_space<semaphore_mem>>) src(%dma_wait3A_65 : memref<128xi32, #tpu.memory_space<hbm>>) dst(%arg7 : memref<128xi32, #tpu.memory_space<vmem>>)
    %dma_wait3A_66 = tpu.memref_slice %arg4[%mul3A_2] : memref<327680xi32, #tpu.memory_space<hbm>> -> memref<128xi32, #tpu.memory_space<hbm>>
    %dma_wait3A_67 = tpu.memref_slice %arg4[%mul3A_2] : memref<327680xi32, #tpu.memory_space<hbm>> -> memref<128xi32, #tpu.memory_space<hbm>>
    tpu.wait_dma2 semaphore(%arg17 : memref<!tpu.dma_semaphore, #tpu.memory_space<semaphore_mem>>) src(%dma_wait3A_67 : memref<128xi32, #tpu.memory_space<hbm>>) dst(%arg10 : memref<128xi32, #tpu.memory_space<vmem>>)
    %dma_start3A_68 = arith.constant 0 : i32
    %dma_start3A_69 = arith.constant 0 : i32
    %dma_start3A_70 = tpu.memref_slice %arg2[%dma_start3A_68, %dma_start3A_69] : memref<10000x128xf32, #tpu.memory_space<hbm>> -> memref<10000x128xf32, #tpu.memory_space<hbm>>
    tpu.enqueue_indirect_dma source(%dma_start3A_70 : memref<10000x128xf32, #tpu.memory_space<hbm>>) target(%arg13 : memref<128x128xf32, #tpu.memory_space<vmem>>) offsets(%arg7 : memref<128xi32, #tpu.memory_space<vmem>>) semaphore(%arg20 : memref<!tpu.dma_semaphore, #tpu.memory_space<semaphore_mem>>)
    %dma_wait3A_71 = arith.constant 0 : i32
    %dma_wait3A_72 = arith.constant 0 : i32
    %dma_wait3A_73 = tpu.memref_slice %arg2[%dma_wait3A_71, %dma_wait3A_72] : memref<10000x128xf32, #tpu.memory_space<hbm>> -> memref<10000x128xf32, #tpu.memory_space<hbm>>
    tpu.wait_indirect_dma semaphore(%arg21 : memref<!tpu.dma_semaphore, #tpu.memory_space<semaphore_mem>>) src(%dma_wait3A_73 : memref<10000x128xf32, #tpu.memory_space<hbm>>) dst(%arg14 : memref<128x128xf32, #tpu.memory_space<vmem>>)
    "tpu.region"() ({
      %run_scoped3A = tpu.sem_alloc : memref<!tpu.dma_semaphore, #tpu.memory_space<semaphore_mem>>
      %dma_start3A_103 = arith.constant 0 : i32
      %dma_start3A_104 = arith.constant 0 : i32
      %dma_start3A_105 = tpu.memref_slice %arg16[%dma_start3A_103, %dma_start3A_104] : memref<10112x128xf32, #tpu.memory_space<vmem_shared>> -> memref<10112x128xf32, #tpu.memory_space<vmem_shared>>
      tpu.enqueue_indirect_dma source(%arg14 : memref<128x128xf32, #tpu.memory_space<vmem>>) target(%dma_start3A_105 : memref<10112x128xf32, #tpu.memory_space<vmem_shared>>) offsets(%arg11 : memref<128xi32, #tpu.memory_space<vmem>>) semaphore(%run_scoped3A : memref<!tpu.dma_semaphore, #tpu.memory_space<semaphore_mem>>) {add = true}
      %dma_wait3A_106 = arith.constant 0 : i32
      %dma_wait3A_107 = arith.constant 0 : i32
      %dma_wait3A_108 = tpu.memref_slice %arg16[%dma_wait3A_106, %dma_wait3A_107] : memref<10112x128xf32, #tpu.memory_space<vmem_shared>> -> memref<10112x128xf32, #tpu.memory_space<vmem_shared>>
      tpu.wait_indirect_dma semaphore(%run_scoped3A : memref<!tpu.dma_semaphore, #tpu.memory_space<semaphore_mem>>) src(%arg14 : memref<128x128xf32, #tpu.memory_space<vmem>>) dst(%dma_wait3A_108 : memref<10112x128xf32, #tpu.memory_space<vmem_shared>>)
      tpu.yield
    }) : () -> ()
    %add3A_74 = arith.constant 10112 : i32
    %add3A_75 = arith.addi %mul3A_2, %add3A_74 : i32
    %dma_start3A_76 = tpu.memref_slice %arg3[%add3A_75] : memref<327680xi32, #tpu.memory_space<hbm>> -> memref<128xi32, #tpu.memory_space<hbm>>
    %dma_start3A_77 = tpu.memref_slice %arg3[%add3A_75] : memref<327680xi32, #tpu.memory_space<hbm>> -> memref<128xi32, #tpu.memory_space<hbm>>
    tpu.enqueue_dma source(%dma_start3A_77 : memref<128xi32, #tpu.memory_space<hbm>>) target(%arg8 : memref<128xi32, #tpu.memory_space<vmem>>) target_semaphore(%arg18 : memref<!tpu.dma_semaphore, #tpu.memory_space<semaphore_mem>>)
    %add3A_78 = arith.constant 10112 : i32
    %add3A_79 = arith.addi %mul3A_2, %add3A_78 : i32
    %dma_start3A_80 = tpu.memref_slice %arg4[%add3A_79] : memref<327680xi32, #tpu.memory_space<hbm>> -> memref<128xi32, #tpu.memory_space<hbm>>
    %dma_start3A_81 = tpu.memref_slice %arg4[%add3A_79] : memref<327680xi32, #tpu.memory_space<hbm>> -> memref<128xi32, #tpu.memory_space<hbm>>
    tpu.enqueue_dma source(%dma_start3A_81 : memref<128xi32, #tpu.memory_space<hbm>>) target(%arg11 : memref<128xi32, #tpu.memory_space<vmem>>) target_semaphore(%arg18 : memref<!tpu.dma_semaphore, #tpu.memory_space<semaphore_mem>>)
    %dma_wait3A_82 = tpu.memref_slice %arg3[%mul3A_2] : memref<327680xi32, #tpu.memory_space<hbm>> -> memref<128xi32, #tpu.memory_space<hbm>>
    %dma_wait3A_83 = tpu.memref_slice %arg3[%mul3A_2] : memref<327680xi32, #tpu.memory_space<hbm>> -> memref<128xi32, #tpu.memory_space<hbm>>
    tpu.wait_dma2 semaphore(%arg18 : memref<!tpu.dma_semaphore, #tpu.memory_space<semaphore_mem>>) src(%dma_wait3A_83 : memref<128xi32, #tpu.memory_space<hbm>>) dst(%arg8 : memref<128xi32, #tpu.memory_space<vmem>>)
    %dma_wait3A_84 = tpu.memref_slice %arg4[%mul3A_2] : memref<327680xi32, #tpu.memory_space<hbm>> -> memref<128xi32, #tpu.memory_space<hbm>>
    %dma_wait3A_85 = tpu.memref_slice %arg4[%mul3A_2] : memref<327680xi32, #tpu.memory_space<hbm>> -> memref<128xi32, #tpu.memory_space<hbm>>
    tpu.wait_dma2 semaphore(%arg18 : memref<!tpu.dma_semaphore, #tpu.memory_space<semaphore_mem>>) src(%dma_wait3A_85 : memref<128xi32, #tpu.memory_space<hbm>>) dst(%arg11 : memref<128xi32, #tpu.memory_space<vmem>>)
    %dma_start3A_86 = arith.constant 0 : i32
    %dma_start3A_87 = arith.constant 0 : i32
    %dma_start3A_88 = tpu.memref_slice %arg2[%dma_start3A_86, %dma_start3A_87] : memref<10000x128xf32, #tpu.memory_space<hbm>> -> memref<10000x128xf32, #tpu.memory_space<hbm>>
    tpu.enqueue_indirect_dma source(%dma_start3A_88 : memref<10000x128xf32, #tpu.memory_space<hbm>>) target(%arg14 : memref<128x128xf32, #tpu.memory_space<vmem>>) offsets(%arg8 : memref<128xi32, #tpu.memory_space<vmem>>) semaphore(%arg21 : memref<!tpu.dma_semaphore, #tpu.memory_space<semaphore_mem>>)
    %dma_wait3A_89 = arith.constant 0 : i32
    %dma_wait3A_90 = arith.constant 0 : i32
    %dma_wait3A_91 = tpu.memref_slice %arg2[%dma_wait3A_89, %dma_wait3A_90] : memref<10000x128xf32, #tpu.memory_space<hbm>> -> memref<10000x128xf32, #tpu.memory_space<hbm>>
    tpu.wait_indirect_dma semaphore(%arg22 : memref<!tpu.dma_semaphore, #tpu.memory_space<semaphore_mem>>) src(%dma_wait3A_91 : memref<10000x128xf32, #tpu.memory_space<hbm>>) dst(%arg15 : memref<128x128xf32, #tpu.memory_space<vmem>>)
    "tpu.region"() ({
      %run_scoped3A = tpu.sem_alloc : memref<!tpu.dma_semaphore, #tpu.memory_space<semaphore_mem>>
      %dma_start3A_103 = arith.constant 0 : i32
      %dma_start3A_104 = arith.constant 0 : i32
      %dma_start3A_105 = tpu.memref_slice %arg16[%dma_start3A_103, %dma_start3A_104] : memref<10112x128xf32, #tpu.memory_space<vmem_shared>> -> memref<10112x128xf32, #tpu.memory_space<vmem_shared>>
      tpu.enqueue_indirect_dma source(%arg15 : memref<128x128xf32, #tpu.memory_space<vmem>>) target(%dma_start3A_105 : memref<10112x128xf32, #tpu.memory_space<vmem_shared>>) offsets(%arg12 : memref<128xi32, #tpu.memory_space<vmem>>) semaphore(%run_scoped3A : memref<!tpu.dma_semaphore, #tpu.memory_space<semaphore_mem>>) {add = true}
      %dma_wait3A_106 = arith.constant 0 : i32
      %dma_wait3A_107 = arith.constant 0 : i32
      %dma_wait3A_108 = tpu.memref_slice %arg16[%dma_wait3A_106, %dma_wait3A_107] : memref<10112x128xf32, #tpu.memory_space<vmem_shared>> -> memref<10112x128xf32, #tpu.memory_space<vmem_shared>>
      tpu.wait_indirect_dma semaphore(%run_scoped3A : memref<!tpu.dma_semaphore, #tpu.memory_space<semaphore_mem>>) src(%arg15 : memref<128x128xf32, #tpu.memory_space<vmem>>) dst(%dma_wait3A_108 : memref<10112x128xf32, #tpu.memory_space<vmem_shared>>)
      tpu.yield
    }) : () -> ()
    %dma_wait3A_92 = arith.constant 0 : i32
    %dma_wait3A_93 = arith.constant 0 : i32
    %dma_wait3A_94 = tpu.memref_slice %arg2[%dma_wait3A_92, %dma_wait3A_93] : memref<10000x128xf32, #tpu.memory_space<hbm>> -> memref<10000x128xf32, #tpu.memory_space<hbm>>
    tpu.wait_indirect_dma semaphore(%arg20 : memref<!tpu.dma_semaphore, #tpu.memory_space<semaphore_mem>>) src(%dma_wait3A_94 : memref<10000x128xf32, #tpu.memory_space<hbm>>) dst(%arg13 : memref<128x128xf32, #tpu.memory_space<vmem>>)
    "tpu.region"() ({
      %run_scoped3A = tpu.sem_alloc : memref<!tpu.dma_semaphore, #tpu.memory_space<semaphore_mem>>
      %dma_start3A_103 = arith.constant 0 : i32
      %dma_start3A_104 = arith.constant 0 : i32
      %dma_start3A_105 = tpu.memref_slice %arg16[%dma_start3A_103, %dma_start3A_104] : memref<10112x128xf32, #tpu.memory_space<vmem_shared>> -> memref<10112x128xf32, #tpu.memory_space<vmem_shared>>
      tpu.enqueue_indirect_dma source(%arg13 : memref<128x128xf32, #tpu.memory_space<vmem>>) target(%dma_start3A_105 : memref<10112x128xf32, #tpu.memory_space<vmem_shared>>) offsets(%arg10 : memref<128xi32, #tpu.memory_space<vmem>>) semaphore(%run_scoped3A : memref<!tpu.dma_semaphore, #tpu.memory_space<semaphore_mem>>) {add = true}
      %dma_wait3A_106 = arith.constant 0 : i32
      %dma_wait3A_107 = arith.constant 0 : i32
      %dma_wait3A_108 = tpu.memref_slice %arg16[%dma_wait3A_106, %dma_wait3A_107] : memref<10112x128xf32, #tpu.memory_space<vmem_shared>> -> memref<10112x128xf32, #tpu.memory_space<vmem_shared>>
      tpu.wait_indirect_dma semaphore(%run_scoped3A : memref<!tpu.dma_semaphore, #tpu.memory_space<semaphore_mem>>) src(%arg13 : memref<128x128xf32, #tpu.memory_space<vmem>>) dst(%dma_wait3A_108 : memref<10112x128xf32, #tpu.memory_space<vmem_shared>>)
      tpu.yield
    }) : () -> ()
    %dma_wait3A_95 = arith.constant 0 : i32
    %dma_wait3A_96 = arith.constant 0 : i32
    %dma_wait3A_97 = tpu.memref_slice %arg2[%dma_wait3A_95, %dma_wait3A_96] : memref<10000x128xf32, #tpu.memory_space<hbm>> -> memref<10000x128xf32, #tpu.memory_space<hbm>>
    tpu.wait_indirect_dma semaphore(%arg21 : memref<!tpu.dma_semaphore, #tpu.memory_space<semaphore_mem>>) src(%dma_wait3A_97 : memref<10000x128xf32, #tpu.memory_space<hbm>>) dst(%arg14 : memref<128x128xf32, #tpu.memory_space<vmem>>)
    "tpu.region"() ({
      %run_scoped3A = tpu.sem_alloc : memref<!tpu.dma_semaphore, #tpu.memory_space<semaphore_mem>>
      %dma_start3A_103 = arith.constant 0 : i32
      %dma_start3A_104 = arith.constant 0 : i32
      %dma_start3A_105 = tpu.memref_slice %arg16[%dma_start3A_103, %dma_start3A_104] : memref<10112x128xf32, #tpu.memory_space<vmem_shared>> -> memref<10112x128xf32, #tpu.memory_space<vmem_shared>>
      tpu.enqueue_indirect_dma source(%arg14 : memref<128x128xf32, #tpu.memory_space<vmem>>) target(%dma_start3A_105 : memref<10112x128xf32, #tpu.memory_space<vmem_shared>>) offsets(%arg11 : memref<128xi32, #tpu.memory_space<vmem>>) semaphore(%run_scoped3A : memref<!tpu.dma_semaphore, #tpu.memory_space<semaphore_mem>>) {add = true}
      %dma_wait3A_106 = arith.constant 0 : i32
      %dma_wait3A_107 = arith.constant 0 : i32
      %dma_wait3A_108 = tpu.memref_slice %arg16[%dma_wait3A_106, %dma_wait3A_107] : memref<10112x128xf32, #tpu.memory_space<vmem_shared>> -> memref<10112x128xf32, #tpu.memory_space<vmem_shared>>
      tpu.wait_indirect_dma semaphore(%run_scoped3A : memref<!tpu.dma_semaphore, #tpu.memory_space<semaphore_mem>>) src(%arg14 : memref<128x128xf32, #tpu.memory_space<vmem>>) dst(%dma_wait3A_108 : memref<10112x128xf32, #tpu.memory_space<vmem_shared>>)
      tpu.yield
    }) : () -> ()
    %barrier3A_98 = arith.constant 0 : index
    tpu.barrier barrier_id(%barrier3A_98)
    %mul3A_99 = arith.constant 632 : i32
    %mul3A_100 = arith.muli %arg1, %mul3A_99 : i32
    %mul3A_101 = arith.constant 632 : i32
    %mul3A_102 = arith.muli %arg1, %mul3A_101 : i32
    "tpu.region"() ({
      %run_scoped3A = tpu.sem_alloc : memref<!tpu.dma_semaphore, #tpu.memory_space<semaphore_mem>>
      %dma_start3A_103 = arith.constant 0 : i32
      %dma_start3A_104 = arith.constant 0 : i32
      %dma_start3A_105 = tpu.memref_slice %arg6[%arg0, %dma_start3A_103, %dma_start3A_104] : memref<2x10112x128xf32, #tpu.memory_space<hbm>> -> memref<1x10112x128xf32, #tpu.memory_space<hbm>>
      %dma_start3A_106 = tpu.memref_squeeze %dma_start3A_105 : memref<1x10112x128xf32, #tpu.memory_space<hbm>> -> memref<10112x128xf32, #tpu.memory_space<hbm>>
      %dma_start3A_107 = arith.constant 0 : i32
      %dma_start3A_108 = tpu.memref_slice %dma_start3A_106[%mul3A_102, %dma_start3A_107] : memref<10112x128xf32, #tpu.memory_space<hbm>> -> memref<632x128xf32, #tpu.memory_space<hbm>>
      %dma_start3A_109 = arith.constant 0 : i32
      %dma_start3A_110 = tpu.memref_slice %arg16[%mul3A_100, %dma_start3A_109] : memref<10112x128xf32, #tpu.memory_space<vmem_shared>> -> memref<632x128xf32, #tpu.memory_space<vmem_shared>>
      tpu.enqueue_dma source(%dma_start3A_110 : memref<632x128xf32, #tpu.memory_space<vmem_shared>>) target(%dma_start3A_108 : memref<632x128xf32, #tpu.memory_space<hbm>>) target_semaphore(%run_scoped3A : memref<!tpu.dma_semaphore, #tpu.memory_space<semaphore_mem>>)
      %dma_wait3A_111 = arith.constant 0 : i32
      %dma_wait3A_112 = arith.constant 0 : i32
      %dma_wait3A_113 = tpu.memref_slice %arg6[%arg0, %dma_wait3A_111, %dma_wait3A_112] : memref<2x10112x128xf32, #tpu.memory_space<hbm>> -> memref<1x10112x128xf32, #tpu.memory_space<hbm>>
      %dma_wait3A_114 = tpu.memref_squeeze %dma_wait3A_113 : memref<1x10112x128xf32, #tpu.memory_space<hbm>> -> memref<10112x128xf32, #tpu.memory_space<hbm>>
      %dma_wait3A_115 = arith.constant 0 : i32
      %dma_wait3A_116 = tpu.memref_slice %dma_wait3A_114[%mul3A_102, %dma_wait3A_115] : memref<10112x128xf32, #tpu.memory_space<hbm>> -> memref<632x128xf32, #tpu.memory_space<hbm>>
      %dma_wait3A_117 = arith.constant 0 : i32
      %dma_wait3A_118 = tpu.memref_slice %arg16[%mul3A_100, %dma_wait3A_117] : memref<10112x128xf32, #tpu.memory_space<vmem_shared>> -> memref<632x128xf32, #tpu.memory_space<vmem_shared>>
      tpu.wait_dma2 semaphore(%run_scoped3A : memref<!tpu.dma_semaphore, #tpu.memory_space<semaphore_mem>>) src(%dma_wait3A_118 : memref<632x128xf32, #tpu.memory_space<vmem_shared>>) dst(%dma_wait3A_116 : memref<632x128xf32, #tpu.memory_space<hbm>>)
      tpu.yield
    }) : () -> ()
    return
  }
}

#map = affine_map<(d0, d1) -> (0)>
#map1 = affine_map<(d0, d1) -> (0, 0)>
#map2 = affine_map<(d0, d1) -> (0, 0, 0)>
module attributes {stable_mosaic.version = 14 : i64} {
  func.func @_sc_degree_body(%arg0: i32, %arg1: i32, %arg2: memref<327680xi32, #tpu.memory_space<hbm>>, %arg3: memref<128x128xf32, #tpu.memory_space<hbm>>, %arg4: memref<632x128xf32, #tpu.memory_space<hbm>>, %arg5: memref<2x10112x128xf32, #tpu.memory_space<hbm>>, %arg6: memref<128xi32, #tpu.memory_space<vmem>>, %arg7: memref<128xi32, #tpu.memory_space<vmem>>, %arg8: memref<128xi32, #tpu.memory_space<vmem>>, %arg9: memref<128x128xf32, #tpu.memory_space<vmem>>, %arg10: memref<10112x128xf32, #tpu.memory_space<vmem_shared>>, %arg11: memref<!tpu.dma_semaphore, #tpu.memory_space<semaphore_mem>>, %arg12: memref<!tpu.dma_semaphore, #tpu.memory_space<semaphore_mem>>, %arg13: memref<!tpu.dma_semaphore, #tpu.memory_space<semaphore_mem>>) attributes {dimension_semantics = [#tpu.dimension_semantics<core_parallel>, #tpu.dimension_semantics<subcore_parallel>], iteration_bounds = array<i64: 2, 16>, scalar_prefetch = 0 : i64, scratch_operands = 8 : i64, tpu.core_type = #tpu.core_type<sc_vector_subcore>, window_params = [{transform_indices = #map}, {transform_indices = #map1}, {transform_indices = #map1}, {transform_indices = #map2}]} {
    %mul3A = arith.constant 2 : i32
    %mul3A_0 = arith.muli %arg1, %mul3A : i32
    %add3A = arith.addi %mul3A_0, %arg0 : i32
    %mul3A_1 = arith.constant 10240 : i32
    %mul3A_2 = arith.muli %add3A, %mul3A_1 : i32
    %add3A_3 = arith.constant 0 : i32
    %add3A_4 = arith.addi %mul3A_2, %add3A_3 : i32
    %dma_start3A = tpu.memref_slice %arg2[%add3A_4] : memref<327680xi32, #tpu.memory_space<hbm>> -> memref<128xi32, #tpu.memory_space<hbm>>
    %dma_start3A_5 = tpu.memref_slice %arg2[%add3A_4] : memref<327680xi32, #tpu.memory_space<hbm>> -> memref<128xi32, #tpu.memory_space<hbm>>
    tpu.enqueue_dma source(%dma_start3A_5 : memref<128xi32, #tpu.memory_space<hbm>>) target(%arg6 : memref<128xi32, #tpu.memory_space<vmem>>) target_semaphore(%arg11 : memref<!tpu.dma_semaphore, #tpu.memory_space<semaphore_mem>>)
    %add3A_6 = arith.constant 128 : i32
    %add3A_7 = arith.addi %mul3A_2, %add3A_6 : i32
    %dma_start3A_8 = tpu.memref_slice %arg2[%add3A_7] : memref<327680xi32, #tpu.memory_space<hbm>> -> memref<128xi32, #tpu.memory_space<hbm>>
    %dma_start3A_9 = tpu.memref_slice %arg2[%add3A_7] : memref<327680xi32, #tpu.memory_space<hbm>> -> memref<128xi32, #tpu.memory_space<hbm>>
    tpu.enqueue_dma source(%dma_start3A_9 : memref<128xi32, #tpu.memory_space<hbm>>) target(%arg7 : memref<128xi32, #tpu.memory_space<vmem>>) target_semaphore(%arg12 : memref<!tpu.dma_semaphore, #tpu.memory_space<semaphore_mem>>)
    %add3A_10 = arith.constant 256 : i32
    %add3A_11 = arith.addi %mul3A_2, %add3A_10 : i32
    %dma_start3A_12 = tpu.memref_slice %arg2[%add3A_11] : memref<327680xi32, #tpu.memory_space<hbm>> -> memref<128xi32, #tpu.memory_space<hbm>>
    %dma_start3A_13 = tpu.memref_slice %arg2[%add3A_11] : memref<327680xi32, #tpu.memory_space<hbm>> -> memref<128xi32, #tpu.memory_space<hbm>>
    tpu.enqueue_dma source(%dma_start3A_13 : memref<128xi32, #tpu.memory_space<hbm>>) target(%arg8 : memref<128xi32, #tpu.memory_space<vmem>>) target_semaphore(%arg13 : memref<!tpu.dma_semaphore, #tpu.memory_space<semaphore_mem>>)
    %mul3A_14 = arith.constant 632 : i32
    %mul3A_15 = arith.muli %arg1, %mul3A_14 : i32
    "tpu.region"() ({
      %run_scoped3A = tpu.sem_alloc : memref<!tpu.dma_semaphore, #tpu.memory_space<semaphore_mem>>
      %dma_start3A_43 = arith.constant 0 : i32
      %dma_start3A_44 = tpu.memref_slice %arg10[%mul3A_15, %dma_start3A_43] : memref<10112x128xf32, #tpu.memory_space<vmem_shared>> -> memref<632x128xf32, #tpu.memory_space<vmem_shared>>
      tpu.enqueue_dma source(%arg4 : memref<632x128xf32, #tpu.memory_space<hbm>>) target(%dma_start3A_44 : memref<632x128xf32, #tpu.memory_space<vmem_shared>>) target_semaphore(%run_scoped3A : memref<!tpu.dma_semaphore, #tpu.memory_space<semaphore_mem>>)
      %dma_wait3A_45 = arith.constant 0 : i32
      %dma_wait3A_46 = tpu.memref_slice %arg10[%mul3A_15, %dma_wait3A_45] : memref<10112x128xf32, #tpu.memory_space<vmem_shared>> -> memref<632x128xf32, #tpu.memory_space<vmem_shared>>
      tpu.wait_dma2 semaphore(%run_scoped3A : memref<!tpu.dma_semaphore, #tpu.memory_space<semaphore_mem>>) src(%arg4 : memref<632x128xf32, #tpu.memory_space<hbm>>) dst(%dma_wait3A_46 : memref<632x128xf32, #tpu.memory_space<vmem_shared>>)
      tpu.yield
    }) : () -> ()
    "tpu.region"() ({
      %run_scoped3A = tpu.sem_alloc : memref<!tpu.dma_semaphore, #tpu.memory_space<semaphore_mem>>
      tpu.enqueue_dma source(%arg3 : memref<128x128xf32, #tpu.memory_space<hbm>>) target(%arg9 : memref<128x128xf32, #tpu.memory_space<vmem>>) target_semaphore(%run_scoped3A : memref<!tpu.dma_semaphore, #tpu.memory_space<semaphore_mem>>)
      tpu.wait_dma2 semaphore(%run_scoped3A : memref<!tpu.dma_semaphore, #tpu.memory_space<semaphore_mem>>) src(%arg3 : memref<128x128xf32, #tpu.memory_space<hbm>>) dst(%arg9 : memref<128x128xf32, #tpu.memory_space<vmem>>)
      tpu.yield
    }) : () -> ()
    %barrier3A = arith.constant 0 : index
    tpu.barrier barrier_id(%barrier3A)
    %scan3A = arith.constant 0 : i32
    %scan3A_16 = arith.constant 0 : i32
    %scan3A_17 = arith.constant 25 : i32
    %scan3A_18 = arith.addi %scan3A_16, %scan3A_17 : i32
    %scan3A_19 = arith.constant 1 : i32
    scf.for %scan3A_43 = %scan3A_16 to %scan3A_18 step %scan3A_19  : i32 {
      %mul3A_44 = arith.constant 3 : i32
      %mul3A_45 = arith.muli %scan3A_43, %mul3A_44 : i32
      %dma_wait3A_46 = tpu.memref_slice %arg2[%mul3A_2] : memref<327680xi32, #tpu.memory_space<hbm>> -> memref<128xi32, #tpu.memory_space<hbm>>
      %dma_wait3A_47 = tpu.memref_slice %arg2[%mul3A_2] : memref<327680xi32, #tpu.memory_space<hbm>> -> memref<128xi32, #tpu.memory_space<hbm>>
      tpu.wait_dma2 semaphore(%arg11 : memref<!tpu.dma_semaphore, #tpu.memory_space<semaphore_mem>>) src(%dma_wait3A_47 : memref<128xi32, #tpu.memory_space<hbm>>) dst(%arg6 : memref<128xi32, #tpu.memory_space<vmem>>)
      "tpu.region"() ({
        %run_scoped3A = tpu.sem_alloc : memref<!tpu.dma_semaphore, #tpu.memory_space<semaphore_mem>>
        %dma_start3A_79 = arith.constant 0 : i32
        %dma_start3A_80 = arith.constant 0 : i32
        %dma_start3A_81 = tpu.memref_slice %arg10[%dma_start3A_79, %dma_start3A_80] : memref<10112x128xf32, #tpu.memory_space<vmem_shared>> -> memref<10112x128xf32, #tpu.memory_space<vmem_shared>>
        tpu.enqueue_indirect_dma source(%arg9 : memref<128x128xf32, #tpu.memory_space<vmem>>) target(%dma_start3A_81 : memref<10112x128xf32, #tpu.memory_space<vmem_shared>>) offsets(%arg6 : memref<128xi32, #tpu.memory_space<vmem>>) semaphore(%run_scoped3A : memref<!tpu.dma_semaphore, #tpu.memory_space<semaphore_mem>>) {add = true}
        %dma_wait3A_82 = arith.constant 0 : i32
        %dma_wait3A_83 = arith.constant 0 : i32
        %dma_wait3A_84 = tpu.memref_slice %arg10[%dma_wait3A_82, %dma_wait3A_83] : memref<10112x128xf32, #tpu.memory_space<vmem_shared>> -> memref<10112x128xf32, #tpu.memory_space<vmem_shared>>
        tpu.wait_indirect_dma semaphore(%run_scoped3A : memref<!tpu.dma_semaphore, #tpu.memory_space<semaphore_mem>>) src(%arg9 : memref<128x128xf32, #tpu.memory_space<vmem>>) dst(%dma_wait3A_84 : memref<10112x128xf32, #tpu.memory_space<vmem_shared>>)
        tpu.yield
      }) : () -> ()
      %add3A_48 = arith.constant 0 : i32
      %add3A_49 = arith.addi %mul3A_45, %add3A_48 : i32
      %add3A_50 = arith.constant 3 : i32
      %add3A_51 = arith.addi %add3A_49, %add3A_50 : i32
      %mul3A_52 = arith.constant 128 : i32
      %mul3A_53 = arith.muli %add3A_51, %mul3A_52 : i32
      %add3A_54 = arith.addi %mul3A_2, %mul3A_53 : i32
      %dma_start3A_55 = tpu.memref_slice %arg2[%add3A_54] : memref<327680xi32, #tpu.memory_space<hbm>> -> memref<128xi32, #tpu.memory_space<hbm>>
      %dma_start3A_56 = tpu.memref_slice %arg2[%add3A_54] : memref<327680xi32, #tpu.memory_space<hbm>> -> memref<128xi32, #tpu.memory_space<hbm>>
      tpu.enqueue_dma source(%dma_start3A_56 : memref<128xi32, #tpu.memory_space<hbm>>) target(%arg6 : memref<128xi32, #tpu.memory_space<vmem>>) target_semaphore(%arg11 : memref<!tpu.dma_semaphore, #tpu.memory_space<semaphore_mem>>)
      %dma_wait3A_57 = tpu.memref_slice %arg2[%mul3A_2] : memref<327680xi32, #tpu.memory_space<hbm>> -> memref<128xi32, #tpu.memory_space<hbm>>
      %dma_wait3A_58 = tpu.memref_slice %arg2[%mul3A_2] : memref<327680xi32, #tpu.memory_space<hbm>> -> memref<128xi32, #tpu.memory_space<hbm>>
      tpu.wait_dma2 semaphore(%arg12 : memref<!tpu.dma_semaphore, #tpu.memory_space<semaphore_mem>>) src(%dma_wait3A_58 : memref<128xi32, #tpu.memory_space<hbm>>) dst(%arg7 : memref<128xi32, #tpu.memory_space<vmem>>)
      "tpu.region"() ({
        %run_scoped3A = tpu.sem_alloc : memref<!tpu.dma_semaphore, #tpu.memory_space<semaphore_mem>>
        %dma_start3A_79 = arith.constant 0 : i32
        %dma_start3A_80 = arith.constant 0 : i32
        %dma_start3A_81 = tpu.memref_slice %arg10[%dma_start3A_79, %dma_start3A_80] : memref<10112x128xf32, #tpu.memory_space<vmem_shared>> -> memref<10112x128xf32, #tpu.memory_space<vmem_shared>>
        tpu.enqueue_indirect_dma source(%arg9 : memref<128x128xf32, #tpu.memory_space<vmem>>) target(%dma_start3A_81 : memref<10112x128xf32, #tpu.memory_space<vmem_shared>>) offsets(%arg7 : memref<128xi32, #tpu.memory_space<vmem>>) semaphore(%run_scoped3A : memref<!tpu.dma_semaphore, #tpu.memory_space<semaphore_mem>>) {add = true}
        %dma_wait3A_82 = arith.constant 0 : i32
        %dma_wait3A_83 = arith.constant 0 : i32
        %dma_wait3A_84 = tpu.memref_slice %arg10[%dma_wait3A_82, %dma_wait3A_83] : memref<10112x128xf32, #tpu.memory_space<vmem_shared>> -> memref<10112x128xf32, #tpu.memory_space<vmem_shared>>
        tpu.wait_indirect_dma semaphore(%run_scoped3A : memref<!tpu.dma_semaphore, #tpu.memory_space<semaphore_mem>>) src(%arg9 : memref<128x128xf32, #tpu.memory_space<vmem>>) dst(%dma_wait3A_84 : memref<10112x128xf32, #tpu.memory_space<vmem_shared>>)
        tpu.yield
      }) : () -> ()
      %add3A_59 = arith.constant 1 : i32
      %add3A_60 = arith.addi %mul3A_45, %add3A_59 : i32
      %add3A_61 = arith.constant 3 : i32
      %add3A_62 = arith.addi %add3A_60, %add3A_61 : i32
      %mul3A_63 = arith.constant 128 : i32
      %mul3A_64 = arith.muli %add3A_62, %mul3A_63 : i32
      %add3A_65 = arith.addi %mul3A_2, %mul3A_64 : i32
      %dma_start3A_66 = tpu.memref_slice %arg2[%add3A_65] : memref<327680xi32, #tpu.memory_space<hbm>> -> memref<128xi32, #tpu.memory_space<hbm>>
      %dma_start3A_67 = tpu.memref_slice %arg2[%add3A_65] : memref<327680xi32, #tpu.memory_space<hbm>> -> memref<128xi32, #tpu.memory_space<hbm>>
      tpu.enqueue_dma source(%dma_start3A_67 : memref<128xi32, #tpu.memory_space<hbm>>) target(%arg7 : memref<128xi32, #tpu.memory_space<vmem>>) target_semaphore(%arg12 : memref<!tpu.dma_semaphore, #tpu.memory_space<semaphore_mem>>)
      %dma_wait3A_68 = tpu.memref_slice %arg2[%mul3A_2] : memref<327680xi32, #tpu.memory_space<hbm>> -> memref<128xi32, #tpu.memory_space<hbm>>
      %dma_wait3A_69 = tpu.memref_slice %arg2[%mul3A_2] : memref<327680xi32, #tpu.memory_space<hbm>> -> memref<128xi32, #tpu.memory_space<hbm>>
      tpu.wait_dma2 semaphore(%arg13 : memref<!tpu.dma_semaphore, #tpu.memory_space<semaphore_mem>>) src(%dma_wait3A_69 : memref<128xi32, #tpu.memory_space<hbm>>) dst(%arg8 : memref<128xi32, #tpu.memory_space<vmem>>)
      "tpu.region"() ({
        %run_scoped3A = tpu.sem_alloc : memref<!tpu.dma_semaphore, #tpu.memory_space<semaphore_mem>>
        %dma_start3A_79 = arith.constant 0 : i32
        %dma_start3A_80 = arith.constant 0 : i32
        %dma_start3A_81 = tpu.memref_slice %arg10[%dma_start3A_79, %dma_start3A_80] : memref<10112x128xf32, #tpu.memory_space<vmem_shared>> -> memref<10112x128xf32, #tpu.memory_space<vmem_shared>>
        tpu.enqueue_indirect_dma source(%arg9 : memref<128x128xf32, #tpu.memory_space<vmem>>) target(%dma_start3A_81 : memref<10112x128xf32, #tpu.memory_space<vmem_shared>>) offsets(%arg8 : memref<128xi32, #tpu.memory_space<vmem>>) semaphore(%run_scoped3A : memref<!tpu.dma_semaphore, #tpu.memory_space<semaphore_mem>>) {add = true}
        %dma_wait3A_82 = arith.constant 0 : i32
        %dma_wait3A_83 = arith.constant 0 : i32
        %dma_wait3A_84 = tpu.memref_slice %arg10[%dma_wait3A_82, %dma_wait3A_83] : memref<10112x128xf32, #tpu.memory_space<vmem_shared>> -> memref<10112x128xf32, #tpu.memory_space<vmem_shared>>
        tpu.wait_indirect_dma semaphore(%run_scoped3A : memref<!tpu.dma_semaphore, #tpu.memory_space<semaphore_mem>>) src(%arg9 : memref<128x128xf32, #tpu.memory_space<vmem>>) dst(%dma_wait3A_84 : memref<10112x128xf32, #tpu.memory_space<vmem_shared>>)
        tpu.yield
      }) : () -> ()
      %add3A_70 = arith.constant 2 : i32
      %add3A_71 = arith.addi %mul3A_45, %add3A_70 : i32
      %add3A_72 = arith.constant 3 : i32
      %add3A_73 = arith.addi %add3A_71, %add3A_72 : i32
      %mul3A_74 = arith.constant 128 : i32
      %mul3A_75 = arith.muli %add3A_73, %mul3A_74 : i32
      %add3A_76 = arith.addi %mul3A_2, %mul3A_75 : i32
      %dma_start3A_77 = tpu.memref_slice %arg2[%add3A_76] : memref<327680xi32, #tpu.memory_space<hbm>> -> memref<128xi32, #tpu.memory_space<hbm>>
      %dma_start3A_78 = tpu.memref_slice %arg2[%add3A_76] : memref<327680xi32, #tpu.memory_space<hbm>> -> memref<128xi32, #tpu.memory_space<hbm>>
      tpu.enqueue_dma source(%dma_start3A_78 : memref<128xi32, #tpu.memory_space<hbm>>) target(%arg8 : memref<128xi32, #tpu.memory_space<vmem>>) target_semaphore(%arg13 : memref<!tpu.dma_semaphore, #tpu.memory_space<semaphore_mem>>)
    }
    %scan3A_20 = arith.constant 25 : i32
    %dma_wait3A = tpu.memref_slice %arg2[%mul3A_2] : memref<327680xi32, #tpu.memory_space<hbm>> -> memref<128xi32, #tpu.memory_space<hbm>>
    %dma_wait3A_21 = tpu.memref_slice %arg2[%mul3A_2] : memref<327680xi32, #tpu.memory_space<hbm>> -> memref<128xi32, #tpu.memory_space<hbm>>
    tpu.wait_dma2 semaphore(%arg11 : memref<!tpu.dma_semaphore, #tpu.memory_space<semaphore_mem>>) src(%dma_wait3A_21 : memref<128xi32, #tpu.memory_space<hbm>>) dst(%arg6 : memref<128xi32, #tpu.memory_space<vmem>>)
    "tpu.region"() ({
      %run_scoped3A = tpu.sem_alloc : memref<!tpu.dma_semaphore, #tpu.memory_space<semaphore_mem>>
      %dma_start3A_43 = arith.constant 0 : i32
      %dma_start3A_44 = arith.constant 0 : i32
      %dma_start3A_45 = tpu.memref_slice %arg10[%dma_start3A_43, %dma_start3A_44] : memref<10112x128xf32, #tpu.memory_space<vmem_shared>> -> memref<10112x128xf32, #tpu.memory_space<vmem_shared>>
      tpu.enqueue_indirect_dma source(%arg9 : memref<128x128xf32, #tpu.memory_space<vmem>>) target(%dma_start3A_45 : memref<10112x128xf32, #tpu.memory_space<vmem_shared>>) offsets(%arg6 : memref<128xi32, #tpu.memory_space<vmem>>) semaphore(%run_scoped3A : memref<!tpu.dma_semaphore, #tpu.memory_space<semaphore_mem>>) {add = true}
      %dma_wait3A_46 = arith.constant 0 : i32
      %dma_wait3A_47 = arith.constant 0 : i32
      %dma_wait3A_48 = tpu.memref_slice %arg10[%dma_wait3A_46, %dma_wait3A_47] : memref<10112x128xf32, #tpu.memory_space<vmem_shared>> -> memref<10112x128xf32, #tpu.memory_space<vmem_shared>>
      tpu.wait_indirect_dma semaphore(%run_scoped3A : memref<!tpu.dma_semaphore, #tpu.memory_space<semaphore_mem>>) src(%arg9 : memref<128x128xf32, #tpu.memory_space<vmem>>) dst(%dma_wait3A_48 : memref<10112x128xf32, #tpu.memory_space<vmem_shared>>)
      tpu.yield
    }) : () -> ()
    %add3A_22 = arith.constant 9984 : i32
    %add3A_23 = arith.addi %mul3A_2, %add3A_22 : i32
    %dma_start3A_24 = tpu.memref_slice %arg2[%add3A_23] : memref<327680xi32, #tpu.memory_space<hbm>> -> memref<128xi32, #tpu.memory_space<hbm>>
    %dma_start3A_25 = tpu.memref_slice %arg2[%add3A_23] : memref<327680xi32, #tpu.memory_space<hbm>> -> memref<128xi32, #tpu.memory_space<hbm>>
    tpu.enqueue_dma source(%dma_start3A_25 : memref<128xi32, #tpu.memory_space<hbm>>) target(%arg6 : memref<128xi32, #tpu.memory_space<vmem>>) target_semaphore(%arg11 : memref<!tpu.dma_semaphore, #tpu.memory_space<semaphore_mem>>)
    %dma_wait3A_26 = tpu.memref_slice %arg2[%mul3A_2] : memref<327680xi32, #tpu.memory_space<hbm>> -> memref<128xi32, #tpu.memory_space<hbm>>
    %dma_wait3A_27 = tpu.memref_slice %arg2[%mul3A_2] : memref<327680xi32, #tpu.memory_space<hbm>> -> memref<128xi32, #tpu.memory_space<hbm>>
    tpu.wait_dma2 semaphore(%arg12 : memref<!tpu.dma_semaphore, #tpu.memory_space<semaphore_mem>>) src(%dma_wait3A_27 : memref<128xi32, #tpu.memory_space<hbm>>) dst(%arg7 : memref<128xi32, #tpu.memory_space<vmem>>)
    "tpu.region"() ({
      %run_scoped3A = tpu.sem_alloc : memref<!tpu.dma_semaphore, #tpu.memory_space<semaphore_mem>>
      %dma_start3A_43 = arith.constant 0 : i32
      %dma_start3A_44 = arith.constant 0 : i32
      %dma_start3A_45 = tpu.memref_slice %arg10[%dma_start3A_43, %dma_start3A_44] : memref<10112x128xf32, #tpu.memory_space<vmem_shared>> -> memref<10112x128xf32, #tpu.memory_space<vmem_shared>>
      tpu.enqueue_indirect_dma source(%arg9 : memref<128x128xf32, #tpu.memory_space<vmem>>) target(%dma_start3A_45 : memref<10112x128xf32, #tpu.memory_space<vmem_shared>>) offsets(%arg7 : memref<128xi32, #tpu.memory_space<vmem>>) semaphore(%run_scoped3A : memref<!tpu.dma_semaphore, #tpu.memory_space<semaphore_mem>>) {add = true}
      %dma_wait3A_46 = arith.constant 0 : i32
      %dma_wait3A_47 = arith.constant 0 : i32
      %dma_wait3A_48 = tpu.memref_slice %arg10[%dma_wait3A_46, %dma_wait3A_47] : memref<10112x128xf32, #tpu.memory_space<vmem_shared>> -> memref<10112x128xf32, #tpu.memory_space<vmem_shared>>
      tpu.wait_indirect_dma semaphore(%run_scoped3A : memref<!tpu.dma_semaphore, #tpu.memory_space<semaphore_mem>>) src(%arg9 : memref<128x128xf32, #tpu.memory_space<vmem>>) dst(%dma_wait3A_48 : memref<10112x128xf32, #tpu.memory_space<vmem_shared>>)
      tpu.yield
    }) : () -> ()
    %add3A_28 = arith.constant 10112 : i32
    %add3A_29 = arith.addi %mul3A_2, %add3A_28 : i32
    %dma_start3A_30 = tpu.memref_slice %arg2[%add3A_29] : memref<327680xi32, #tpu.memory_space<hbm>> -> memref<128xi32, #tpu.memory_space<hbm>>
    %dma_start3A_31 = tpu.memref_slice %arg2[%add3A_29] : memref<327680xi32, #tpu.memory_space<hbm>> -> memref<128xi32, #tpu.memory_space<hbm>>
    tpu.enqueue_dma source(%dma_start3A_31 : memref<128xi32, #tpu.memory_space<hbm>>) target(%arg7 : memref<128xi32, #tpu.memory_space<vmem>>) target_semaphore(%arg12 : memref<!tpu.dma_semaphore, #tpu.memory_space<semaphore_mem>>)
    %dma_wait3A_32 = tpu.memref_slice %arg2[%mul3A_2] : memref<327680xi32, #tpu.memory_space<hbm>> -> memref<128xi32, #tpu.memory_space<hbm>>
    %dma_wait3A_33 = tpu.memref_slice %arg2[%mul3A_2] : memref<327680xi32, #tpu.memory_space<hbm>> -> memref<128xi32, #tpu.memory_space<hbm>>
    tpu.wait_dma2 semaphore(%arg13 : memref<!tpu.dma_semaphore, #tpu.memory_space<semaphore_mem>>) src(%dma_wait3A_33 : memref<128xi32, #tpu.memory_space<hbm>>) dst(%arg8 : memref<128xi32, #tpu.memory_space<vmem>>)
    "tpu.region"() ({
      %run_scoped3A = tpu.sem_alloc : memref<!tpu.dma_semaphore, #tpu.memory_space<semaphore_mem>>
      %dma_start3A_43 = arith.constant 0 : i32
      %dma_start3A_44 = arith.constant 0 : i32
      %dma_start3A_45 = tpu.memref_slice %arg10[%dma_start3A_43, %dma_start3A_44] : memref<10112x128xf32, #tpu.memory_space<vmem_shared>> -> memref<10112x128xf32, #tpu.memory_space<vmem_shared>>
      tpu.enqueue_indirect_dma source(%arg9 : memref<128x128xf32, #tpu.memory_space<vmem>>) target(%dma_start3A_45 : memref<10112x128xf32, #tpu.memory_space<vmem_shared>>) offsets(%arg8 : memref<128xi32, #tpu.memory_space<vmem>>) semaphore(%run_scoped3A : memref<!tpu.dma_semaphore, #tpu.memory_space<semaphore_mem>>) {add = true}
      %dma_wait3A_46 = arith.constant 0 : i32
      %dma_wait3A_47 = arith.constant 0 : i32
      %dma_wait3A_48 = tpu.memref_slice %arg10[%dma_wait3A_46, %dma_wait3A_47] : memref<10112x128xf32, #tpu.memory_space<vmem_shared>> -> memref<10112x128xf32, #tpu.memory_space<vmem_shared>>
      tpu.wait_indirect_dma semaphore(%run_scoped3A : memref<!tpu.dma_semaphore, #tpu.memory_space<semaphore_mem>>) src(%arg9 : memref<128x128xf32, #tpu.memory_space<vmem>>) dst(%dma_wait3A_48 : memref<10112x128xf32, #tpu.memory_space<vmem_shared>>)
      tpu.yield
    }) : () -> ()
    %dma_wait3A_34 = tpu.memref_slice %arg2[%mul3A_2] : memref<327680xi32, #tpu.memory_space<hbm>> -> memref<128xi32, #tpu.memory_space<hbm>>
    %dma_wait3A_35 = tpu.memref_slice %arg2[%mul3A_2] : memref<327680xi32, #tpu.memory_space<hbm>> -> memref<128xi32, #tpu.memory_space<hbm>>
    tpu.wait_dma2 semaphore(%arg11 : memref<!tpu.dma_semaphore, #tpu.memory_space<semaphore_mem>>) src(%dma_wait3A_35 : memref<128xi32, #tpu.memory_space<hbm>>) dst(%arg6 : memref<128xi32, #tpu.memory_space<vmem>>)
    "tpu.region"() ({
      %run_scoped3A = tpu.sem_alloc : memref<!tpu.dma_semaphore, #tpu.memory_space<semaphore_mem>>
      %dma_start3A_43 = arith.constant 0 : i32
      %dma_start3A_44 = arith.constant 0 : i32
      %dma_start3A_45 = tpu.memref_slice %arg10[%dma_start3A_43, %dma_start3A_44] : memref<10112x128xf32, #tpu.memory_space<vmem_shared>> -> memref<10112x128xf32, #tpu.memory_space<vmem_shared>>
      tpu.enqueue_indirect_dma source(%arg9 : memref<128x128xf32, #tpu.memory_space<vmem>>) target(%dma_start3A_45 : memref<10112x128xf32, #tpu.memory_space<vmem_shared>>) offsets(%arg6 : memref<128xi32, #tpu.memory_space<vmem>>) semaphore(%run_scoped3A : memref<!tpu.dma_semaphore, #tpu.memory_space<semaphore_mem>>) {add = true}
      %dma_wait3A_46 = arith.constant 0 : i32
      %dma_wait3A_47 = arith.constant 0 : i32
      %dma_wait3A_48 = tpu.memref_slice %arg10[%dma_wait3A_46, %dma_wait3A_47] : memref<10112x128xf32, #tpu.memory_space<vmem_shared>> -> memref<10112x128xf32, #tpu.memory_space<vmem_shared>>
      tpu.wait_indirect_dma semaphore(%run_scoped3A : memref<!tpu.dma_semaphore, #tpu.memory_space<semaphore_mem>>) src(%arg9 : memref<128x128xf32, #tpu.memory_space<vmem>>) dst(%dma_wait3A_48 : memref<10112x128xf32, #tpu.memory_space<vmem_shared>>)
      tpu.yield
    }) : () -> ()
    %dma_wait3A_36 = tpu.memref_slice %arg2[%mul3A_2] : memref<327680xi32, #tpu.memory_space<hbm>> -> memref<128xi32, #tpu.memory_space<hbm>>
    %dma_wait3A_37 = tpu.memref_slice %arg2[%mul3A_2] : memref<327680xi32, #tpu.memory_space<hbm>> -> memref<128xi32, #tpu.memory_space<hbm>>
    tpu.wait_dma2 semaphore(%arg12 : memref<!tpu.dma_semaphore, #tpu.memory_space<semaphore_mem>>) src(%dma_wait3A_37 : memref<128xi32, #tpu.memory_space<hbm>>) dst(%arg7 : memref<128xi32, #tpu.memory_space<vmem>>)
    "tpu.region"() ({
      %run_scoped3A = tpu.sem_alloc : memref<!tpu.dma_semaphore, #tpu.memory_space<semaphore_mem>>
      %dma_start3A_43 = arith.constant 0 : i32
      %dma_start3A_44 = arith.constant 0 : i32
      %dma_start3A_45 = tpu.memref_slice %arg10[%dma_start3A_43, %dma_start3A_44] : memref<10112x128xf32, #tpu.memory_space<vmem_shared>> -> memref<10112x128xf32, #tpu.memory_space<vmem_shared>>
      tpu.enqueue_indirect_dma source(%arg9 : memref<128x128xf32, #tpu.memory_space<vmem>>) target(%dma_start3A_45 : memref<10112x128xf32, #tpu.memory_space<vmem_shared>>) offsets(%arg7 : memref<128xi32, #tpu.memory_space<vmem>>) semaphore(%run_scoped3A : memref<!tpu.dma_semaphore, #tpu.memory_space<semaphore_mem>>) {add = true}
      %dma_wait3A_46 = arith.constant 0 : i32
      %dma_wait3A_47 = arith.constant 0 : i32
      %dma_wait3A_48 = tpu.memref_slice %arg10[%dma_wait3A_46, %dma_wait3A_47] : memref<10112x128xf32, #tpu.memory_space<vmem_shared>> -> memref<10112x128xf32, #tpu.memory_space<vmem_shared>>
      tpu.wait_indirect_dma semaphore(%run_scoped3A : memref<!tpu.dma_semaphore, #tpu.memory_space<semaphore_mem>>) src(%arg9 : memref<128x128xf32, #tpu.memory_space<vmem>>) dst(%dma_wait3A_48 : memref<10112x128xf32, #tpu.memory_space<vmem_shared>>)
      tpu.yield
    }) : () -> ()
    %barrier3A_38 = arith.constant 0 : index
    tpu.barrier barrier_id(%barrier3A_38)
    %mul3A_39 = arith.constant 632 : i32
    %mul3A_40 = arith.muli %arg1, %mul3A_39 : i32
    %mul3A_41 = arith.constant 632 : i32
    %mul3A_42 = arith.muli %arg1, %mul3A_41 : i32
    "tpu.region"() ({
      %run_scoped3A = tpu.sem_alloc : memref<!tpu.dma_semaphore, #tpu.memory_space<semaphore_mem>>
      %dma_start3A_43 = arith.constant 0 : i32
      %dma_start3A_44 = arith.constant 0 : i32
      %dma_start3A_45 = tpu.memref_slice %arg5[%arg0, %dma_start3A_43, %dma_start3A_44] : memref<2x10112x128xf32, #tpu.memory_space<hbm>> -> memref<1x10112x128xf32, #tpu.memory_space<hbm>>
      %dma_start3A_46 = tpu.memref_squeeze %dma_start3A_45 : memref<1x10112x128xf32, #tpu.memory_space<hbm>> -> memref<10112x128xf32, #tpu.memory_space<hbm>>
      %dma_start3A_47 = arith.constant 0 : i32
      %dma_start3A_48 = tpu.memref_slice %dma_start3A_46[%mul3A_42, %dma_start3A_47] : memref<10112x128xf32, #tpu.memory_space<hbm>> -> memref<632x128xf32, #tpu.memory_space<hbm>>
      %dma_start3A_49 = arith.constant 0 : i32
      %dma_start3A_50 = tpu.memref_slice %arg10[%mul3A_40, %dma_start3A_49] : memref<10112x128xf32, #tpu.memory_space<vmem_shared>> -> memref<632x128xf32, #tpu.memory_space<vmem_shared>>
      tpu.enqueue_dma source(%dma_start3A_50 : memref<632x128xf32, #tpu.memory_space<vmem_shared>>) target(%dma_start3A_48 : memref<632x128xf32, #tpu.memory_space<hbm>>) target_semaphore(%run_scoped3A : memref<!tpu.dma_semaphore, #tpu.memory_space<semaphore_mem>>)
      %dma_wait3A_51 = arith.constant 0 : i32
      %dma_wait3A_52 = arith.constant 0 : i32
      %dma_wait3A_53 = tpu.memref_slice %arg5[%arg0, %dma_wait3A_51, %dma_wait3A_52] : memref<2x10112x128xf32, #tpu.memory_space<hbm>> -> memref<1x10112x128xf32, #tpu.memory_space<hbm>>
      %dma_wait3A_54 = tpu.memref_squeeze %dma_wait3A_53 : memref<1x10112x128xf32, #tpu.memory_space<hbm>> -> memref<10112x128xf32, #tpu.memory_space<hbm>>
      %dma_wait3A_55 = arith.constant 0 : i32
      %dma_wait3A_56 = tpu.memref_slice %dma_wait3A_54[%mul3A_42, %dma_wait3A_55] : memref<10112x128xf32, #tpu.memory_space<hbm>> -> memref<632x128xf32, #tpu.memory_space<hbm>>
      %dma_wait3A_57 = arith.constant 0 : i32
      %dma_wait3A_58 = tpu.memref_slice %arg10[%mul3A_40, %dma_wait3A_57] : memref<10112x128xf32, #tpu.memory_space<vmem_shared>> -> memref<632x128xf32, #tpu.memory_space<vmem_shared>>
      tpu.wait_dma2 semaphore(%run_scoped3A : memref<!tpu.dma_semaphore, #tpu.memory_space<semaphore_mem>>) src(%dma_wait3A_58 : memref<632x128xf32, #tpu.memory_space<vmem_shared>>) dst(%dma_wait3A_56 : memref<632x128xf32, #tpu.memory_space<hbm>>)
      tpu.yield
    }) : () -> ()
    return
  }
}

#map = affine_map<(d0, d1) -> (0, 0)>
#map1 = affine_map<(d0, d1) -> (0)>
#map2 = affine_map<(d0, d1) -> (0, 0, 0)>
module attributes {stable_mosaic.version = 14 : i64} {
  func.func @_sc_scatter_rows_body(%arg0: i32, %arg1: i32, %arg2: memref<10000x128xf32, #tpu.memory_space<hbm>>, %arg3: memref<327680xi32, #tpu.memory_space<hbm>>, %arg4: memref<327680xi32, #tpu.memory_space<hbm>>, %arg5: memref<632x128xf32, #tpu.memory_space<hbm>>, %arg6: memref<2x10112x128xf32, #tpu.memory_space<hbm>>, %arg7: memref<128xi32, #tpu.memory_space<vmem>>, %arg8: memref<128xi32, #tpu.memory_space<vmem>>, %arg9: memref<128xi32, #tpu.memory_space<vmem>>, %arg10: memref<128xi32, #tpu.memory_space<vmem>>, %arg11: memref<128xi32, #tpu.memory_space<vmem>>, %arg12: memref<128xi32, #tpu.memory_space<vmem>>, %arg13: memref<128x128xf32, #tpu.memory_space<vmem>>, %arg14: memref<128x128xf32, #tpu.memory_space<vmem>>, %arg15: memref<128x128xf32, #tpu.memory_space<vmem>>, %arg16: memref<10112x128xf32, #tpu.memory_space<vmem_shared>>, %arg17: memref<!tpu.dma_semaphore, #tpu.memory_space<semaphore_mem>>, %arg18: memref<!tpu.dma_semaphore, #tpu.memory_space<semaphore_mem>>, %arg19: memref<!tpu.dma_semaphore, #tpu.memory_space<semaphore_mem>>, %arg20: memref<!tpu.dma_semaphore, #tpu.memory_space<semaphore_mem>>, %arg21: memref<!tpu.dma_semaphore, #tpu.memory_space<semaphore_mem>>, %arg22: memref<!tpu.dma_semaphore, #tpu.memory_space<semaphore_mem>>) attributes {dimension_semantics = [#tpu.dimension_semantics<core_parallel>, #tpu.dimension_semantics<subcore_parallel>], iteration_bounds = array<i64: 2, 16>, scalar_prefetch = 0 : i64, scratch_operands = 16 : i64, tpu.core_type = #tpu.core_type<sc_vector_subcore>, window_params = [{transform_indices = #map}, {transform_indices = #map1}, {transform_indices = #map1}, {transform_indices = #map}, {transform_indices = #map2}]} {
    %mul3A = arith.constant 2 : i32
    %mul3A_0 = arith.muli %arg1, %mul3A : i32
    %add3A = arith.addi %mul3A_0, %arg0 : i32
    %mul3A_1 = arith.constant 10240 : i32
    %mul3A_2 = arith.muli %add3A, %mul3A_1 : i32
    %add3A_3 = arith.constant 0 : i32
    %add3A_4 = arith.addi %mul3A_2, %add3A_3 : i32
    %dma_start3A = tpu.memref_slice %arg3[%add3A_4] : memref<327680xi32, #tpu.memory_space<hbm>> -> memref<128xi32, #tpu.memory_space<hbm>>
    %dma_start3A_5 = tpu.memref_slice %arg3[%add3A_4] : memref<327680xi32, #tpu.memory_space<hbm>> -> memref<128xi32, #tpu.memory_space<hbm>>
    tpu.enqueue_dma source(%dma_start3A_5 : memref<128xi32, #tpu.memory_space<hbm>>) target(%arg7 : memref<128xi32, #tpu.memory_space<vmem>>) target_semaphore(%arg17 : memref<!tpu.dma_semaphore, #tpu.memory_space<semaphore_mem>>)
    %add3A_6 = arith.constant 0 : i32
    %add3A_7 = arith.addi %mul3A_2, %add3A_6 : i32
    %dma_start3A_8 = tpu.memref_slice %arg4[%add3A_7] : memref<327680xi32, #tpu.memory_space<hbm>> -> memref<128xi32, #tpu.memory_space<hbm>>
    %dma_start3A_9 = tpu.memref_slice %arg4[%add3A_7] : memref<327680xi32, #tpu.memory_space<hbm>> -> memref<128xi32, #tpu.memory_space<hbm>>
    tpu.enqueue_dma source(%dma_start3A_9 : memref<128xi32, #tpu.memory_space<hbm>>) target(%arg10 : memref<128xi32, #tpu.memory_space<vmem>>) target_semaphore(%arg17 : memref<!tpu.dma_semaphore, #tpu.memory_space<semaphore_mem>>)
    %add3A_10 = arith.constant 128 : i32
    %add3A_11 = arith.addi %mul3A_2, %add3A_10 : i32
    %dma_start3A_12 = tpu.memref_slice %arg3[%add3A_11] : memref<327680xi32, #tpu.memory_space<hbm>> -> memref<128xi32, #tpu.memory_space<hbm>>
    %dma_start3A_13 = tpu.memref_slice %arg3[%add3A_11] : memref<327680xi32, #tpu.memory_space<hbm>> -> memref<128xi32, #tpu.memory_space<hbm>>
    tpu.enqueue_dma source(%dma_start3A_13 : memref<128xi32, #tpu.memory_space<hbm>>) target(%arg8 : memref<128xi32, #tpu.memory_space<vmem>>) target_semaphore(%arg18 : memref<!tpu.dma_semaphore, #tpu.memory_space<semaphore_mem>>)
    %add3A_14 = arith.constant 128 : i32
    %add3A_15 = arith.addi %mul3A_2, %add3A_14 : i32
    %dma_start3A_16 = tpu.memref_slice %arg4[%add3A_15] : memref<327680xi32, #tpu.memory_space<hbm>> -> memref<128xi32, #tpu.memory_space<hbm>>
    %dma_start3A_17 = tpu.memref_slice %arg4[%add3A_15] : memref<327680xi32, #tpu.memory_space<hbm>> -> memref<128xi32, #tpu.memory_space<hbm>>
    tpu.enqueue_dma source(%dma_start3A_17 : memref<128xi32, #tpu.memory_space<hbm>>) target(%arg11 : memref<128xi32, #tpu.memory_space<vmem>>) target_semaphore(%arg18 : memref<!tpu.dma_semaphore, #tpu.memory_space<semaphore_mem>>)
    %add3A_18 = arith.constant 256 : i32
    %add3A_19 = arith.addi %mul3A_2, %add3A_18 : i32
    %dma_start3A_20 = tpu.memref_slice %arg3[%add3A_19] : memref<327680xi32, #tpu.memory_space<hbm>> -> memref<128xi32, #tpu.memory_space<hbm>>
    %dma_start3A_21 = tpu.memref_slice %arg3[%add3A_19] : memref<327680xi32, #tpu.memory_space<hbm>> -> memref<128xi32, #tpu.memory_space<hbm>>
    tpu.enqueue_dma source(%dma_start3A_21 : memref<128xi32, #tpu.memory_space<hbm>>) target(%arg9 : memref<128xi32, #tpu.memory_space<vmem>>) target_semaphore(%arg19 : memref<!tpu.dma_semaphore, #tpu.memory_space<semaphore_mem>>)
    %add3A_22 = arith.constant 256 : i32
    %add3A_23 = arith.addi %mul3A_2, %add3A_22 : i32
    %dma_start3A_24 = tpu.memref_slice %arg4[%add3A_23] : memref<327680xi32, #tpu.memory_space<hbm>> -> memref<128xi32, #tpu.memory_space<hbm>>
    %dma_start3A_25 = tpu.memref_slice %arg4[%add3A_23] : memref<327680xi32, #tpu.memory_space<hbm>> -> memref<128xi32, #tpu.memory_space<hbm>>
    tpu.enqueue_dma source(%dma_start3A_25 : memref<128xi32, #tpu.memory_space<hbm>>) target(%arg12 : memref<128xi32, #tpu.memory_space<vmem>>) target_semaphore(%arg19 : memref<!tpu.dma_semaphore, #tpu.memory_space<semaphore_mem>>)
    %mul3A_26 = arith.constant 632 : i32
    %mul3A_27 = arith.muli %arg1, %mul3A_26 : i32
    "tpu.region"() ({
      %run_scoped3A = tpu.sem_alloc : memref<!tpu.dma_semaphore, #tpu.memory_space<semaphore_mem>>
      %dma_start3A_103 = arith.constant 0 : i32
      %dma_start3A_104 = tpu.memref_slice %arg16[%mul3A_27, %dma_start3A_103] : memref<10112x128xf32, #tpu.memory_space<vmem_shared>> -> memref<632x128xf32, #tpu.memory_space<vmem_shared>>
      tpu.enqueue_dma source(%arg5 : memref<632x128xf32, #tpu.memory_space<hbm>>) target(%dma_start3A_104 : memref<632x128xf32, #tpu.memory_space<vmem_shared>>) target_semaphore(%run_scoped3A : memref<!tpu.dma_semaphore, #tpu.memory_space<semaphore_mem>>)
      %dma_wait3A_105 = arith.constant 0 : i32
      %dma_wait3A_106 = tpu.memref_slice %arg16[%mul3A_27, %dma_wait3A_105] : memref<10112x128xf32, #tpu.memory_space<vmem_shared>> -> memref<632x128xf32, #tpu.memory_space<vmem_shared>>
      tpu.wait_dma2 semaphore(%run_scoped3A : memref<!tpu.dma_semaphore, #tpu.memory_space<semaphore_mem>>) src(%arg5 : memref<632x128xf32, #tpu.memory_space<hbm>>) dst(%dma_wait3A_106 : memref<632x128xf32, #tpu.memory_space<vmem_shared>>)
      tpu.yield
    }) : () -> ()
    %dma_wait3A = tpu.memref_slice %arg3[%mul3A_2] : memref<327680xi32, #tpu.memory_space<hbm>> -> memref<128xi32, #tpu.memory_space<hbm>>
    %dma_wait3A_28 = tpu.memref_slice %arg3[%mul3A_2] : memref<327680xi32, #tpu.memory_space<hbm>> -> memref<128xi32, #tpu.memory_space<hbm>>
    tpu.wait_dma2 semaphore(%arg17 : memref<!tpu.dma_semaphore, #tpu.memory_space<semaphore_mem>>) src(%dma_wait3A_28 : memref<128xi32, #tpu.memory_space<hbm>>) dst(%arg7 : memref<128xi32, #tpu.memory_space<vmem>>)
    %dma_wait3A_29 = tpu.memref_slice %arg4[%mul3A_2] : memref<327680xi32, #tpu.memory_space<hbm>> -> memref<128xi32, #tpu.memory_space<hbm>>
    %dma_wait3A_30 = tpu.memref_slice %arg4[%mul3A_2] : memref<327680xi32, #tpu.memory_space<hbm>> -> memref<128xi32, #tpu.memory_space<hbm>>
    tpu.wait_dma2 semaphore(%arg17 : memref<!tpu.dma_semaphore, #tpu.memory_space<semaphore_mem>>) src(%dma_wait3A_30 : memref<128xi32, #tpu.memory_space<hbm>>) dst(%arg10 : memref<128xi32, #tpu.memory_space<vmem>>)
    %dma_start3A_31 = arith.constant 0 : i32
    %dma_start3A_32 = arith.constant 0 : i32
    %dma_start3A_33 = tpu.memref_slice %arg2[%dma_start3A_31, %dma_start3A_32] : memref<10000x128xf32, #tpu.memory_space<hbm>> -> memref<10000x128xf32, #tpu.memory_space<hbm>>
    tpu.enqueue_indirect_dma source(%dma_start3A_33 : memref<10000x128xf32, #tpu.memory_space<hbm>>) target(%arg13 : memref<128x128xf32, #tpu.memory_space<vmem>>) offsets(%arg7 : memref<128xi32, #tpu.memory_space<vmem>>) semaphore(%arg20 : memref<!tpu.dma_semaphore, #tpu.memory_space<semaphore_mem>>)
    %dma_wait3A_34 = tpu.memref_slice %arg3[%mul3A_2] : memref<327680xi32, #tpu.memory_space<hbm>> -> memref<128xi32, #tpu.memory_space<hbm>>
    %dma_wait3A_35 = tpu.memref_slice %arg3[%mul3A_2] : memref<327680xi32, #tpu.memory_space<hbm>> -> memref<128xi32, #tpu.memory_space<hbm>>
    tpu.wait_dma2 semaphore(%arg18 : memref<!tpu.dma_semaphore, #tpu.memory_space<semaphore_mem>>) src(%dma_wait3A_35 : memref<128xi32, #tpu.memory_space<hbm>>) dst(%arg8 : memref<128xi32, #tpu.memory_space<vmem>>)
    %dma_wait3A_36 = tpu.memref_slice %arg4[%mul3A_2] : memref<327680xi32, #tpu.memory_space<hbm>> -> memref<128xi32, #tpu.memory_space<hbm>>
    %dma_wait3A_37 = tpu.memref_slice %arg4[%mul3A_2] : memref<327680xi32, #tpu.memory_space<hbm>> -> memref<128xi32, #tpu.memory_space<hbm>>
    tpu.wait_dma2 semaphore(%arg18 : memref<!tpu.dma_semaphore, #tpu.memory_space<semaphore_mem>>) src(%dma_wait3A_37 : memref<128xi32, #tpu.memory_space<hbm>>) dst(%arg11 : memref<128xi32, #tpu.memory_space<vmem>>)
    %dma_start3A_38 = arith.constant 0 : i32
    %dma_start3A_39 = arith.constant 0 : i32
    %dma_start3A_40 = tpu.memref_slice %arg2[%dma_start3A_38, %dma_start3A_39] : memref<10000x128xf32, #tpu.memory_space<hbm>> -> memref<10000x128xf32, #tpu.memory_space<hbm>>
    tpu.enqueue_indirect_dma source(%dma_start3A_40 : memref<10000x128xf32, #tpu.memory_space<hbm>>) target(%arg14 : memref<128x128xf32, #tpu.memory_space<vmem>>) offsets(%arg8 : memref<128xi32, #tpu.memory_space<vmem>>) semaphore(%arg21 : memref<!tpu.dma_semaphore, #tpu.memory_space<semaphore_mem>>)
    %barrier3A = arith.constant 0 : index
    tpu.barrier barrier_id(%barrier3A)
    %scan3A = arith.constant 0 : i32
    %scan3A_41 = arith.constant 0 : i32
    %scan3A_42 = arith.constant 25 : i32
    %scan3A_43 = arith.addi %scan3A_41, %scan3A_42 : i32
    %scan3A_44 = arith.constant 1 : i32
    scf.for %scan3A_103 = %scan3A_41 to %scan3A_43 step %scan3A_44  : i32 {
      %mul3A_104 = arith.constant 3 : i32
      %mul3A_105 = arith.muli %scan3A_103, %mul3A_104 : i32
      %add3A_106 = arith.constant 0 : i32
      %add3A_107 = arith.addi %mul3A_105, %add3A_106 : i32
      %dma_wait3A_108 = tpu.memref_slice %arg3[%mul3A_2] : memref<327680xi32, #tpu.memory_space<hbm>> -> memref<128xi32, #tpu.memory_space<hbm>>
      %dma_wait3A_109 = tpu.memref_slice %arg3[%mul3A_2] : memref<327680xi32, #tpu.memory_space<hbm>> -> memref<128xi32, #tpu.memory_space<hbm>>
      tpu.wait_dma2 semaphore(%arg19 : memref<!tpu.dma_semaphore, #tpu.memory_space<semaphore_mem>>) src(%dma_wait3A_109 : memref<128xi32, #tpu.memory_space<hbm>>) dst(%arg9 : memref<128xi32, #tpu.memory_space<vmem>>)
      %dma_wait3A_110 = tpu.memref_slice %arg4[%mul3A_2] : memref<327680xi32, #tpu.memory_space<hbm>> -> memref<128xi32, #tpu.memory_space<hbm>>
      %dma_wait3A_111 = tpu.memref_slice %arg4[%mul3A_2] : memref<327680xi32, #tpu.memory_space<hbm>> -> memref<128xi32, #tpu.memory_space<hbm>>
      tpu.wait_dma2 semaphore(%arg19 : memref<!tpu.dma_semaphore, #tpu.memory_space<semaphore_mem>>) src(%dma_wait3A_111 : memref<128xi32, #tpu.memory_space<hbm>>) dst(%arg12 : memref<128xi32, #tpu.memory_space<vmem>>)
      %dma_start3A_112 = arith.constant 0 : i32
      %dma_start3A_113 = arith.constant 0 : i32
      %dma_start3A_114 = tpu.memref_slice %arg2[%dma_start3A_112, %dma_start3A_113] : memref<10000x128xf32, #tpu.memory_space<hbm>> -> memref<10000x128xf32, #tpu.memory_space<hbm>>
      tpu.enqueue_indirect_dma source(%dma_start3A_114 : memref<10000x128xf32, #tpu.memory_space<hbm>>) target(%arg15 : memref<128x128xf32, #tpu.memory_space<vmem>>) offsets(%arg9 : memref<128xi32, #tpu.memory_space<vmem>>) semaphore(%arg22 : memref<!tpu.dma_semaphore, #tpu.memory_space<semaphore_mem>>)
      %dma_wait3A_115 = arith.constant 0 : i32
      %dma_wait3A_116 = arith.constant 0 : i32
      %dma_wait3A_117 = tpu.memref_slice %arg2[%dma_wait3A_115, %dma_wait3A_116] : memref<10000x128xf32, #tpu.memory_space<hbm>> -> memref<10000x128xf32, #tpu.memory_space<hbm>>
      tpu.wait_indirect_dma semaphore(%arg20 : memref<!tpu.dma_semaphore, #tpu.memory_space<semaphore_mem>>) src(%dma_wait3A_117 : memref<10000x128xf32, #tpu.memory_space<hbm>>) dst(%arg13 : memref<128x128xf32, #tpu.memory_space<vmem>>)
      "tpu.region"() ({
        %run_scoped3A = tpu.sem_alloc : memref<!tpu.dma_semaphore, #tpu.memory_space<semaphore_mem>>
        %dma_start3A_178 = arith.constant 0 : i32
        %dma_start3A_179 = arith.constant 0 : i32
        %dma_start3A_180 = tpu.memref_slice %arg16[%dma_start3A_178, %dma_start3A_179] : memref<10112x128xf32, #tpu.memory_space<vmem_shared>> -> memref<10112x128xf32, #tpu.memory_space<vmem_shared>>
        tpu.enqueue_indirect_dma source(%arg13 : memref<128x128xf32, #tpu.memory_space<vmem>>) target(%dma_start3A_180 : memref<10112x128xf32, #tpu.memory_space<vmem_shared>>) offsets(%arg10 : memref<128xi32, #tpu.memory_space<vmem>>) semaphore(%run_scoped3A : memref<!tpu.dma_semaphore, #tpu.memory_space<semaphore_mem>>) {add = true}
        %dma_wait3A_181 = arith.constant 0 : i32
        %dma_wait3A_182 = arith.constant 0 : i32
        %dma_wait3A_183 = tpu.memref_slice %arg16[%dma_wait3A_181, %dma_wait3A_182] : memref<10112x128xf32, #tpu.memory_space<vmem_shared>> -> memref<10112x128xf32, #tpu.memory_space<vmem_shared>>
        tpu.wait_indirect_dma semaphore(%run_scoped3A : memref<!tpu.dma_semaphore, #tpu.memory_space<semaphore_mem>>) src(%arg13 : memref<128x128xf32, #tpu.memory_space<vmem>>) dst(%dma_wait3A_183 : memref<10112x128xf32, #tpu.memory_space<vmem_shared>>)
        tpu.yield
      }) : () -> ()
      %add3A_118 = arith.constant 3 : i32
      %add3A_119 = arith.addi %add3A_107, %add3A_118 : i32
      %mul3A_120 = arith.constant 128 : i32
      %mul3A_121 = arith.muli %add3A_119, %mul3A_120 : i32
      %add3A_122 = arith.addi %mul3A_2, %mul3A_121 : i32
      %dma_start3A_123 = tpu.memref_slice %arg3[%add3A_122] : memref<327680xi32, #tpu.memory_space<hbm>> -> memref<128xi32, #tpu.memory_space<hbm>>
      %dma_start3A_124 = tpu.memref_slice %arg3[%add3A_122] : memref<327680xi32, #tpu.memory_space<hbm>> -> memref<128xi32, #tpu.memory_space<hbm>>
      tpu.enqueue_dma source(%dma_start3A_124 : memref<128xi32, #tpu.memory_space<hbm>>) target(%arg7 : memref<128xi32, #tpu.memory_space<vmem>>) target_semaphore(%arg17 : memref<!tpu.dma_semaphore, #tpu.memory_space<semaphore_mem>>)
      %mul3A_125 = arith.constant 128 : i32
      %mul3A_126 = arith.muli %add3A_119, %mul3A_125 : i32
      %add3A_127 = arith.addi %mul3A_2, %mul3A_126 : i32
      %dma_start3A_128 = tpu.memref_slice %arg4[%add3A_127] : memref<327680xi32, #tpu.memory_space<hbm>> -> memref<128xi32, #tpu.memory_space<hbm>>
      %dma_start3A_129 = tpu.memref_slice %arg4[%add3A_127] : memref<327680xi32, #tpu.memory_space<hbm>> -> memref<128xi32, #tpu.memory_space<hbm>>
      tpu.enqueue_dma source(%dma_start3A_129 : memref<128xi32, #tpu.memory_space<hbm>>) target(%arg10 : memref<128xi32, #tpu.memory_space<vmem>>) target_semaphore(%arg17 : memref<!tpu.dma_semaphore, #tpu.memory_space<semaphore_mem>>)
      %add3A_130 = arith.constant 1 : i32
      %add3A_131 = arith.addi %mul3A_105, %add3A_130 : i32
      %dma_wait3A_132 = tpu.memref_slice %arg3[%mul3A_2] : memref<327680xi32, #tpu.memory_space<hbm>> -> memref<128xi32, #tpu.memory_space<hbm>>
      %dma_wait3A_133 = tpu.memref_slice %arg3[%mul3A_2] : memref<327680xi32, #tpu.memory_space<hbm>> -> memref<128xi32, #tpu.memory_space<hbm>>
      tpu.wait_dma2 semaphore(%arg17 : memref<!tpu.dma_semaphore, #tpu.memory_space<semaphore_mem>>) src(%dma_wait3A_133 : memref<128xi32, #tpu.memory_space<hbm>>) dst(%arg7 : memref<128xi32, #tpu.memory_space<vmem>>)
      %dma_wait3A_134 = tpu.memref_slice %arg4[%mul3A_2] : memref<327680xi32, #tpu.memory_space<hbm>> -> memref<128xi32, #tpu.memory_space<hbm>>
      %dma_wait3A_135 = tpu.memref_slice %arg4[%mul3A_2] : memref<327680xi32, #tpu.memory_space<hbm>> -> memref<128xi32, #tpu.memory_space<hbm>>
      tpu.wait_dma2 semaphore(%arg17 : memref<!tpu.dma_semaphore, #tpu.memory_space<semaphore_mem>>) src(%dma_wait3A_135 : memref<128xi32, #tpu.memory_space<hbm>>) dst(%arg10 : memref<128xi32, #tpu.memory_space<vmem>>)
      %dma_start3A_136 = arith.constant 0 : i32
      %dma_start3A_137 = arith.constant 0 : i32
      %dma_start3A_138 = tpu.memref_slice %arg2[%dma_start3A_136, %dma_start3A_137] : memref<10000x128xf32, #tpu.memory_space<hbm>> -> memref<10000x128xf32, #tpu.memory_space<hbm>>
      tpu.enqueue_indirect_dma source(%dma_start3A_138 : memref<10000x128xf32, #tpu.memory_space<hbm>>) target(%arg13 : memref<128x128xf32, #tpu.memory_space<vmem>>) offsets(%arg7 : memref<128xi32, #tpu.memory_space<vmem>>) semaphore(%arg20 : memref<!tpu.dma_semaphore, #tpu.memory_space<semaphore_mem>>)
      %dma_wait3A_139 = arith.constant 0 : i32
      %dma_wait3A_140 = arith.constant 0 : i32
      %dma_wait3A_141 = tpu.memref_slice %arg2[%dma_wait3A_139, %dma_wait3A_140] : memref<10000x128xf32, #tpu.memory_space<hbm>> -> memref<10000x128xf32, #tpu.memory_space<hbm>>
      tpu.wait_indirect_dma semaphore(%arg21 : memref<!tpu.dma_semaphore, #tpu.memory_space<semaphore_mem>>) src(%dma_wait3A_141 : memref<10000x128xf32, #tpu.memory_space<hbm>>) dst(%arg14 : memref<128x128xf32, #tpu.memory_space<vmem>>)
      "tpu.region"() ({
        %run_scoped3A = tpu.sem_alloc : memref<!tpu.dma_semaphore, #tpu.memory_space<semaphore_mem>>
        %dma_start3A_178 = arith.constant 0 : i32
        %dma_start3A_179 = arith.constant 0 : i32
        %dma_start3A_180 = tpu.memref_slice %arg16[%dma_start3A_178, %dma_start3A_179] : memref<10112x128xf32, #tpu.memory_space<vmem_shared>> -> memref<10112x128xf32, #tpu.memory_space<vmem_shared>>
        tpu.enqueue_indirect_dma source(%arg14 : memref<128x128xf32, #tpu.memory_space<vmem>>) target(%dma_start3A_180 : memref<10112x128xf32, #tpu.memory_space<vmem_shared>>) offsets(%arg11 : memref<128xi32, #tpu.memory_space<vmem>>) semaphore(%run_scoped3A : memref<!tpu.dma_semaphore, #tpu.memory_space<semaphore_mem>>) {add = true}
        %dma_wait3A_181 = arith.constant 0 : i32
        %dma_wait3A_182 = arith.constant 0 : i32
        %dma_wait3A_183 = tpu.memref_slice %arg16[%dma_wait3A_181, %dma_wait3A_182] : memref<10112x128xf32, #tpu.memory_space<vmem_shared>> -> memref<10112x128xf32, #tpu.memory_space<vmem_shared>>
        tpu.wait_indirect_dma semaphore(%run_scoped3A : memref<!tpu.dma_semaphore, #tpu.memory_space<semaphore_mem>>) src(%arg14 : memref<128x128xf32, #tpu.memory_space<vmem>>) dst(%dma_wait3A_183 : memref<10112x128xf32, #tpu.memory_space<vmem_shared>>)
        tpu.yield
      }) : () -> ()
      %add3A_142 = arith.constant 3 : i32
      %add3A_143 = arith.addi %add3A_131, %add3A_142 : i32
      %mul3A_144 = arith.constant 128 : i32
      %mul3A_145 = arith.muli %add3A_143, %mul3A_144 : i32
      %add3A_146 = arith.addi %mul3A_2, %mul3A_145 : i32
      %dma_start3A_147 = tpu.memref_slice %arg3[%add3A_146] : memref<327680xi32, #tpu.memory_space<hbm>> -> memref<128xi32, #tpu.memory_space<hbm>>
      %dma_start3A_148 = tpu.memref_slice %arg3[%add3A_146] : memref<327680xi32, #tpu.memory_space<hbm>> -> memref<128xi32, #tpu.memory_space<hbm>>
      tpu.enqueue_dma source(%dma_start3A_148 : memref<128xi32, #tpu.memory_space<hbm>>) target(%arg8 : memref<128xi32, #tpu.memory_space<vmem>>) target_semaphore(%arg18 : memref<!tpu.dma_semaphore, #tpu.memory_space<semaphore_mem>>)
      %mul3A_149 = arith.constant 128 : i32
      %mul3A_150 = arith.muli %add3A_143, %mul3A_149 : i32
      %add3A_151 = arith.addi %mul3A_2, %mul3A_150 : i32
      %dma_start3A_152 = tpu.memref_slice %arg4[%add3A_151] : memref<327680xi32, #tpu.memory_space<hbm>> -> memref<128xi32, #tpu.memory_space<hbm>>
      %dma_start3A_153 = tpu.memref_slice %arg4[%add3A_151] : memref<327680xi32, #tpu.memory_space<hbm>> -> memref<128xi32, #tpu.memory_space<hbm>>
      tpu.enqueue_dma source(%dma_start3A_153 : memref<128xi32, #tpu.memory_space<hbm>>) target(%arg11 : memref<128xi32, #tpu.memory_space<vmem>>) target_semaphore(%arg18 : memref<!tpu.dma_semaphore, #tpu.memory_space<semaphore_mem>>)
      %add3A_154 = arith.constant 2 : i32
      %add3A_155 = arith.addi %mul3A_105, %add3A_154 : i32
      %dma_wait3A_156 = tpu.memref_slice %arg3[%mul3A_2] : memref<327680xi32, #tpu.memory_space<hbm>> -> memref<128xi32, #tpu.memory_space<hbm>>
      %dma_wait3A_157 = tpu.memref_slice %arg3[%mul3A_2] : memref<327680xi32, #tpu.memory_space<hbm>> -> memref<128xi32, #tpu.memory_space<hbm>>
      tpu.wait_dma2 semaphore(%arg18 : memref<!tpu.dma_semaphore, #tpu.memory_space<semaphore_mem>>) src(%dma_wait3A_157 : memref<128xi32, #tpu.memory_space<hbm>>) dst(%arg8 : memref<128xi32, #tpu.memory_space<vmem>>)
      %dma_wait3A_158 = tpu.memref_slice %arg4[%mul3A_2] : memref<327680xi32, #tpu.memory_space<hbm>> -> memref<128xi32, #tpu.memory_space<hbm>>
      %dma_wait3A_159 = tpu.memref_slice %arg4[%mul3A_2] : memref<327680xi32, #tpu.memory_space<hbm>> -> memref<128xi32, #tpu.memory_space<hbm>>
      tpu.wait_dma2 semaphore(%arg18 : memref<!tpu.dma_semaphore, #tpu.memory_space<semaphore_mem>>) src(%dma_wait3A_159 : memref<128xi32, #tpu.memory_space<hbm>>) dst(%arg11 : memref<128xi32, #tpu.memory_space<vmem>>)
      %dma_start3A_160 = arith.constant 0 : i32
      %dma_start3A_161 = arith.constant 0 : i32
      %dma_start3A_162 = tpu.memref_slice %arg2[%dma_start3A_160, %dma_start3A_161] : memref<10000x128xf32, #tpu.memory_space<hbm>> -> memref<10000x128xf32, #tpu.memory_space<hbm>>
      tpu.enqueue_indirect_dma source(%dma_start3A_162 : memref<10000x128xf32, #tpu.memory_space<hbm>>) target(%arg14 : memref<128x128xf32, #tpu.memory_space<vmem>>) offsets(%arg8 : memref<128xi32, #tpu.memory_space<vmem>>) semaphore(%arg21 : memref<!tpu.dma_semaphore, #tpu.memory_space<semaphore_mem>>)
      %dma_wait3A_163 = arith.constant 0 : i32
      %dma_wait3A_164 = arith.constant 0 : i32
      %dma_wait3A_165 = tpu.memref_slice %arg2[%dma_wait3A_163, %dma_wait3A_164] : memref<10000x128xf32, #tpu.memory_space<hbm>> -> memref<10000x128xf32, #tpu.memory_space<hbm>>
      tpu.wait_indirect_dma semaphore(%arg22 : memref<!tpu.dma_semaphore, #tpu.memory_space<semaphore_mem>>) src(%dma_wait3A_165 : memref<10000x128xf32, #tpu.memory_space<hbm>>) dst(%arg15 : memref<128x128xf32, #tpu.memory_space<vmem>>)
      "tpu.region"() ({
        %run_scoped3A = tpu.sem_alloc : memref<!tpu.dma_semaphore, #tpu.memory_space<semaphore_mem>>
        %dma_start3A_178 = arith.constant 0 : i32
        %dma_start3A_179 = arith.constant 0 : i32
        %dma_start3A_180 = tpu.memref_slice %arg16[%dma_start3A_178, %dma_start3A_179] : memref<10112x128xf32, #tpu.memory_space<vmem_shared>> -> memref<10112x128xf32, #tpu.memory_space<vmem_shared>>
        tpu.enqueue_indirect_dma source(%arg15 : memref<128x128xf32, #tpu.memory_space<vmem>>) target(%dma_start3A_180 : memref<10112x128xf32, #tpu.memory_space<vmem_shared>>) offsets(%arg12 : memref<128xi32, #tpu.memory_space<vmem>>) semaphore(%run_scoped3A : memref<!tpu.dma_semaphore, #tpu.memory_space<semaphore_mem>>) {add = true}
        %dma_wait3A_181 = arith.constant 0 : i32
        %dma_wait3A_182 = arith.constant 0 : i32
        %dma_wait3A_183 = tpu.memref_slice %arg16[%dma_wait3A_181, %dma_wait3A_182] : memref<10112x128xf32, #tpu.memory_space<vmem_shared>> -> memref<10112x128xf32, #tpu.memory_space<vmem_shared>>
        tpu.wait_indirect_dma semaphore(%run_scoped3A : memref<!tpu.dma_semaphore, #tpu.memory_space<semaphore_mem>>) src(%arg15 : memref<128x128xf32, #tpu.memory_space<vmem>>) dst(%dma_wait3A_183 : memref<10112x128xf32, #tpu.memory_space<vmem_shared>>)
        tpu.yield
      }) : () -> ()
      %add3A_166 = arith.constant 3 : i32
      %add3A_167 = arith.addi %add3A_155, %add3A_166 : i32
      %mul3A_168 = arith.constant 128 : i32
      %mul3A_169 = arith.muli %add3A_167, %mul3A_168 : i32
      %add3A_170 = arith.addi %mul3A_2, %mul3A_169 : i32
      %dma_start3A_171 = tpu.memref_slice %arg3[%add3A_170] : memref<327680xi32, #tpu.memory_space<hbm>> -> memref<128xi32, #tpu.memory_space<hbm>>
      %dma_start3A_172 = tpu.memref_slice %arg3[%add3A_170] : memref<327680xi32, #tpu.memory_space<hbm>> -> memref<128xi32, #tpu.memory_space<hbm>>
      tpu.enqueue_dma source(%dma_start3A_172 : memref<128xi32, #tpu.memory_space<hbm>>) target(%arg9 : memref<128xi32, #tpu.memory_space<vmem>>) target_semaphore(%arg19 : memref<!tpu.dma_semaphore, #tpu.memory_space<semaphore_mem>>)
      %mul3A_173 = arith.constant 128 : i32
      %mul3A_174 = arith.muli %add3A_167, %mul3A_173 : i32
      %add3A_175 = arith.addi %mul3A_2, %mul3A_174 : i32
      %dma_start3A_176 = tpu.memref_slice %arg4[%add3A_175] : memref<327680xi32, #tpu.memory_space<hbm>> -> memref<128xi32, #tpu.memory_space<hbm>>
      %dma_start3A_177 = tpu.memref_slice %arg4[%add3A_175] : memref<327680xi32, #tpu.memory_space<hbm>> -> memref<128xi32, #tpu.memory_space<hbm>>
      tpu.enqueue_dma source(%dma_start3A_177 : memref<128xi32, #tpu.memory_space<hbm>>) target(%arg12 : memref<128xi32, #tpu.memory_space<vmem>>) target_semaphore(%arg19 : memref<!tpu.dma_semaphore, #tpu.memory_space<semaphore_mem>>)
    }
    %scan3A_45 = arith.constant 25 : i32
    %dma_wait3A_46 = tpu.memref_slice %arg3[%mul3A_2] : memref<327680xi32, #tpu.memory_space<hbm>> -> memref<128xi32, #tpu.memory_space<hbm>>
    %dma_wait3A_47 = tpu.memref_slice %arg3[%mul3A_2] : memref<327680xi32, #tpu.memory_space<hbm>> -> memref<128xi32, #tpu.memory_space<hbm>>
    tpu.wait_dma2 semaphore(%arg19 : memref<!tpu.dma_semaphore, #tpu.memory_space<semaphore_mem>>) src(%dma_wait3A_47 : memref<128xi32, #tpu.memory_space<hbm>>) dst(%arg9 : memref<128xi32, #tpu.memory_space<vmem>>)
    %dma_wait3A_48 = tpu.memref_slice %arg4[%mul3A_2] : memref<327680xi32, #tpu.memory_space<hbm>> -> memref<128xi32, #tpu.memory_space<hbm>>
    %dma_wait3A_49 = tpu.memref_slice %arg4[%mul3A_2] : memref<327680xi32, #tpu.memory_space<hbm>> -> memref<128xi32, #tpu.memory_space<hbm>>
    tpu.wait_dma2 semaphore(%arg19 : memref<!tpu.dma_semaphore, #tpu.memory_space<semaphore_mem>>) src(%dma_wait3A_49 : memref<128xi32, #tpu.memory_space<hbm>>) dst(%arg12 : memref<128xi32, #tpu.memory_space<vmem>>)
    %dma_start3A_50 = arith.constant 0 : i32
    %dma_start3A_51 = arith.constant 0 : i32
    %dma_start3A_52 = tpu.memref_slice %arg2[%dma_start3A_50, %dma_start3A_51] : memref<10000x128xf32, #tpu.memory_space<hbm>> -> memref<10000x128xf32, #tpu.memory_space<hbm>>
    tpu.enqueue_indirect_dma source(%dma_start3A_52 : memref<10000x128xf32, #tpu.memory_space<hbm>>) target(%arg15 : memref<128x128xf32, #tpu.memory_space<vmem>>) offsets(%arg9 : memref<128xi32, #tpu.memory_space<vmem>>) semaphore(%arg22 : memref<!tpu.dma_semaphore, #tpu.memory_space<semaphore_mem>>)
    %dma_wait3A_53 = arith.constant 0 : i32
    %dma_wait3A_54 = arith.constant 0 : i32
    %dma_wait3A_55 = tpu.memref_slice %arg2[%dma_wait3A_53, %dma_wait3A_54] : memref<10000x128xf32, #tpu.memory_space<hbm>> -> memref<10000x128xf32, #tpu.memory_space<hbm>>
    tpu.wait_indirect_dma semaphore(%arg20 : memref<!tpu.dma_semaphore, #tpu.memory_space<semaphore_mem>>) src(%dma_wait3A_55 : memref<10000x128xf32, #tpu.memory_space<hbm>>) dst(%arg13 : memref<128x128xf32, #tpu.memory_space<vmem>>)
    "tpu.region"() ({
      %run_scoped3A = tpu.sem_alloc : memref<!tpu.dma_semaphore, #tpu.memory_space<semaphore_mem>>
      %dma_start3A_103 = arith.constant 0 : i32
      %dma_start3A_104 = arith.constant 0 : i32
      %dma_start3A_105 = tpu.memref_slice %arg16[%dma_start3A_103, %dma_start3A_104] : memref<10112x128xf32, #tpu.memory_space<vmem_shared>> -> memref<10112x128xf32, #tpu.memory_space<vmem_shared>>
      tpu.enqueue_indirect_dma source(%arg13 : memref<128x128xf32, #tpu.memory_space<vmem>>) target(%dma_start3A_105 : memref<10112x128xf32, #tpu.memory_space<vmem_shared>>) offsets(%arg10 : memref<128xi32, #tpu.memory_space<vmem>>) semaphore(%run_scoped3A : memref<!tpu.dma_semaphore, #tpu.memory_space<semaphore_mem>>) {add = true}
      %dma_wait3A_106 = arith.constant 0 : i32
      %dma_wait3A_107 = arith.constant 0 : i32
      %dma_wait3A_108 = tpu.memref_slice %arg16[%dma_wait3A_106, %dma_wait3A_107] : memref<10112x128xf32, #tpu.memory_space<vmem_shared>> -> memref<10112x128xf32, #tpu.memory_space<vmem_shared>>
      tpu.wait_indirect_dma semaphore(%run_scoped3A : memref<!tpu.dma_semaphore, #tpu.memory_space<semaphore_mem>>) src(%arg13 : memref<128x128xf32, #tpu.memory_space<vmem>>) dst(%dma_wait3A_108 : memref<10112x128xf32, #tpu.memory_space<vmem_shared>>)
      tpu.yield
    }) : () -> ()
    %add3A_56 = arith.constant 9984 : i32
    %add3A_57 = arith.addi %mul3A_2, %add3A_56 : i32
    %dma_start3A_58 = tpu.memref_slice %arg3[%add3A_57] : memref<327680xi32, #tpu.memory_space<hbm>> -> memref<128xi32, #tpu.memory_space<hbm>>
    %dma_start3A_59 = tpu.memref_slice %arg3[%add3A_57] : memref<327680xi32, #tpu.memory_space<hbm>> -> memref<128xi32, #tpu.memory_space<hbm>>
    tpu.enqueue_dma source(%dma_start3A_59 : memref<128xi32, #tpu.memory_space<hbm>>) target(%arg7 : memref<128xi32, #tpu.memory_space<vmem>>) target_semaphore(%arg17 : memref<!tpu.dma_semaphore, #tpu.memory_space<semaphore_mem>>)
    %add3A_60 = arith.constant 9984 : i32
    %add3A_61 = arith.addi %mul3A_2, %add3A_60 : i32
    %dma_start3A_62 = tpu.memref_slice %arg4[%add3A_61] : memref<327680xi32, #tpu.memory_space<hbm>> -> memref<128xi32, #tpu.memory_space<hbm>>
    %dma_start3A_63 = tpu.memref_slice %arg4[%add3A_61] : memref<327680xi32, #tpu.memory_space<hbm>> -> memref<128xi32, #tpu.memory_space<hbm>>
    tpu.enqueue_dma source(%dma_start3A_63 : memref<128xi32, #tpu.memory_space<hbm>>) target(%arg10 : memref<128xi32, #tpu.memory_space<vmem>>) target_semaphore(%arg17 : memref<!tpu.dma_semaphore, #tpu.memory_space<semaphore_mem>>)
    %dma_wait3A_64 = tpu.memref_slice %arg3[%mul3A_2] : memref<327680xi32, #tpu.memory_space<hbm>> -> memref<128xi32, #tpu.memory_space<hbm>>
    %dma_wait3A_65 = tpu.memref_slice %arg3[%mul3A_2] : memref<327680xi32, #tpu.memory_space<hbm>> -> memref<128xi32, #tpu.memory_space<hbm>>
    tpu.wait_dma2 semaphore(%arg17 : memref<!tpu.dma_semaphore, #tpu.memory_space<semaphore_mem>>) src(%dma_wait3A_65 : memref<128xi32, #tpu.memory_space<hbm>>) dst(%arg7 : memref<128xi32, #tpu.memory_space<vmem>>)
    %dma_wait3A_66 = tpu.memref_slice %arg4[%mul3A_2] : memref<327680xi32, #tpu.memory_space<hbm>> -> memref<128xi32, #tpu.memory_space<hbm>>
    %dma_wait3A_67 = tpu.memref_slice %arg4[%mul3A_2] : memref<327680xi32, #tpu.memory_space<hbm>> -> memref<128xi32, #tpu.memory_space<hbm>>
    tpu.wait_dma2 semaphore(%arg17 : memref<!tpu.dma_semaphore, #tpu.memory_space<semaphore_mem>>) src(%dma_wait3A_67 : memref<128xi32, #tpu.memory_space<hbm>>) dst(%arg10 : memref<128xi32, #tpu.memory_space<vmem>>)
    %dma_start3A_68 = arith.constant 0 : i32
    %dma_start3A_69 = arith.constant 0 : i32
    %dma_start3A_70 = tpu.memref_slice %arg2[%dma_start3A_68, %dma_start3A_69] : memref<10000x128xf32, #tpu.memory_space<hbm>> -> memref<10000x128xf32, #tpu.memory_space<hbm>>
    tpu.enqueue_indirect_dma source(%dma_start3A_70 : memref<10000x128xf32, #tpu.memory_space<hbm>>) target(%arg13 : memref<128x128xf32, #tpu.memory_space<vmem>>) offsets(%arg7 : memref<128xi32, #tpu.memory_space<vmem>>) semaphore(%arg20 : memref<!tpu.dma_semaphore, #tpu.memory_space<semaphore_mem>>)
    %dma_wait3A_71 = arith.constant 0 : i32
    %dma_wait3A_72 = arith.constant 0 : i32
    %dma_wait3A_73 = tpu.memref_slice %arg2[%dma_wait3A_71, %dma_wait3A_72] : memref<10000x128xf32, #tpu.memory_space<hbm>> -> memref<10000x128xf32, #tpu.memory_space<hbm>>
    tpu.wait_indirect_dma semaphore(%arg21 : memref<!tpu.dma_semaphore, #tpu.memory_space<semaphore_mem>>) src(%dma_wait3A_73 : memref<10000x128xf32, #tpu.memory_space<hbm>>) dst(%arg14 : memref<128x128xf32, #tpu.memory_space<vmem>>)
    "tpu.region"() ({
      %run_scoped3A = tpu.sem_alloc : memref<!tpu.dma_semaphore, #tpu.memory_space<semaphore_mem>>
      %dma_start3A_103 = arith.constant 0 : i32
      %dma_start3A_104 = arith.constant 0 : i32
      %dma_start3A_105 = tpu.memref_slice %arg16[%dma_start3A_103, %dma_start3A_104] : memref<10112x128xf32, #tpu.memory_space<vmem_shared>> -> memref<10112x128xf32, #tpu.memory_space<vmem_shared>>
      tpu.enqueue_indirect_dma source(%arg14 : memref<128x128xf32, #tpu.memory_space<vmem>>) target(%dma_start3A_105 : memref<10112x128xf32, #tpu.memory_space<vmem_shared>>) offsets(%arg11 : memref<128xi32, #tpu.memory_space<vmem>>) semaphore(%run_scoped3A : memref<!tpu.dma_semaphore, #tpu.memory_space<semaphore_mem>>) {add = true}
      %dma_wait3A_106 = arith.constant 0 : i32
      %dma_wait3A_107 = arith.constant 0 : i32
      %dma_wait3A_108 = tpu.memref_slice %arg16[%dma_wait3A_106, %dma_wait3A_107] : memref<10112x128xf32, #tpu.memory_space<vmem_shared>> -> memref<10112x128xf32, #tpu.memory_space<vmem_shared>>
      tpu.wait_indirect_dma semaphore(%run_scoped3A : memref<!tpu.dma_semaphore, #tpu.memory_space<semaphore_mem>>) src(%arg14 : memref<128x128xf32, #tpu.memory_space<vmem>>) dst(%dma_wait3A_108 : memref<10112x128xf32, #tpu.memory_space<vmem_shared>>)
      tpu.yield
    }) : () -> ()
    %add3A_74 = arith.constant 10112 : i32
    %add3A_75 = arith.addi %mul3A_2, %add3A_74 : i32
    %dma_start3A_76 = tpu.memref_slice %arg3[%add3A_75] : memref<327680xi32, #tpu.memory_space<hbm>> -> memref<128xi32, #tpu.memory_space<hbm>>
    %dma_start3A_77 = tpu.memref_slice %arg3[%add3A_75] : memref<327680xi32, #tpu.memory_space<hbm>> -> memref<128xi32, #tpu.memory_space<hbm>>
    tpu.enqueue_dma source(%dma_start3A_77 : memref<128xi32, #tpu.memory_space<hbm>>) target(%arg8 : memref<128xi32, #tpu.memory_space<vmem>>) target_semaphore(%arg18 : memref<!tpu.dma_semaphore, #tpu.memory_space<semaphore_mem>>)
    %add3A_78 = arith.constant 10112 : i32
    %add3A_79 = arith.addi %mul3A_2, %add3A_78 : i32
    %dma_start3A_80 = tpu.memref_slice %arg4[%add3A_79] : memref<327680xi32, #tpu.memory_space<hbm>> -> memref<128xi32, #tpu.memory_space<hbm>>
    %dma_start3A_81 = tpu.memref_slice %arg4[%add3A_79] : memref<327680xi32, #tpu.memory_space<hbm>> -> memref<128xi32, #tpu.memory_space<hbm>>
    tpu.enqueue_dma source(%dma_start3A_81 : memref<128xi32, #tpu.memory_space<hbm>>) target(%arg11 : memref<128xi32, #tpu.memory_space<vmem>>) target_semaphore(%arg18 : memref<!tpu.dma_semaphore, #tpu.memory_space<semaphore_mem>>)
    %dma_wait3A_82 = tpu.memref_slice %arg3[%mul3A_2] : memref<327680xi32, #tpu.memory_space<hbm>> -> memref<128xi32, #tpu.memory_space<hbm>>
    %dma_wait3A_83 = tpu.memref_slice %arg3[%mul3A_2] : memref<327680xi32, #tpu.memory_space<hbm>> -> memref<128xi32, #tpu.memory_space<hbm>>
    tpu.wait_dma2 semaphore(%arg18 : memref<!tpu.dma_semaphore, #tpu.memory_space<semaphore_mem>>) src(%dma_wait3A_83 : memref<128xi32, #tpu.memory_space<hbm>>) dst(%arg8 : memref<128xi32, #tpu.memory_space<vmem>>)
    %dma_wait3A_84 = tpu.memref_slice %arg4[%mul3A_2] : memref<327680xi32, #tpu.memory_space<hbm>> -> memref<128xi32, #tpu.memory_space<hbm>>
    %dma_wait3A_85 = tpu.memref_slice %arg4[%mul3A_2] : memref<327680xi32, #tpu.memory_space<hbm>> -> memref<128xi32, #tpu.memory_space<hbm>>
    tpu.wait_dma2 semaphore(%arg18 : memref<!tpu.dma_semaphore, #tpu.memory_space<semaphore_mem>>) src(%dma_wait3A_85 : memref<128xi32, #tpu.memory_space<hbm>>) dst(%arg11 : memref<128xi32, #tpu.memory_space<vmem>>)
    %dma_start3A_86 = arith.constant 0 : i32
    %dma_start3A_87 = arith.constant 0 : i32
    %dma_start3A_88 = tpu.memref_slice %arg2[%dma_start3A_86, %dma_start3A_87] : memref<10000x128xf32, #tpu.memory_space<hbm>> -> memref<10000x128xf32, #tpu.memory_space<hbm>>
    tpu.enqueue_indirect_dma source(%dma_start3A_88 : memref<10000x128xf32, #tpu.memory_space<hbm>>) target(%arg14 : memref<128x128xf32, #tpu.memory_space<vmem>>) offsets(%arg8 : memref<128xi32, #tpu.memory_space<vmem>>) semaphore(%arg21 : memref<!tpu.dma_semaphore, #tpu.memory_space<semaphore_mem>>)
    %dma_wait3A_89 = arith.constant 0 : i32
    %dma_wait3A_90 = arith.constant 0 : i32
    %dma_wait3A_91 = tpu.memref_slice %arg2[%dma_wait3A_89, %dma_wait3A_90] : memref<10000x128xf32, #tpu.memory_space<hbm>> -> memref<10000x128xf32, #tpu.memory_space<hbm>>
    tpu.wait_indirect_dma semaphore(%arg22 : memref<!tpu.dma_semaphore, #tpu.memory_space<semaphore_mem>>) src(%dma_wait3A_91 : memref<10000x128xf32, #tpu.memory_space<hbm>>) dst(%arg15 : memref<128x128xf32, #tpu.memory_space<vmem>>)
    "tpu.region"() ({
      %run_scoped3A = tpu.sem_alloc : memref<!tpu.dma_semaphore, #tpu.memory_space<semaphore_mem>>
      %dma_start3A_103 = arith.constant 0 : i32
      %dma_start3A_104 = arith.constant 0 : i32
      %dma_start3A_105 = tpu.memref_slice %arg16[%dma_start3A_103, %dma_start3A_104] : memref<10112x128xf32, #tpu.memory_space<vmem_shared>> -> memref<10112x128xf32, #tpu.memory_space<vmem_shared>>
      tpu.enqueue_indirect_dma source(%arg15 : memref<128x128xf32, #tpu.memory_space<vmem>>) target(%dma_start3A_105 : memref<10112x128xf32, #tpu.memory_space<vmem_shared>>) offsets(%arg12 : memref<128xi32, #tpu.memory_space<vmem>>) semaphore(%run_scoped3A : memref<!tpu.dma_semaphore, #tpu.memory_space<semaphore_mem>>) {add = true}
      %dma_wait3A_106 = arith.constant 0 : i32
      %dma_wait3A_107 = arith.constant 0 : i32
      %dma_wait3A_108 = tpu.memref_slice %arg16[%dma_wait3A_106, %dma_wait3A_107] : memref<10112x128xf32, #tpu.memory_space<vmem_shared>> -> memref<10112x128xf32, #tpu.memory_space<vmem_shared>>
      tpu.wait_indirect_dma semaphore(%run_scoped3A : memref<!tpu.dma_semaphore, #tpu.memory_space<semaphore_mem>>) src(%arg15 : memref<128x128xf32, #tpu.memory_space<vmem>>) dst(%dma_wait3A_108 : memref<10112x128xf32, #tpu.memory_space<vmem_shared>>)
      tpu.yield
    }) : () -> ()
    %dma_wait3A_92 = arith.constant 0 : i32
    %dma_wait3A_93 = arith.constant 0 : i32
    %dma_wait3A_94 = tpu.memref_slice %arg2[%dma_wait3A_92, %dma_wait3A_93] : memref<10000x128xf32, #tpu.memory_space<hbm>> -> memref<10000x128xf32, #tpu.memory_space<hbm>>
    tpu.wait_indirect_dma semaphore(%arg20 : memref<!tpu.dma_semaphore, #tpu.memory_space<semaphore_mem>>) src(%dma_wait3A_94 : memref<10000x128xf32, #tpu.memory_space<hbm>>) dst(%arg13 : memref<128x128xf32, #tpu.memory_space<vmem>>)
    "tpu.region"() ({
      %run_scoped3A = tpu.sem_alloc : memref<!tpu.dma_semaphore, #tpu.memory_space<semaphore_mem>>
      %dma_start3A_103 = arith.constant 0 : i32
      %dma_start3A_104 = arith.constant 0 : i32
      %dma_start3A_105 = tpu.memref_slice %arg16[%dma_start3A_103, %dma_start3A_104] : memref<10112x128xf32, #tpu.memory_space<vmem_shared>> -> memref<10112x128xf32, #tpu.memory_space<vmem_shared>>
      tpu.enqueue_indirect_dma source(%arg13 : memref<128x128xf32, #tpu.memory_space<vmem>>) target(%dma_start3A_105 : memref<10112x128xf32, #tpu.memory_space<vmem_shared>>) offsets(%arg10 : memref<128xi32, #tpu.memory_space<vmem>>) semaphore(%run_scoped3A : memref<!tpu.dma_semaphore, #tpu.memory_space<semaphore_mem>>) {add = true}
      %dma_wait3A_106 = arith.constant 0 : i32
      %dma_wait3A_107 = arith.constant 0 : i32
      %dma_wait3A_108 = tpu.memref_slice %arg16[%dma_wait3A_106, %dma_wait3A_107] : memref<10112x128xf32, #tpu.memory_space<vmem_shared>> -> memref<10112x128xf32, #tpu.memory_space<vmem_shared>>
      tpu.wait_indirect_dma semaphore(%run_scoped3A : memref<!tpu.dma_semaphore, #tpu.memory_space<semaphore_mem>>) src(%arg13 : memref<128x128xf32, #tpu.memory_space<vmem>>) dst(%dma_wait3A_108 : memref<10112x128xf32, #tpu.memory_space<vmem_shared>>)
      tpu.yield
    }) : () -> ()
    %dma_wait3A_95 = arith.constant 0 : i32
    %dma_wait3A_96 = arith.constant 0 : i32
    %dma_wait3A_97 = tpu.memref_slice %arg2[%dma_wait3A_95, %dma_wait3A_96] : memref<10000x128xf32, #tpu.memory_space<hbm>> -> memref<10000x128xf32, #tpu.memory_space<hbm>>
    tpu.wait_indirect_dma semaphore(%arg21 : memref<!tpu.dma_semaphore, #tpu.memory_space<semaphore_mem>>) src(%dma_wait3A_97 : memref<10000x128xf32, #tpu.memory_space<hbm>>) dst(%arg14 : memref<128x128xf32, #tpu.memory_space<vmem>>)
    "tpu.region"() ({
      %run_scoped3A = tpu.sem_alloc : memref<!tpu.dma_semaphore, #tpu.memory_space<semaphore_mem>>
      %dma_start3A_103 = arith.constant 0 : i32
      %dma_start3A_104 = arith.constant 0 : i32
      %dma_start3A_105 = tpu.memref_slice %arg16[%dma_start3A_103, %dma_start3A_104] : memref<10112x128xf32, #tpu.memory_space<vmem_shared>> -> memref<10112x128xf32, #tpu.memory_space<vmem_shared>>
      tpu.enqueue_indirect_dma source(%arg14 : memref<128x128xf32, #tpu.memory_space<vmem>>) target(%dma_start3A_105 : memref<10112x128xf32, #tpu.memory_space<vmem_shared>>) offsets(%arg11 : memref<128xi32, #tpu.memory_space<vmem>>) semaphore(%run_scoped3A : memref<!tpu.dma_semaphore, #tpu.memory_space<semaphore_mem>>) {add = true}
      %dma_wait3A_106 = arith.constant 0 : i32
      %dma_wait3A_107 = arith.constant 0 : i32
      %dma_wait3A_108 = tpu.memref_slice %arg16[%dma_wait3A_106, %dma_wait3A_107] : memref<10112x128xf32, #tpu.memory_space<vmem_shared>> -> memref<10112x128xf32, #tpu.memory_space<vmem_shared>>
      tpu.wait_indirect_dma semaphore(%run_scoped3A : memref<!tpu.dma_semaphore, #tpu.memory_space<semaphore_mem>>) src(%arg14 : memref<128x128xf32, #tpu.memory_space<vmem>>) dst(%dma_wait3A_108 : memref<10112x128xf32, #tpu.memory_space<vmem_shared>>)
      tpu.yield
    }) : () -> ()
    %barrier3A_98 = arith.constant 0 : index
    tpu.barrier barrier_id(%barrier3A_98)
    %mul3A_99 = arith.constant 632 : i32
    %mul3A_100 = arith.muli %arg1, %mul3A_99 : i32
    %mul3A_101 = arith.constant 632 : i32
    %mul3A_102 = arith.muli %arg1, %mul3A_101 : i32
    "tpu.region"() ({
      %run_scoped3A = tpu.sem_alloc : memref<!tpu.dma_semaphore, #tpu.memory_space<semaphore_mem>>
      %dma_start3A_103 = arith.constant 0 : i32
      %dma_start3A_104 = arith.constant 0 : i32
      %dma_start3A_105 = tpu.memref_slice %arg6[%arg0, %dma_start3A_103, %dma_start3A_104] : memref<2x10112x128xf32, #tpu.memory_space<hbm>> -> memref<1x10112x128xf32, #tpu.memory_space<hbm>>
      %dma_start3A_106 = tpu.memref_squeeze %dma_start3A_105 : memref<1x10112x128xf32, #tpu.memory_space<hbm>> -> memref<10112x128xf32, #tpu.memory_space<hbm>>
      %dma_start3A_107 = arith.constant 0 : i32
      %dma_start3A_108 = tpu.memref_slice %dma_start3A_106[%mul3A_102, %dma_start3A_107] : memref<10112x128xf32, #tpu.memory_space<hbm>> -> memref<632x128xf32, #tpu.memory_space<hbm>>
      %dma_start3A_109 = arith.constant 0 : i32
      %dma_start3A_110 = tpu.memref_slice %arg16[%mul3A_100, %dma_start3A_109] : memref<10112x128xf32, #tpu.memory_space<vmem_shared>> -> memref<632x128xf32, #tpu.memory_space<vmem_shared>>
      tpu.enqueue_dma source(%dma_start3A_110 : memref<632x128xf32, #tpu.memory_space<vmem_shared>>) target(%dma_start3A_108 : memref<632x128xf32, #tpu.memory_space<hbm>>) target_semaphore(%run_scoped3A : memref<!tpu.dma_semaphore, #tpu.memory_space<semaphore_mem>>)
      %dma_wait3A_111 = arith.constant 0 : i32
      %dma_wait3A_112 = arith.constant 0 : i32
      %dma_wait3A_113 = tpu.memref_slice %arg6[%arg0, %dma_wait3A_111, %dma_wait3A_112] : memref<2x10112x128xf32, #tpu.memory_space<hbm>> -> memref<1x10112x128xf32, #tpu.memory_space<hbm>>
      %dma_wait3A_114 = tpu.memref_squeeze %dma_wait3A_113 : memref<1x10112x128xf32, #tpu.memory_space<hbm>> -> memref<10112x128xf32, #tpu.memory_space<hbm>>
      %dma_wait3A_115 = arith.constant 0 : i32
      %dma_wait3A_116 = tpu.memref_slice %dma_wait3A_114[%mul3A_102, %dma_wait3A_115] : memref<10112x128xf32, #tpu.memory_space<hbm>> -> memref<632x128xf32, #tpu.memory_space<hbm>>
      %dma_wait3A_117 = arith.constant 0 : i32
      %dma_wait3A_118 = tpu.memref_slice %arg16[%mul3A_100, %dma_wait3A_117] : memref<10112x128xf32, #tpu.memory_space<vmem_shared>> -> memref<632x128xf32, #tpu.memory_space<vmem_shared>>
      tpu.wait_dma2 semaphore(%run_scoped3A : memref<!tpu.dma_semaphore, #tpu.memory_space<semaphore_mem>>) src(%dma_wait3A_118 : memref<632x128xf32, #tpu.memory_space<vmem_shared>>) dst(%dma_wait3A_116 : memref<632x128xf32, #tpu.memory_space<hbm>>)
      tpu.yield
    }) : () -> ()
    return
  }
}

module attributes {stable_mosaic.version = 14 : i64} {
  func.func @_tc_g1_body(%arg0: i32, %arg1: memref<2x1000x128xf32, #tpu.memory_space<vmem>>, %arg2: memref<1000x128xf32, #tpu.memory_space<vmem>>, %arg3: memref<128x128xf32, #tpu.memory_space<vmem>>, %arg4: memref<1000x128xf32, #tpu.memory_space<vmem>>) attributes {dimension_semantics = [#tpu.dimension_semantics<arbitrary>], iteration_bounds = array<i64: 10>, scalar_prefetch = 0 : i64, scratch_operands = 0 : i64, tpu.core_type = #tpu.core_type<tc>, window_params = [{transform_indices = @transform_0, window_bounds = array<i64: 2, 1000, 128>}, {transform_indices = @transform_1, window_bounds = array<i64: 1000, 128>}, {pipeline_mode = #tpu.pipeline_mode<synchronous>, transform_indices = @transform_2, window_bounds = array<i64: 128, 128>}, {transform_indices = @transform_3, window_bounds = array<i64: 1000, 128>}]} {
    %get3A = arith.constant 0 : index
    %get3A_0 = arith.constant 0 : index
    %get3A_1 = arith.constant 0 : index
    %get3A_2 = vector.load %arg1[%get3A, %get3A_0, %get3A_1] : memref<2x1000x128xf32, #tpu.memory_space<vmem>>, vector<1x1000x1xf32>
    %get3A_3 = vector.shape_cast %get3A_2 : vector<1x1000x1xf32> to vector<1000x1xf32>
    %get3A_4 = arith.constant 1 : index
    %get3A_5 = arith.constant 0 : index
    %get3A_6 = arith.constant 0 : index
    %get3A_7 = vector.load %arg1[%get3A_4, %get3A_5, %get3A_6] : memref<2x1000x128xf32, #tpu.memory_space<vmem>>, vector<1x1000x1xf32>
    %get3A_8 = vector.shape_cast %get3A_7 : vector<1x1000x1xf32> to vector<1000x1xf32>
    %add3A = arith.addf %get3A_3, %get3A_8 : vector<1000x1xf32>
    %add3A_9 = arith.constant 1.000000e+00 : f32
    %add3A_10 = vector.broadcast %add3A_9 : f32 to vector<1000x1xf32>
    %add3A_11 = arith.addf %add3A, %add3A_10 : vector<1000x1xf32>
    %rsqrt3A = math.rsqrt %add3A_11 : vector<1000x1xf32>
    %get3A_12 = arith.constant 0 : index
    %get3A_13 = arith.constant 0 : index
    %get3A_14 = vector.load %arg2[%get3A_12, %get3A_13] : memref<1000x128xf32, #tpu.memory_space<vmem>>, vector<1000x128xf32>
    %get3A_15 = arith.constant 0 : index
    %get3A_16 = arith.constant 0 : index
    %get3A_17 = vector.load %arg3[%get3A_15, %get3A_16] : memref<128x128xf32, #tpu.memory_space<vmem>>, vector<128x128xf32>
    %dot_general3A = arith.constant dense<0.000000e+00> : vector<1000x128xf32>
    %dot_general3A_18 = tpu.matmul %get3A_14, %get3A_17, %dot_general3A {dimension_numbers = #tpu.dot_dimension_numbers<[1], [0], [0], [1], [0, 0, 1, 1], [], []>, transpose_lhs_hint = false} : vector<1000x128xf32>, vector<128x128xf32>, vector<1000x128xf32> -> vector<1000x128xf32>
    %mul3A = vector.broadcast %rsqrt3A : vector<1000x1xf32> to vector<1000x128xf32>
    %mul3A_19 = arith.mulf %mul3A, %dot_general3A_18 : vector<1000x128xf32>
    %swap3A = arith.constant 0 : index
    %swap3A_20 = arith.constant 0 : index
    %swap3A_21 = vector.load %arg4[%swap3A, %swap3A_20] : memref<1000x128xf32, #tpu.memory_space<vmem>>, vector<1000x128xf32>
    tpu.vector_store %arg4[%swap3A, %swap3A_20], %mul3A_19 {strides = array<i32>} : memref<1000x128xf32, #tpu.memory_space<vmem>>, vector<1000x128xf32>,
    return
  }
  func.func @transform_0(%arg0: i32) -> (i32, i32, i32) {
    %c0_i32 = arith.constant 0 : i32
    %c0_i32_0 = arith.constant 0 : i32
    %c0_i32_1 = arith.constant 0 : i32
    return %c0_i32, %arg0, %c0_i32_0 : i32, i32, i32
  }
  func.func @transform_1(%arg0: i32) -> (i32, i32) {
    %c0_i32 = arith.constant 0 : i32
    %c0_i32_0 = arith.constant 0 : i32
    return %arg0, %c0_i32 : i32, i32
  }
  func.func @transform_2(%arg0: i32) -> (i32, i32) {
    %c0_i32 = arith.constant 0 : i32
    %c0_i32_0 = arith.constant 0 : i32
    %c0_i32_1 = arith.constant 0 : i32
    return %c0_i32, %c0_i32_0 : i32, i32
  }
  func.func @transform_3(%arg0: i32) -> (i32, i32) {
    %c0_i32 = arith.constant 0 : i32
    %c0_i32_0 = arith.constant 0 : i32
    return %arg0, %c0_i32 : i32, i32
  }
}

module attributes {stable_mosaic.version = 14 : i64} {
  func.func @_tc_g2_body(%arg0: i32, %arg1: memref<2x1000x128xf32, #tpu.memory_space<vmem>>, %arg2: memref<2x1000x128xf32, #tpu.memory_space<vmem>>, %arg3: memref<1000x128xf32, #tpu.memory_space<vmem>>, %arg4: memref<1x128xf32, #tpu.memory_space<vmem>>, %arg5: memref<128x128xf32, #tpu.memory_space<vmem>>, %arg6: memref<1000x128xf32, #tpu.memory_space<vmem>>) attributes {dimension_semantics = [#tpu.dimension_semantics<arbitrary>], iteration_bounds = array<i64: 10>, scalar_prefetch = 0 : i64, scratch_operands = 0 : i64, tpu.core_type = #tpu.core_type<tc>, window_params = [{transform_indices = @transform_0, window_bounds = array<i64: 2, 1000, 128>}, {transform_indices = @transform_1, window_bounds = array<i64: 2, 1000, 128>}, {transform_indices = @transform_2, window_bounds = array<i64: 1000, 128>}, {pipeline_mode = #tpu.pipeline_mode<synchronous>, transform_indices = @transform_3, window_bounds = array<i64: 1, 128>}, {pipeline_mode = #tpu.pipeline_mode<synchronous>, transform_indices = @transform_4, window_bounds = array<i64: 128, 128>}, {transform_indices = @transform_5, window_bounds = array<i64: 1000, 128>}]} {
    %get3A = arith.constant 0 : index
    %get3A_0 = arith.constant 0 : index
    %get3A_1 = arith.constant 0 : index
    %get3A_2 = vector.load %arg1[%get3A, %get3A_0, %get3A_1] : memref<2x1000x128xf32, #tpu.memory_space<vmem>>, vector<1x1000x1xf32>
    %get3A_3 = vector.shape_cast %get3A_2 : vector<1x1000x1xf32> to vector<1000x1xf32>
    %get3A_4 = arith.constant 1 : index
    %get3A_5 = arith.constant 0 : index
    %get3A_6 = arith.constant 0 : index
    %get3A_7 = vector.load %arg1[%get3A_4, %get3A_5, %get3A_6] : memref<2x1000x128xf32, #tpu.memory_space<vmem>>, vector<1x1000x1xf32>
    %get3A_8 = vector.shape_cast %get3A_7 : vector<1x1000x1xf32> to vector<1000x1xf32>
    %add3A = arith.addf %get3A_3, %get3A_8 : vector<1000x1xf32>
    %add3A_9 = arith.constant 1.000000e+00 : f32
    %add3A_10 = vector.broadcast %add3A_9 : f32 to vector<1000x1xf32>
    %add3A_11 = arith.addf %add3A, %add3A_10 : vector<1000x1xf32>
    %rsqrt3A = math.rsqrt %add3A_11 : vector<1000x1xf32>
    %get3A_12 = arith.constant 0 : index
    %get3A_13 = arith.constant 0 : index
    %get3A_14 = arith.constant 0 : index
    %get3A_15 = vector.load %arg2[%get3A_12, %get3A_13, %get3A_14] : memref<2x1000x128xf32, #tpu.memory_space<vmem>>, vector<1x1000x128xf32>
    %get3A_16 = vector.shape_cast %get3A_15 : vector<1x1000x128xf32> to vector<1000x128xf32>
    %get3A_17 = arith.constant 1 : index
    %get3A_18 = arith.constant 0 : index
    %get3A_19 = arith.constant 0 : index
    %get3A_20 = vector.load %arg2[%get3A_17, %get3A_18, %get3A_19] : memref<2x1000x128xf32, #tpu.memory_space<vmem>>, vector<1x1000x128xf32>
    %get3A_21 = vector.shape_cast %get3A_20 : vector<1x1000x128xf32> to vector<1000x128xf32>
    %add3A_22 = arith.addf %get3A_16, %get3A_21 : vector<1000x128xf32>
    %get3A_23 = arith.constant 0 : index
    %get3A_24 = arith.constant 0 : index
    %get3A_25 = vector.load %arg3[%get3A_23, %get3A_24] : memref<1000x128xf32, #tpu.memory_space<vmem>>, vector<1000x128xf32>
    %add3A_26 = arith.addf %add3A_22, %get3A_25 : vector<1000x128xf32>
    %mul3A = vector.broadcast %rsqrt3A : vector<1000x1xf32> to vector<1000x128xf32>
    %mul3A_27 = arith.mulf %mul3A, %add3A_26 : vector<1000x128xf32>
    %get3A_28 = arith.constant 0 : index
    %get3A_29 = arith.constant 0 : index
    %get3A_30 = vector.load %arg4[%get3A_28, %get3A_29] : memref<1x128xf32, #tpu.memory_space<vmem>>, vector<1x128xf32>
    %add3A_31 = vector.broadcast %get3A_30 : vector<1x128xf32> to vector<1000x128xf32>
    %add3A_32 = arith.addf %mul3A_27, %add3A_31 : vector<1000x128xf32>
    %max3A = arith.constant 0.000000e+00 : f32
    %max3A_33 = vector.broadcast %max3A : f32 to vector<1000x128xf32>
    %max3A_34 = arith.maximumf %add3A_32, %max3A_33 : vector<1000x128xf32>
    %get3A_35 = arith.constant 0 : index
    %get3A_36 = arith.constant 0 : index
    %get3A_37 = vector.load %arg5[%get3A_35, %get3A_36] : memref<128x128xf32, #tpu.memory_space<vmem>>, vector<128x128xf32>
    %dot_general3A = arith.constant dense<0.000000e+00> : vector<1000x128xf32>
    %dot_general3A_38 = tpu.matmul %max3A_34, %get3A_37, %dot_general3A {dimension_numbers = #tpu.dot_dimension_numbers<[1], [0], [0], [1], [0, 0, 1, 1], [], []>, transpose_lhs_hint = false} : vector<1000x128xf32>, vector<128x128xf32>, vector<1000x128xf32> -> vector<1000x128xf32>
    %mul3A_39 = vector.broadcast %rsqrt3A : vector<1000x1xf32> to vector<1000x128xf32>
    %mul3A_40 = arith.mulf %mul3A_39, %dot_general3A_38 : vector<1000x128xf32>
    %swap3A = arith.constant 0 : index
    %swap3A_41 = arith.constant 0 : index
    %swap3A_42 = vector.load %arg6[%swap3A, %swap3A_41] : memref<1000x128xf32, #tpu.memory_space<vmem>>, vector<1000x128xf32>
    tpu.vector_store %arg6[%swap3A, %swap3A_41], %mul3A_40 {strides = array<i32>} : memref<1000x128xf32, #tpu.memory_space<vmem>>, vector<1000x128xf32>,
    return
  }
  func.func @transform_0(%arg0: i32) -> (i32, i32, i32) {
    %c0_i32 = arith.constant 0 : i32
    %c0_i32_0 = arith.constant 0 : i32
    %c0_i32_1 = arith.constant 0 : i32
    return %c0_i32, %arg0, %c0_i32_0 : i32, i32, i32
  }
  func.func @transform_1(%arg0: i32) -> (i32, i32, i32) {
    %c0_i32 = arith.constant 0 : i32
    %c0_i32_0 = arith.constant 0 : i32
    %c0_i32_1 = arith.constant 0 : i32
    return %c0_i32, %arg0, %c0_i32_0 : i32, i32, i32
  }
  func.func @transform_2(%arg0: i32) -> (i32, i32) {
    %c0_i32 = arith.constant 0 : i32
    %c0_i32_0 = arith.constant 0 : i32
    return %arg0, %c0_i32 : i32, i32
  }
  func.func @transform_3(%arg0: i32) -> (i32, i32) {
    %c0_i32 = arith.constant 0 : i32
    %c0_i32_0 = arith.constant 0 : i32
    %c0_i32_1 = arith.constant 0 : i32
    return %c0_i32, %c0_i32_0 : i32, i32
  }
  func.func @transform_4(%arg0: i32) -> (i32, i32) {
    %c0_i32 = arith.constant 0 : i32
    %c0_i32_0 = arith.constant 0 : i32
    %c0_i32_1 = arith.constant 0 : i32
    return %c0_i32, %c0_i32_0 : i32, i32
  }
  func.func @transform_5(%arg0: i32) -> (i32, i32) {
    %c0_i32 = arith.constant 0 : i32
    %c0_i32_0 = arith.constant 0 : i32
    return %arg0, %c0_i32 : i32, i32
  }
}

module attributes {stable_mosaic.version = 14 : i64} {
  func.func @_tc_head_body(%arg0: i32, %arg1: memref<2x10000x128xf32, #tpu.memory_space<vmem>>, %arg2: memref<2x10000x128xf32, #tpu.memory_space<vmem>>, %arg3: memref<10000x128xf32, #tpu.memory_space<vmem>>, %arg4: memref<1x128xf32, #tpu.memory_space<vmem>>, %arg5: memref<1x10000xf32, #tpu.memory_space<vmem>>, %arg6: memref<128x16xf32, #tpu.memory_space<vmem>>, %arg7: memref<1x16xf32, #tpu.memory_space<vmem>>, %arg8: memref<1x16xf32, #tpu.memory_space<vmem>>, %arg9: memref<1x1xf32, #tpu.memory_space<vmem>>, %arg10: memref<64x1xf32, #tpu.memory_space<vmem>>) attributes {dimension_semantics = [#tpu.dimension_semantics<arbitrary>], iteration_bounds = array<i64: 1>, scalar_prefetch = 0 : i64, scratch_operands = 0 : i64, tpu.core_type = #tpu.core_type<tc>, window_params = [{transform_indices = @transform_0, window_bounds = array<i64: 2, 10000, 128>}, {transform_indices = @transform_1, window_bounds = array<i64: 2, 10000, 128>}, {pipeline_mode = #tpu.pipeline_mode<synchronous>, transform_indices = @transform_2, window_bounds = array<i64: 10000, 128>}, {pipeline_mode = #tpu.pipeline_mode<synchronous>, transform_indices = @transform_3, window_bounds = array<i64: 1, 128>}, {pipeline_mode = #tpu.pipeline_mode<synchronous>, transform_indices = @transform_4, window_bounds = array<i64: 1, 10000>}, {pipeline_mode = #tpu.pipeline_mode<synchronous>, transform_indices = @transform_5, window_bounds = array<i64: 128, 16>}, {pipeline_mode = #tpu.pipeline_mode<synchronous>, transform_indices = @transform_6, window_bounds = array<i64: 1, 16>}, {pipeline_mode = #tpu.pipeline_mode<synchronous>, transform_indices = @transform_7, window_bounds = array<i64: 1, 16>}, {pipeline_mode = #tpu.pipeline_mode<synchronous>, transform_indices = @transform_8, window_bounds = array<i64: 1, 1>}, {pipeline_mode = #tpu.pipeline_mode<synchronous>, transform_indices = @transform_9, window_bounds = array<i64: 64, 1>}]} {
    %get3A = arith.constant 0 : index
    %get3A_0 = arith.constant 0 : index
    %get3A_1 = arith.constant 0 : index
    %get3A_2 = vector.load %arg1[%get3A, %get3A_0, %get3A_1] : memref<2x10000x128xf32, #tpu.memory_space<vmem>>, vector<1x10000x1xf32>
    %get3A_3 = vector.shape_cast %get3A_2 : vector<1x10000x1xf32> to vector<10000x1xf32>
    %get3A_4 = arith.constant 1 : index
    %get3A_5 = arith.constant 0 : index
    %get3A_6 = arith.constant 0 : index
    %get3A_7 = vector.load %arg1[%get3A_4, %get3A_5, %get3A_6] : memref<2x10000x128xf32, #tpu.memory_space<vmem>>, vector<1x10000x1xf32>
    %get3A_8 = vector.shape_cast %get3A_7 : vector<1x10000x1xf32> to vector<10000x1xf32>
    %add3A = arith.addf %get3A_3, %get3A_8 : vector<10000x1xf32>
    %add3A_9 = arith.constant 1.000000e+00 : f32
    %add3A_10 = vector.broadcast %add3A_9 : f32 to vector<10000x1xf32>
    %add3A_11 = arith.addf %add3A, %add3A_10 : vector<10000x1xf32>
    %rsqrt3A = math.rsqrt %add3A_11 : vector<10000x1xf32>
    %get3A_12 = arith.constant 0 : index
    %get3A_13 = arith.constant 0 : index
    %get3A_14 = arith.constant 0 : index
    %get3A_15 = vector.load %arg2[%get3A_12, %get3A_13, %get3A_14] : memref<2x10000x128xf32, #tpu.memory_space<vmem>>, vector<1x10000x128xf32>
    %get3A_16 = vector.shape_cast %get3A_15 : vector<1x10000x128xf32> to vector<10000x128xf32>
    %get3A_17 = arith.constant 1 : index
    %get3A_18 = arith.constant 0 : index
    %get3A_19 = arith.constant 0 : index
    %get3A_20 = vector.load %arg2[%get3A_17, %get3A_18, %get3A_19] : memref<2x10000x128xf32, #tpu.memory_space<vmem>>, vector<1x10000x128xf32>
    %get3A_21 = vector.shape_cast %get3A_20 : vector<1x10000x128xf32> to vector<10000x128xf32>
    %add3A_22 = arith.addf %get3A_16, %get3A_21 : vector<10000x128xf32>
    %get3A_23 = arith.constant 0 : index
    %get3A_24 = arith.constant 0 : index
    %get3A_25 = vector.load %arg3[%get3A_23, %get3A_24] : memref<10000x128xf32, #tpu.memory_space<vmem>>, vector<10000x128xf32>
    %add3A_26 = arith.addf %add3A_22, %get3A_25 : vector<10000x128xf32>
    %mul3A = vector.broadcast %rsqrt3A : vector<10000x1xf32> to vector<10000x128xf32>
    %mul3A_27 = arith.mulf %mul3A, %add3A_26 : vector<10000x128xf32>
    %get3A_28 = arith.constant 0 : index
    %get3A_29 = arith.constant 0 : index
    %get3A_30 = vector.load %arg4[%get3A_28, %get3A_29] : memref<1x128xf32, #tpu.memory_space<vmem>>, vector<1x128xf32>
    %add3A_31 = vector.broadcast %get3A_30 : vector<1x128xf32> to vector<10000x128xf32>
    %add3A_32 = arith.addf %mul3A_27, %add3A_31 : vector<10000x128xf32>
    %iota3A = tpu.iota {dimensions = array<i32: 0>} : vector<64x10000xi32>
    %convert_element_type3A = arith.sitofp %iota3A : vector<64x10000xi32> to vector<64x10000xf32>
    %get3A_33 = arith.constant 0 : index
    %get3A_34 = arith.constant 0 : index
    %get3A_35 = vector.load %arg5[%get3A_33, %get3A_34] : memref<1x10000xf32, #tpu.memory_space<vmem>>, vector<1x10000xf32>
    %eq3A = vector.broadcast %get3A_35 : vector<1x10000xf32> to vector<64x10000xf32>
    %eq3A_36 = arith.cmpf oeq, %eq3A, %convert_element_type3A : vector<64x10000xf32>
    %convert_element_type3A_37 = arith.extui %eq3A_36 : vector<64x10000xi1> to vector<64x10000xi32>
    %convert_element_type3A_38 = arith.sitofp %convert_element_type3A_37 : vector<64x10000xi32> to vector<64x10000xf32>
    %dot_general3A = arith.constant dense<0.000000e+00> : vector<64x128xf32>
    %dot_general3A_39 = tpu.matmul %convert_element_type3A_38, %add3A_32, %dot_general3A {dimension_numbers = #tpu.dot_dimension_numbers<[1], [0], [0], [1], [0, 0, 1, 1], [], []>, transpose_lhs_hint = false} : vector<64x10000xf32>, vector<10000x128xf32>, vector<64x128xf32> -> vector<64x128xf32>
    %reduce_sum3A = arith.constant dense<0.000000e+00> : vector<64xf32>
    %reduce_sum3A_40 = vector.multi_reduction <add>, %convert_element_type3A_38, %reduce_sum3A [1] : vector<64x10000xf32> to vector<64xf32>
    %broadcast_in_dim3A = vector.shape_cast %reduce_sum3A_40 : vector<64xf32> to vector<64x1xf32>
    %max3A = arith.constant 1.000000e+00 : f32
    %max3A_41 = vector.broadcast %max3A : f32 to vector<64x1xf32>
    %max3A_42 = arith.maximumf %broadcast_in_dim3A, %max3A_41 : vector<64x1xf32>
    %div3A = vector.broadcast %max3A_42 : vector<64x1xf32> to vector<64x128xf32>
    %div3A_43 = arith.divf %dot_general3A_39, %div3A : vector<64x128xf32>
    %get3A_44 = arith.constant 0 : index
    %get3A_45 = arith.constant 0 : index
    %get3A_46 = vector.load %arg6[%get3A_44, %get3A_45] : memref<128x16xf32, #tpu.memory_space<vmem>>, vector<128x16xf32>
    %dot_general3A_47 = arith.constant dense<0.000000e+00> : vector<64x16xf32>
    %dot_general3A_48 = tpu.matmul %div3A_43, %get3A_46, %dot_general3A_47 {dimension_numbers = #tpu.dot_dimension_numbers<[1], [0], [0], [1], [0, 0, 1, 1], [], []>, transpose_lhs_hint = false} : vector<64x128xf32>, vector<128x16xf32>, vector<64x16xf32> -> vector<64x16xf32>
    %get3A_49 = arith.constant 0 : index
    %get3A_50 = arith.constant 0 : index
    %get3A_51 = vector.load %arg7[%get3A_49, %get3A_50] : memref<1x16xf32, #tpu.memory_space<vmem>>, vector<1x16xf32>
    %add3A_52 = vector.broadcast %get3A_51 : vector<1x16xf32> to vector<64x16xf32>
    %add3A_53 = arith.addf %dot_general3A_48, %add3A_52 : vector<64x16xf32>
    %max3A_54 = arith.constant 0.000000e+00 : f32
    %max3A_55 = vector.broadcast %max3A_54 : f32 to vector<64x16xf32>
    %max3A_56 = arith.maximumf %add3A_53, %max3A_55 : vector<64x16xf32>
    %get3A_57 = arith.constant 0 : index
    %get3A_58 = arith.constant 0 : index
    %get3A_59 = vector.load %arg8[%get3A_57, %get3A_58] : memref<1x16xf32, #tpu.memory_space<vmem>>, vector<1x16xf32>
    %mul3A_60 = vector.broadcast %get3A_59 : vector<1x16xf32> to vector<64x16xf32>
    %mul3A_61 = arith.mulf %max3A_56, %mul3A_60 : vector<64x16xf32>
    %reduce_sum3A_62 = arith.constant dense<0.000000e+00> : vector<64xf32>
    %reduce_sum3A_63 = vector.multi_reduction <add>, %mul3A_61, %reduce_sum3A_62 [1] : vector<64x16xf32> to vector<64xf32>
    %broadcast_in_dim3A_64 = vector.shape_cast %reduce_sum3A_63 : vector<64xf32> to vector<64x1xf32>
    %get3A_65 = arith.constant 0 : index
    %get3A_66 = arith.constant 0 : index
    %get3A_67 = vector.load %arg9[%get3A_65, %get3A_66] : memref<1x1xf32, #tpu.memory_space<vmem>>, vector<1x1xf32>
    %add3A_68 = vector.broadcast %get3A_67 : vector<1x1xf32> to vector<64x1xf32>
    %add3A_69 = arith.addf %broadcast_in_dim3A_64, %add3A_68 : vector<64x1xf32>
    %swap3A = arith.constant 0 : index
    %swap3A_70 = arith.constant 0 : index
    %swap3A_71 = vector.load %arg10[%swap3A, %swap3A_70] : memref<64x1xf32, #tpu.memory_space<vmem>>, vector<64x1xf32>
    tpu.vector_store %arg10[%swap3A, %swap3A_70], %add3A_69 {strides = array<i32>} : memref<64x1xf32, #tpu.memory_space<vmem>>, vector<64x1xf32>,
    return
  }
  func.func @transform_0(%arg0: i32) -> (i32, i32, i32) {
    %c0_i32 = arith.constant 0 : i32
    %c0_i32_0 = arith.constant 0 : i32
    %c0_i32_1 = arith.constant 0 : i32
    %c0_i32_2 = arith.constant 0 : i32
    return %c0_i32, %c0_i32_0, %c0_i32_1 : i32, i32, i32
  }
  func.func @transform_1(%arg0: i32) -> (i32, i32, i32) {
    %c0_i32 = arith.constant 0 : i32
    %c0_i32_0 = arith.constant 0 : i32
    %c0_i32_1 = arith.constant 0 : i32
    %c0_i32_2 = arith.constant 0 : i32
    return %c0_i32, %c0_i32_0, %c0_i32_1 : i32, i32, i32
  }
  func.func @transform_2(%arg0: i32) -> (i32, i32) {
    %c0_i32 = arith.constant 0 : i32
    %c0_i32_0 = arith.constant 0 : i32
    %c0_i32_1 = arith.constant 0 : i32
    return %c0_i32, %c0_i32_0 : i32, i32
  }
  func.func @transform_3(%arg0: i32) -> (i32, i32) {
    %c0_i32 = arith.constant 0 : i32
    %c0_i32_0 = arith.constant 0 : i32
    %c0_i32_1 = arith.constant 0 : i32
    return %c0_i32, %c0_i32_0 : i32, i32
  }
  func.func @transform_4(%arg0: i32) -> (i32, i32) {
    %c0_i32 = arith.constant 0 : i32
    %c0_i32_0 = arith.constant 0 : i32
    %c0_i32_1 = arith.constant 0 : i32
    return %c0_i32, %c0_i32_0 : i32, i32
  }
  func.func @transform_5(%arg0: i32) -> (i32, i32) {
    %c0_i32 = arith.constant 0 : i32
    %c0_i32_0 = arith.constant 0 : i32
    %c0_i32_1 = arith.constant 0 : i32
    return %c0_i32, %c0_i32_0 : i32, i32
  }
  func.func @transform_6(%arg0: i32) -> (i32, i32) {
    %c0_i32 = arith.constant 0 : i32
    %c0_i32_0 = arith.constant 0 : i32
    %c0_i32_1 = arith.constant 0 : i32
    return %c0_i32, %c0_i32_0 : i32, i32
  }
  func.func @transform_7(%arg0: i32) -> (i32, i32) {
    %c0_i32 = arith.constant 0 : i32
    %c0_i32_0 = arith.constant 0 : i32
    %c0_i32_1 = arith.constant 0 : i32
    return %c0_i32, %c0_i32_0 : i32, i32
  }
  func.func @transform_8(%arg0: i32) -> (i32, i32) {
    %c0_i32 = arith.constant 0 : i32
    %c0_i32_0 = arith.constant 0 : i32
    %c0_i32_1 = arith.constant 0 : i32
    return %c0_i32, %c0_i32_0 : i32, i32
  }
  func.func @transform_9(%arg0: i32) -> (i32, i32) {
    %c0_i32 = arith.constant 0 : i32
    %c0_i32_0 = arith.constant 0 : i32
    %c0_i32_1 = arith.constant 0 : i32
    return %c0_i32, %c0_i32_0 : i32, i32
  }
}

</mosaic_0001>

<sc_bundles>
// kernel: kernel.11.cloned.1.call-start
scs
__scs_entry_jumppad:
0x0: {  	(pc) =	sbr.rel $0x88, $3  }
0x1: {  	(tag) =	ssettag $0x0;
	lr =	simm.s32 $0x1  }
0x2: {  	[smem:$0x3F96] =	sst lr;
	_ =	strace $0xD0000000  }
0x3: {  	_ = 	snop  }
0x4: {  	_ = 	snop  }
0x5: {  	_ = 	snop  }
0x6: {  	_ = 	snop  }
0x7: {  	_ = 	snop  }
__scs_overlays_trampoline_lowered:
0x8: {  	[smem:$0x3FA5] =	sst s0  }
0x9: {  	[smem:$0x3FA6] =	sst s1  }
0xa: {  	[smem:$0x3FA7] =	sst s2  }
0xb: {  	[smem:$0x3FA8] =	sst s3  }
0xc: {  	[smem:$0x3FA9] =	sst s4  }
0xd: {  	[smem:$0x3FAA] =	sst s5  }
0xe: {  	[smem:$0x3FAB] =	sst s6  }
0xf: {  	[smem:$0x3FAC] =	sst s7  }
0x10: {  	[smem:$0x3FAD] =	sst s8  }
0x11: {  	[smem:$0x3FAE] =	sst s9;
	s0 =	simm.s32 @!p0 $0x0  }
0x12: {  	s1 =	sld [smem:$0x3F94];
	s0 =	simm.s32 @p0 $0x1  }
0x13: {  	[smem:$0x3FAF] =	sst s0;
	s0 =	simm.s32 @!p1 $0x0  }
0x14: {  	s2 =	sld [smem:$0x3F93];
	s0 =	simm.s32 @p1 $0x1  }
0x15: {  	[smem:$0x3FB0] =	sst s0;
	s0 =	simm.s32 @!p2 $0x0  }
0x16: {  	s3 =	sld [smem:$0x3FDB];
	s0 =	simm.s32 @p2 $0x1  }
0x17: {  	s4 =	simm.s32 $0x1BF5;
	[smem:$0x3FB2] =	sst s0  }
0x18: {  	s0 =	sld [smem:$0x3F95];
	_ =	swait.ge [sflag:s4], $0x0  }
0x19: {  	s7 =	sld [smem:$0x3F96]  }
0x1a: {  	s8 =	sadd.s32 $0xFFFFE003, lr  }
0x1b: {  	s9 =	sadd.s32 $0xFFFFFEF7, lr;
	s5 =	simm.s32 $0xFFFFFFFF;
	p2 =	slt.u32 s8, $0xFFFFF086  }
0x1c: {  	p1 =	slt.u32 s9, $0xF7A;
	s5 =	simm.s32 @!p2 $0x0  }
0x1d: {  	s5 =	simm.s32 @p1 $0x1;
	p0 =	seq.s32 s7, s2  }
0x1e: {  	s7 =	smul.u32 @!p0 $0xF7A, s2;
	p2 =	seq.s32 @!p0 s5, $0x0  }
0x1f: {  	s9 =	smul.u32 $0xF7A, s1;
	s8 =	simm.s32 @!p0 $0x1BF5;
	p2 =	por !p2, p0  }
0x20: {  	[sflag:s8] =	ssyncset.s32 @!p0 $0xFFFFF086;
	s6 =	sadd.s32 @!p0 s3, s7;
	s7 =	simm.s32 @!p0 $0x108  }
0x21: {  	s3 =	sadd.s32 s3, s9;
	s6 =	sadd.s32 @!p0 $0x88, s6;
	s7 =	simm.s32 @p2 $0x1082  }
0x22: {  	[simem:s7], [sflag:s8] =	dma.local @!p0 [hbm:s6], $0xF7A  }
0x23: {  	s9 =	sor.u32 $0xD0000000, s2;
	s6 =	simm.s32 $0x108;
	_ =	swait.ge @!p0 [sflag:s8], $0x0  }
0x24: {  	s3 =	sadd.s32 $0x88, s3;
	s6 =	simm.s32 @!p1 $0x1082;
	[sflag:s4] =	ssyncset.s32 $0xFFFFF086  }
0x25: {  	[simem:s6], [sflag:s4] =	dma.local [hbm:s3], $0xF7A  }
0x26: {  	[smem:$0x3F96] =	sst s1;
	(tag) =	ssettag s2;
	_ =	strace s9  }
0x27: {  	s1 =	sld [smem:$0x3FA6]  }
0x28: {  	s2 =	sld [smem:$0x3FA7]  }
0x29: {  	s4 =	sld [smem:$0x3FA9]  }
0x2a: {  	p0 =	seq.s32 s5, $0x0;
	s5 =	sld [smem:$0x3FAA]  }
0x2b: {  	s6 =	sld [smem:$0x3FAB]  }
0x2c: {  	s7 =	sld [smem:$0x3FAC]  }
0x2d: {  	s3 =	simm.s32 $0x108;
	s8 =	sld [smem:$0x3FAD]  }
0x2e: {  	s3 =	simm.s32 @!p0 $0x1082;
	s9 =	sld [smem:$0x3FAE]  }
0x2f: {  	lr =	sadd.s32 s0, s3;
	s0 =	sld [smem:$0x3FA5]  }
0x30: {  	s3 =	sld [smem:$0x3FA8]  }
0x31: {  	[smem:$0x3FB1] =	sst s10  }
0x32: {  	s10 =	sld [smem:$0x3FAF];
	_ =	sdelay $0x3  }
0x33: {  	p0 =	seq.s32 s10, $0x1;
	s10 =	sld [smem:$0x3FB1];
	_ =	sdelay $0x3  }
0x34: {  	[smem:$0x3FB1] =	sst s10  }
0x35: {  	s10 =	sld [smem:$0x3FB0];
	_ =	sdelay $0x3  }
0x36: {  	p1 =	seq.s32 s10, $0x1;
	s10 =	sld [smem:$0x3FB1];
	_ =	sdelay $0x3  }
0x37: {  	[smem:$0x3FB1] =	sst s10  }
0x38: {  	s10 =	sld [smem:$0x3FB2]  }
0x39: {  	_ = 	snop;
	(pc) =	sbr.ind lr, $3  }
0x3a: {  	_ = 	snop  }
0x3b: {  	_ = 	snop  }
0x3c: {  	p2 =	seq.s32 s10, $0x1;
	s10 =	sld [smem:$0x3FB1]  }
0x3d: {  	_ =	shalt  }
0x3e: {  	_ =	shalt  }
0x3f: {  	_ =	shalt  }
0x40: {  	_ =	shalt  }
0x41: {  	_ =	shalt  }
0x42: {  	_ =	shalt  }
0x43: {  	_ =	shalt  }
0x44: {  	_ =	shalt  }
0x45: {  	_ =	shalt  }
0x46: {  	_ =	shalt  }
0x47: {  	_ =	shalt  }
0x48: {  	_ =	shalt  }
0x49: {  	_ =	shalt  }
0x4a: {  	_ =	shalt  }
0x4b: {  	_ =	shalt  }
0x4c: {  	_ =	shalt  }
0x4d: {  	_ =	shalt  }
0x4e: {  	_ =	shalt  }
0x4f: {  	_ =	shalt  }
0x50: {  	_ =	shalt  }
0x51: {  	_ =	shalt  }
0x52: {  	_ =	shalt  }
0x53: {  	_ =	shalt  }
0x54: {  	_ =	shalt  }
0x55: {  	_ =	shalt  }
0x56: {  	_ =	shalt  }
0x57: {  	_ =	shalt  }
0x58: {  	_ =	shalt  }
0x59: {  	_ =	shalt  }
0x5a: {  	_ =	shalt  }
0x5b: {  	_ =	shalt  }
0x5c: {  	_ =	shalt  }
0x5d: {  	_ =	shalt  }
0x5e: {  	_ =	shalt  }
0x5f: {  	_ =	shalt  }
0x60: {  	_ =	shalt  }
0x61: {  	_ =	shalt  }
0x62: {  	_ =	shalt  }
0x63: {  	_ =	shalt  }
0x64: {  	_ =	shalt  }
0x65: {  	_ =	shalt  }
0x66: {  	_ =	shalt  }
0x67: {  	_ =	shalt  }
0x68: {  	_ =	shalt  }
0x69: {  	_ =	shalt  }
0x6a: {  	_ =	shalt  }
0x6b: {  	_ =	shalt  }
0x6c: {  	_ =	shalt  }
0x6d: {  	_ =	shalt  }
0x6e: {  	_ =	shalt  }
0x6f: {  	_ =	shalt  }
0x70: {  	_ =	shalt  }
0x71: {  	_ =	shalt  }
0x72: {  	_ =	shalt  }
0x73: {  	_ =	shalt  }
0x74: {  	_ =	shalt  }
0x75: {  	_ =	shalt  }
0x76: {  	_ =	shalt  }
0x77: {  	_ =	shalt  }
0x78: {  	_ =	shalt  }
0x79: {  	_ =	shalt  }
0x7a: {  	_ =	shalt  }
0x7b: {  	_ =	shalt  }
0x7c: {  	_ =	shalt  }
0x7d: {  	_ =	shalt  }
0x7e: {  	_ =	shalt  }
0x7f: {  	_ =	shalt  }
0x80: {  	_ =	shalt  }
0x81: {  	_ =	shalt  }
0x82: {  	_ =	shalt  }
0x83: {  	_ =	shalt  }
0x84: {  	_ =	shalt  }
0x85: {  	_ =	shalt  }
0x86: {  	_ =	shalt  }
0x87: {  	_ =	shalt  }
.Lfunc_end0:
.L_simem_size_0:
called_computation.1_lowered:
.L_overlay_start_0:
0x88: {  	s2 =	sld [smem:$0x3FD9]  }
0x89: {  	s3 =	sld [smem:$0x3FFE];
	_ =	sdelay $0x1  }
0x8a: {  	s1 =	srdreg.scid  }
0x8b: {  	s0 =	sand.u32 $0x1, s1  }
0x8c: {  	s16 =	sshll.u32 s0, $0xA;
	s2 =	sadd.s32 s3, s2  }
0x8d: {  	s2 =	sadd.s32 s2, s16  }
0x8e: {  	[smem:$0x3FBD] =	sst s2  }
0x8f: {  	_ = 	snop  }
0x90: {  	(tm) =	ssettm $0x1  }
0x91: {  	s17 =	sld [smem:$0x3FFB];
	_ =	sdelay $0x3  }
0x92: {  	_ =	strace s17  }
0x93: {  	s2 =	sld [smem:$0x3FFC];
	_ =	sdelay $0x3  }
0x94: {  	_ =	strace s2  }
0x95: {  	s2 =	sld [smem:$0x3FFD];
	_ =	sdelay $0x3  }
0x96: {  	_ =	strace s2  }
0x97: {  	_ =	strace $0x8FFFFFFF  }
0x98: {  	s18 =	sld [smem:$0x3FDB];
	_ =	sdelay $0x1  }
0x99: {  	s19 =	simm.s32 $_scs_section_size  }
0x9a: {  	s4 =	simm.s32 $_size__tile_overlayer_lowered;
	s5 =	simm.s32 $_tile_overlayer_lowered  }
0x9b: {  	s22 =	simm.s32 $0x1BFF;
	s21 =	sshll.u32 s5, $0x1;
	s2 =	sadd.s32 s19, s18  }
0x9c: {  	s6 =	simm.s32 $0x0;
	s20 =	sshll.u32 s4, $0x1;
	s4 =	sadd.s32 s21, s2  }
0x9d: {  	[timem:s6], [sflag:s22] =	dma.local [hbm:s4], s20  }
0x9e: {  	_ =	swait.ge [sflag:s22], s20  }
0x9f: {  	s3 =	ssub.s32 $0x0, s20;
	[sflag:s22] =	ssyncset.done $0x0  }
0xa0: {  	[sflag:s22] =	ssyncadd.s32 s3;
	_ =	sdelay $0x1  }
0xa1: {  	s23 =	simm.s32 $0x1B8B  }
0xa2: {  	_ =	swait.ge [sflag:s23], $0x1  }
0xa3: {  	[sflag:s23] =	ssyncset.done $0x0  }
0xa4: {  	s25 =	simm.s32 $0x1B8E;
	s24 =	sld [smem:$0x3FFE];
	[sflag:s23] =	ssyncadd.s32 $0xFFFFFFFF  }
0xa5: {  	s26 =	simm.s32 $execute0_lowered;
	[smem:$0x3FD2] =	sst s25  }
0xa6: {  	s4 =	sshll.u32 s26, $0x1;
	_ =	strace $0x80000049;
	[dreg:$0x1] =	wrdreg $0xFFFFFFFF  }
0xa7: {  	s28 =	simm.s32 $_size_execute0_lowered;
	s2 =	sadd.s32 s2, s4;
	[dreg:$0x0] =	wrdreg $0x0  }
0xa8: {  	s4 =	sshll.u32 s28, $0x1;
	[dreg:$0x2] =	wrdreg s2  }
0xa9: {  	[dreg:$0x3] =	wrdreg s4  }
0xaa: {  	[dreg:$0x4] =	wrdreg $0xC0  }
0xab: {  	_ =	task [dreg:s6], $0x5FFFF  }
0xac: {  	[dreg:$0x1] =	wrdreg $0xFFFFFFFF  }
0xad: {  	[dreg:$0x0] =	wrdreg $0x60  }
0xae: {  	[dreg:$0x2] =	wrdreg s24  }
0xaf: {  	[dreg:$0x3] =	wrdreg $0xC3000  }
0xb0: {  	[dreg:$0x4] =	wrdreg $0x9  }
0xb1: {  	_ =	task.clear_ibuf [dreg:s6], $0x5FFFF;
	_ =	strace $0x90000049  }
0xb2: {  	s29 =	simm.s32 $0x9;
	_ =	strace $0x8000004B  }
0xb3: {  	_ =	swait.ge [sflag:s29], $0x1  }
0xb4: {  	[sflag:s29] =	ssyncadd.s32 $0xFFFFFFFF  }
0xb5: {  	_ =	strace $0x9000004B  }
0xb6: {  	_ =	sfence  }
0xb7: {  	s30 =	sld [smem:$0x0];
	_ =	sdelay $0x2  }
0xb8: {  	s31 =	sshll.u32 s1, $0xD;
	s1 =	sshrl.u32 s1, $0x2  }
0xb9: {  	s3 =	sand.u32 $0x4000, s31;
	s1 =	sadd.s32 s1, s30  }
0xba: {  	s0 =	sor.u32 s3, s0;
	s1 =	sshll.u32 s1, $0x11  }
0xbb: {  	s0 =	sor.u32 s1, s0  }
0xbc: {  	s0 =	sadd.s32 $0x8F2B, s0  }
0xbd: {  	[sflag:s0] =	ssyncadd.remote.s32 $0x1  }
0xbe: {  	_ =	sfence.sel $0xFFFF  }
0xbf: {  	[dreg:$0x0] =	wrdreg $0xFFFFFFFF;
	(pc) =	sbr.abs _section_cstart, $3  }
0xc0: {  	[dreg:$0x1] =	wrdreg $0xFFFFFFFF  }
0xc1: {  	_ =	task.clear_ibuf [dreg:s6], $0x2FFFF;
	_ =	strace $0x9FFFFFFF  }
0xc2: {  	(tm) =	ssettm $0x7FFFFFFF  }
0xc3: {  	_ =	shalt  }
tec
execute0_lowered:
.L_overlay_start_1:
0x0: {  	(tag) =	ssettag $0x1  }
0x1: {  	s0 =	rddreg [dreg:$0x0]  }
0x2: {  	s1 =	rddreg [dreg:$0x1];
	s3 =	simm.s32 $0x0;
	s2 =	srdreg.scid  }
0x3: {  	s12 =	stileid.u32;
	s28 =	simm.s32 $0x200;
	s29 =	simm.s32 $0x100  }
0x4: {  	s30 =	simm.s32 $0x280;
	s31 =	simm.s32 $0x7;
	[smem:$0x7FF] =	sst s3  }
0x5: {  	s2 =	sand.u32 $0x1, s2;
	s5 =	sshll.u32 s12, $0x1;
	s13 =	smul.u32 $0x4F000, s12  }
0x6: {  	s4 =	sadd.s32 $0x19000, s0;
	s10 =	sadd.s32 $0x16800, s0;
	s21 =	smul.u32 $0x5000, s12  }
0x7: {  	s19 =	sshll.u32 s12, $0x6;
	_ =	strace $0x8000004A;
	s7 =	smul.u32 $0x27800, s2  }
0x8: {  	s6 =	sor.u32 s2, s5;
	s8 =	ssub.s32 $0x2, s2;
	s2 =	smul.u32 $0x2800, s2  }
0x9: {  	s5 =	sadd.s32 $0xC800, s0;
	[dreg:$0x3] =	wrdreg s10;
	s9 =	smul.u32 $0x2800, s6  }
0xa: {  	s6 =	sadd.s32 $0x2800, s0;
	s24 =	sshrl.u32 s8, $0x1;
	s17 =	sshrl.u32 s13, $0x2  }
0xb: {  	s13 =	simm.s32 $0x6;
	s0 =	sadd.s32 s7, s0;
	s25 =	ssub.s32 s8, s24  }
0xc: {  	s24 =	smul.u32 $0x2780, s12;
	s2 =	sadd.s32 s2, s21;
	s12 =	simm.s32 $0x5  }
0xd: {  	s26 =	sshrl.u32 s9, $0x3;
	s0 =	sadd.s32 $0x40200, s0;
	s7 =	smax.u32 s25, $0x1  }
0xe: {  	s25 =	sor.u32 $0x280, s2;
	s9 =	sadd.s32 s5, s26;
	s10 =	sor.u32 $0x10, s26  }
0xf: {  	s11 =	sadd.s32 s6, s26;
	s15 =	sor.u32 $0x20, s26;
	s20 =	sadd.s32 $0x4E0, s26  }
0x10: {  	s8 =	sadd.s32 $0x4F0, s26;
	[dreg:$0xf] =	wrdreg s7;
	s26 =	sor.u32 $0x200, s2  }
0x11: {  	s21 =	sshrl.u32 s25, $0x3;
	s2 =	sor.u32 $0x180, s2;
	[dreg:$0x4] =	wrdreg s9  }
0x12: {  	s24 =	sadd.s32 s24, s0;
	[dreg:$0x5] =	wrdreg s11;
	s14 =	sadd.s32 s5, s10  }
0x13: {  	s25 =	simm.s32 $0x180;
	s9 =	sadd.s32 s6, s10;
	[dreg:$0x6] =	wrdreg s14  }
0x14: {  	s0 =	simm.s32 $0x1;
	s16 =	sadd.s32 s5, s15;
	[dreg:$0x7] =	wrdreg s9  }
0x15: {  	s7 =	simm.s32 $0x2;
	s18 =	sadd.s32 s6, s15;
	[dreg:$0x8] =	wrdreg s16  }
0x16: {  	s15 =	sor.u32 $0x1C07, s19;
	s22 =	sadd.s32 s5, s20;
	[dreg:$0x9] =	wrdreg s18  }
0x17: {  	s23 =	sadd.s32 s5, s8;
	s8 =	sadd.s32 s6, s8;
	[dreg:$0xb] =	wrdreg s22  }
0x18: {  	s10 =	simm.s32 $0x8300;
	s11 =	simm.s32 $0x4;
	[dreg:$0xd] =	wrdreg s23  }
0x19: {  	s9 =	sadd.s32 s17, s1;
	[dreg:$0xe] =	wrdreg s8;
	s22 =	sshrl.u32 s26, $0x3  }
0x1a: {  	s23 =	sshrl.u32 s2, $0x3;
	s26 =	simm.s32 $0x80;
	s2 =	simm.s32 $0x300  }
0x1b: {  	s8 =	simm.s32 $0x4300;
	[dreg:$0xa] =	wrdreg s9;
	s9 =	sadd.s32 s6, s20  }
0x1c: {  	s14 =	simm.s32 $0x0;
	[dreg:$0xc] =	wrdreg s9;
	s9 =	simm.s32 $0x3  }
.LBB2_1:
0x1d: {  	s16 =	rddreg [dreg:$0x4]  }
0x1e: {  	s17 =	rddreg [dreg:$0x5]  }
0x1f: {  	[tilespmem:s3], [sflag:$0x1] =	stream.linear.gather [hbm4b:s16+s3], $0x80, $0x38;
	[tilespmem:$0x1FF00] =	vst v63  }
0x20: {  	s18 =	rddreg [dreg:$0x6]  }
0x21: {  	[tilespmem:s25], [sflag:$0x1] =	stream.linear.gather [hbm4b:s17+s3], $0x80, $0x38;
	[tilespmem:$0x1FF00] =	vst v63  }
0x22: {  	s19 =	rddreg [dreg:$0x7]  }
0x23: {  	[tilespmem:s26], [sflag:$0x2] =	stream.linear.gather [hbm4b:s18+s3], $0x80, $0x38;
	[tilespmem:$0x1FF00] =	vst v63  }
0x24: {  	s20 =	rddreg [dreg:$0x8]  }
0x25: {  	[tilespmem:s28], [sflag:$0x2] =	stream.linear.gather [hbm4b:s19+s3], $0x80, $0x38;
	[tilespmem:$0x1FF00] =	vst v63  }
0x26: {  	s17 =	rddreg [dreg:$0x9]  }
0x27: {  	[tilespmem:s29], [sflag:$0x3] =	stream.linear.gather [hbm4b:s20+s3], $0x80, $0x38;
	[tilespmem:$0x1FF00] =	vst v63  }
0x28: {  	s18 =	rddreg [dreg:$0xa]  }
0x29: {  	[tilespmem:s30], [sflag:$0x3] =	stream.linear.gather [hbm4b:s17+s3], $0x80, $0x38;
	[tilespmem:$0x1FF00] =	vst v63  }
0x2a: {  	s16 =	sshrl.u32 s18, $0x3;
	s17 =	rddreg [dreg:$0x3]  }
0x2b: {  	[spmem:s16], [sflag:s15] =	dma.local [hbm:s17], $0x2780  }
0x2c: {  	_ =	swait.ge [sflag:s31], $0x2780  }
0x2d: {  	[sflag:s31] =	ssyncset.done $0x0  }
0x2e: {  	[sflag:s31] =	ssyncadd.s32 $0xFFFFD880  }
0x2f: {  	_ =	swait.ge [sflag:s0], $0x80  }
0x30: {  	[sflag:s0] =	ssyncset.done $0x0  }
0x31: {  	[sflag:s0] =	ssyncadd.s32 $0xFFFFFF80  }
0x32: {  	_ =	swait.ge [sflag:s0], $0x80  }
0x33: {  	[sflag:s0] =	ssyncset.done $0x0  }
0x34: {  	[sflag:s0] =	ssyncadd.s32 $0xFFFFFF80  }
0x35: {  	[tilespmem:s2], [sflag:$0x4] =	stream.indirect.gather [hbm4b:s4+s26], $0x80, s3, s26, $0xb8;
	[tilespmem:$0x1FF00] =	vst v63  }
0x36: {  	_ =	swait.ge [sflag:s7], $0x80  }
0x37: {  	[sflag:s7] =	ssyncset.done $0x0  }
0x38: {  	[sflag:s7] =	ssyncadd.s32 $0xFFFFFF80  }
0x39: {  	_ =	swait.ge [sflag:s7], $0x80  }
0x3a: {  	[sflag:s7] =	ssyncset.done $0x0  }
0x3b: {  	[sflag:s7] =	ssyncadd.s32 $0xFFFFFF80  }
0x3c: {  	[tilespmem:s8], [sflag:$0x5] =	stream.indirect.gather [hbm4b:s4+s26], $0x80, s26, s26, $0xb8;
	[tilespmem:$0x1FF00] =	vst v63  }
0x3d: {  	[bflag:$0x0] =	sbarrier.arrive $0xFFFF  }
0x3e: {  	_ =	swait.ge [sflag:s9], $0x80  }
0x3f: {  	[sflag:s9] =	ssyncset.done $0x0  }
0x40: {  	[sflag:s9] =	ssyncadd.s32 $0xFFFFFF80  }
0x41: {  	_ =	swait.ge [sflag:s9], $0x80  }
0x42: {  	[sflag:s9] =	ssyncset.done $0x0  }
0x43: {  	[sflag:s9] =	ssyncadd.s32 $0xFFFFFF80  }
0x44: {  	[tilespmem:s10], [sflag:$0x6] =	stream.indirect.gather [hbm4b:s4+s26], $0x80, s29, s26, $0xb8;
	[tilespmem:$0x1FF00] =	vst v63  }
0x45: {  	_ =	swait.ge [sflag:s11], $0x4000  }
0x46: {  	[sflag:s11] =	ssyncset.done $0x0  }
0x47: {  	[sflag:s11] =	ssyncadd.s32 $0xFFFFC000  }
0x48: {  	[spmem:s1] =	stream.indirect.scatter.add.f32 [tilespmem:s2], [sflag:$0x7], $0x80, s25, s26, $0xb8;
	[tilespmem:$0x1FF00] =	vst v63  }
0x49: {  	_ =	swait.ge [sflag:s31], $0x4000  }
0x4a: {  	[sflag:s31] =	ssyncset.done $0x0  }
0x4b: {  	s19 =	sadd.s32 s5, s23;
	[sflag:s31] =	ssyncadd.s32 $0xFFFFC000  }
0x4c: {  	[tilespmem:s3], [sflag:$0x1] =	stream.linear.gather [hbm4b:s19+s3], $0x80, $0x38;
	[tilespmem:$0x1FF00] =	vst v63  }
0x4d: {  	s20 =	sadd.s32 s6, s23  }
0x4e: {  	[tilespmem:s25], [sflag:$0x1] =	stream.linear.gather [hbm4b:s20+s3], $0x80, $0x38;
	[tilespmem:$0x1FF00] =	vst v63  }
0x4f: {  	_ =	swait.ge [sflag:s0], $0x80  }
0x50: {  	[sflag:s0] =	ssyncset.done $0x0  }
0x51: {  	[sflag:s0] =	ssyncadd.s32 $0xFFFFFF80  }
0x52: {  	_ =	swait.ge [sflag:s0], $0x80  }
0x53: {  	[sflag:s0] =	ssyncset.done $0x0  }
0x54: {  	[sflag:s0] =	ssyncadd.s32 $0xFFFFFF80  }
0x55: {  	[tilespmem:s2], [sflag:$0x4] =	stream.indirect.gather [hbm4b:s4+s26], $0x80, s3, s26, $0xb8;
	[tilespmem:$0x1FF00] =	vst v63  }
0x56: {  	_ =	swait.ge [sflag:s12], $0x4000  }
0x57: {  	[sflag:s12] =	ssyncset.done $0x0  }
0x58: {  	[sflag:s12] =	ssyncadd.s32 $0xFFFFC000  }
0x59: {  	[spmem:s1] =	stream.indirect.scatter.add.f32 [tilespmem:s8], [sflag:$0x7], $0x80, s28, s26, $0xb8;
	[tilespmem:$0x1FF00] =	vst v63  }
0x5a: {  	_ =	swait.ge [sflag:s31], $0x4000  }
0x5b: {  	[sflag:s31] =	ssyncset.done $0x0  }
0x5c: {  	s18 =	sadd.s32 s5, s22;
	[sflag:s31] =	ssyncadd.s32 $0xFFFFC000  }
0x5d: {  	[tilespmem:s26], [sflag:$0x2] =	stream.linear.gather [hbm4b:s18+s3], $0x80, $0x38;
	[tilespmem:$0x1FF00] =	vst v63  }
0x5e: {  	s19 =	sadd.s32 s6, s22  }
0x5f: {  	[tilespmem:s28], [sflag:$0x2] =	stream.linear.gather [hbm4b:s19+s3], $0x80, $0x38;
	[tilespmem:$0x1FF00] =	vst v63  }
0x60: {  	_ =	swait.ge [sflag:s7], $0x80  }
0x61: {  	[sflag:s7] =	ssyncset.done $0x0  }
0x62: {  	[sflag:s7] =	ssyncadd.s32 $0xFFFFFF80  }
0x63: {  	_ =	swait.ge [sflag:s7], $0x80  }
0x64: {  	[sflag:s7] =	ssyncset.done $0x0  }
0x65: {  	[sflag:s7] =	ssyncadd.s32 $0xFFFFFF80  }
0x66: {  	[tilespmem:s8], [sflag:$0x5] =	stream.indirect.gather [hbm4b:s4+s26], $0x80, s26, s26, $0xb8;
	[tilespmem:$0x1FF00] =	vst v63  }
0x67: {  	_ =	swait.ge [sflag:s13], $0x4000  }
0x68: {  	[sflag:s13] =	ssyncset.done $0x0  }
0x69: {  	[sflag:s13] =	ssyncadd.s32 $0xFFFFC000  }
0x6a: {  	[spmem:s1] =	stream.indirect.scatter.add.f32 [tilespmem:s10], [sflag:$0x7], $0x80, s30, s26, $0xb8;
	[tilespmem:$0x1FF00] =	vst v63  }
0x6b: {  	_ =	swait.ge [sflag:s31], $0x4000  }
0x6c: {  	[sflag:s31] =	ssyncset.done $0x0  }
0x6d: {  	s17 =	simm.s32 $0x18;
	s20 =	sadd.s32 s5, s21;
	[sflag:s31] =	ssyncadd.s32 $0xFFFFC000  }
0x6e: {  	[tilespmem:s29], [sflag:$0x3] =	stream.linear.gather [hbm4b:s20+s3], $0x80, $0x38;
	[tilespmem:$0x1FF00] =	vst v63  }
0x6f: {  	s18 =	sadd.s32 $0x30, s6;
	s19 =	sadd.s32 $0x30, s5;
	s20 =	sadd.s32 s6, s21  }
.LBB2_2:
0x70: {  	[tilespmem:s30], [sflag:$0x3] =	stream.linear.gather [hbm4b:s20+s3], $0x80, $0x38;
	[tilespmem:$0x1FF00] =	vst v63  }
0x71: {  	p0 =	sne.s32 s17, $0x1;
	s17 =	sadd.s32 $0xFFFFFFFF, s17;
	_ =	swait.ge [sflag:s9], $0x80  }
0x72: {  	[sflag:s9] =	ssyncset.done $0x0  }
0x73: {  	[sflag:s9] =	ssyncadd.s32 $0xFFFFFF80  }
0x74: {  	_ =	swait.ge [sflag:s9], $0x80  }
0x75: {  	[sflag:s9] =	ssyncset.done $0x0  }
0x76: {  	[sflag:s9] =	ssyncadd.s32 $0xFFFFFF80  }
0x77: {  	[tilespmem:s10], [sflag:$0x6] =	stream.indirect.gather [hbm4b:s4+s26], $0x80, s29, s26, $0xb8;
	[tilespmem:$0x1FF00] =	vst v63  }
0x78: {  	_ =	swait.ge [sflag:s11], $0x4000  }
0x79: {  	[sflag:s11] =	ssyncset.done $0x0  }
0x7a: {  	[sflag:s11] =	ssyncadd.s32 $0xFFFFC000  }
0x7b: {  	[spmem:s1] =	stream.indirect.scatter.add.f32 [tilespmem:s2], [sflag:$0x7], $0x80, s25, s26, $0xb8;
	[tilespmem:$0x1FF00] =	vst v63  }
0x7c: {  	_ =	swait.ge [sflag:s31], $0x4000  }
0x7d: {  	[sflag:s31] =	ssyncset.done $0x0  }
0x7e: {  	s20 =	sadd.s32 s19, s23;
	[sflag:s31] =	ssyncadd.s32 $0xFFFFC000  }
0x7f: {  	[tilespmem:s3], [sflag:$0x1] =	stream.linear.gather [hbm4b:s20+s3], $0x80, $0x38;
	[tilespmem:$0x1FF00] =	vst v63  }
0x80: {  	s20 =	sadd.s32 s18, s23  }
0x81: {  	[tilespmem:s25], [sflag:$0x1] =	stream.linear.gather [hbm4b:s20+s3], $0x80, $0x38;
	[tilespmem:$0x1FF00] =	vst v63  }
0x82: {  	_ =	swait.ge [sflag:s0], $0x80  }
0x83: {  	[sflag:s0] =	ssyncset.done $0x0  }
0x84: {  	[sflag:s0] =	ssyncadd.s32 $0xFFFFFF80  }
0x85: {  	_ =	swait.ge [sflag:s0], $0x80  }
0x86: {  	[sflag:s0] =	ssyncset.done $0x0  }
0x87: {  	[sflag:s0] =	ssyncadd.s32 $0xFFFFFF80  }
0x88: {  	[tilespmem:s2], [sflag:$0x4] =	stream.indirect.gather [hbm4b:s4+s26], $0x80, s3, s26, $0xb8;
	[tilespmem:$0x1FF00] =	vst v63  }
0x89: {  	_ =	swait.ge [sflag:s12], $0x4000  }
0x8a: {  	[sflag:s12] =	ssyncset.done $0x0  }
0x8b: {  	[sflag:s12] =	ssyncadd.s32 $0xFFFFC000  }
0x8c: {  	[spmem:s1] =	stream.indirect.scatter.add.f32 [tilespmem:s8], [sflag:$0x7], $0x80, s28, s26, $0xb8;
	[tilespmem:$0x1FF00] =	vst v63  }
0x8d: {  	_ =	swait.ge [sflag:s31], $0x4000  }
0x8e: {  	[sflag:s31] =	ssyncset.done $0x0  }
0x8f: {  	s20 =	sadd.s32 s19, s22;
	[sflag:s31] =	ssyncadd.s32 $0xFFFFC000  }
0x90: {  	[tilespmem:s26], [sflag:$0x2] =	stream.linear.gather [hbm4b:s20+s3], $0x80, $0x38;
	[tilespmem:$0x1FF00] =	vst v63  }
0x91: {  	s20 =	sadd.s32 s18, s22  }
0x92: {  	[tilespmem:s28], [sflag:$0x2] =	stream.linear.gather [hbm4b:s20+s3], $0x80, $0x38;
	[tilespmem:$0x1FF00] =	vst v63  }
0x93: {  	_ =	swait.ge [sflag:s7], $0x80  }
0x94: {  	[sflag:s7] =	ssyncset.done $0x0  }
0x95: {  	[sflag:s7] =	ssyncadd.s32 $0xFFFFFF80  }
0x96: {  	_ =	swait.ge [sflag:s7], $0x80  }
0x97: {  	[sflag:s7] =	ssyncset.done $0x0  }
0x98: {  	[sflag:s7] =	ssyncadd.s32 $0xFFFFFF80  }
0x99: {  	[tilespmem:s8], [sflag:$0x5] =	stream.indirect.gather [hbm4b:s4+s26], $0x80, s26, s26, $0xb8;
	[tilespmem:$0x1FF00] =	vst v63  }
0x9a: {  	_ =	swait.ge [sflag:s13], $0x4000  }
0x9b: {  	[sflag:s13] =	ssyncset.done $0x0  }
0x9c: {  	[sflag:s13] =	ssyncadd.s32 $0xFFFFC000  }
0x9d: {  	[spmem:s1] =	stream.indirect.scatter.add.f32 [tilespmem:s10], [sflag:$0x7], $0x80, s30, s26, $0xb8;
	[tilespmem:$0x1FF00] =	vst v63  }
.Ltmp0:
0x9e: {  	_ =	swait.ge [sflag:s31], $0x4000;
	(pc) =	sbr.rel @p0 .LBB2_2-.Ltmp0, $4  }
0x9f: {  	[sflag:s31] =	ssyncset.done $0x0  }
0xa0: {  	s20 =	sadd.s32 s19, s21;
	[sflag:s31] =	ssyncadd.s32 $0xFFFFC000  }
0xa1: {  	[tilespmem:s29], [sflag:$0x3] =	stream.linear.gather [hbm4b:s20+s3], $0x80, $0x38;
	[tilespmem:$0x1FF00] =	vst v63  }
0xa2: {  	s19 =	sadd.s32 $0x30, s19;
	s20 =	sadd.s32 s18, s21;
	s18 =	sadd.s32 $0x30, s18  }
0xa3: {  	[tilespmem:s30], [sflag:$0x3] =	stream.linear.gather [hbm4b:s20+s3], $0x80, $0x38;
	[tilespmem:$0x1FF00] =	vst v63  }
0xa4: {  	_ =	swait.ge [sflag:s9], $0x80  }
0xa5: {  	[sflag:s9] =	ssyncset.done $0x0  }
0xa6: {  	[sflag:s9] =	ssyncadd.s32 $0xFFFFFF80  }
0xa7: {  	_ =	swait.ge [sflag:s9], $0x80  }
0xa8: {  	[sflag:s9] =	ssyncset.done $0x0  }
0xa9: {  	[sflag:s9] =	ssyncadd.s32 $0xFFFFFF80  }
0xaa: {  	[tilespmem:s10], [sflag:$0x6] =	stream.indirect.gather [hbm4b:s4+s26], $0x80, s29, s26, $0xb8;
	[tilespmem:$0x1FF00] =	vst v63  }
0xab: {  	_ =	swait.ge [sflag:s11], $0x4000  }
0xac: {  	[sflag:s11] =	ssyncset.done $0x0  }
0xad: {  	[sflag:s11] =	ssyncadd.s32 $0xFFFFC000  }
0xae: {  	[spmem:s1] =	stream.indirect.scatter.add.f32 [tilespmem:s2], [sflag:$0x7], $0x80, s25, s26, $0xb8;
	[tilespmem:$0x1FF00] =	vst v63  }
0xaf: {  	_ =	swait.ge [sflag:s31], $0x4000  }
0xb0: {  	[sflag:s31] =	ssyncset.done $0x0  }
0xb1: {  	s17 =	rddreg [dreg:$0xb];
	[sflag:s31] =	ssyncadd.s32 $0xFFFFC000  }
0xb2: {  	[tilespmem:s3], [sflag:$0x1] =	stream.linear.gather [hbm4b:s17+s3], $0x80, $0x38;
	[tilespmem:$0x1FF00] =	vst v63  }
0xb3: {  	s20 =	rddreg [dreg:$0xc]  }
0xb4: {  	[tilespmem:s25], [sflag:$0x1] =	stream.linear.gather [hbm4b:s20+s3], $0x80, $0x38;
	[tilespmem:$0x1FF00] =	vst v63  }
0xb5: {  	_ =	swait.ge [sflag:s0], $0x80  }
0xb6: {  	[sflag:s0] =	ssyncset.done $0x0  }
0xb7: {  	[sflag:s0] =	ssyncadd.s32 $0xFFFFFF80  }
0xb8: {  	_ =	swait.ge [sflag:s0], $0x80  }
0xb9: {  	[sflag:s0] =	ssyncset.done $0x0  }
0xba: {  	[sflag:s0] =	ssyncadd.s32 $0xFFFFFF80  }
0xbb: {  	[tilespmem:s2], [sflag:$0x4] =	stream.indirect.gather [hbm4b:s4+s26], $0x80, s3, s26, $0xb8;
	[tilespmem:$0x1FF00] =	vst v63  }
0xbc: {  	_ =	swait.ge [sflag:s12], $0x4000  }
0xbd: {  	[sflag:s12] =	ssyncset.done $0x0  }
0xbe: {  	[sflag:s12] =	ssyncadd.s32 $0xFFFFC000  }
0xbf: {  	[spmem:s1] =	stream.indirect.scatter.add.f32 [tilespmem:s8], [sflag:$0x7], $0x80, s28, s26, $0xb8;
	[tilespmem:$0x1FF00] =	vst v63  }
0xc0: {  	_ =	swait.ge [sflag:s31], $0x4000  }
0xc1: {  	[sflag:s31] =	ssyncset.done $0x0  }
0xc2: {  	s18 =	rddreg [dreg:$0xd];
	[sflag:s31] =	ssyncadd.s32 $0xFFFFC000  }
0xc3: {  	[tilespmem:s26], [sflag:$0x2] =	stream.linear.gather [hbm4b:s18+s3], $0x80, $0x38;
	[tilespmem:$0x1FF00] =	vst v63  }
0xc4: {  	s19 =	rddreg [dreg:$0xe]  }
0xc5: {  	[tilespmem:s28], [sflag:$0x2] =	stream.linear.gather [hbm4b:s19+s3], $0x80, $0x38;
	[tilespmem:$0x1FF00] =	vst v63  }
0xc6: {  	_ =	swait.ge [sflag:s7], $0x80  }
0xc7: {  	[sflag:s7] =	ssyncset.done $0x0  }
0xc8: {  	[sflag:s7] =	ssyncadd.s32 $0xFFFFFF80  }
0xc9: {  	_ =	swait.ge [sflag:s7], $0x80  }
0xca: {  	[sflag:s7] =	ssyncset.done $0x0  }
0xcb: {  	[sflag:s7] =	ssyncadd.s32 $0xFFFFFF80  }
0xcc: {  	[tilespmem:s8], [sflag:$0x5] =	stream.indirect.gather [hbm4b:s4+s26], $0x80, s26, s26, $0xb8;
	[tilespmem:$0x1FF00] =	vst v63  }
0xcd: {  	_ =	swait.ge [sflag:s13], $0x4000  }
0xce: {  	[sflag:s13] =	ssyncset.done $0x0  }
0xcf: {  	[sflag:s13] =	ssyncadd.s32 $0xFFFFC000  }
0xd0: {  	[spmem:s1] =	stream.indirect.scatter.add.f32 [tilespmem:s10], [sflag:$0x7], $0x80, s30, s26, $0xb8;
	[tilespmem:$0x1FF00] =	vst v63  }
0xd1: {  	_ =	swait.ge [sflag:s31], $0x4000  }
0xd2: {  	[sflag:s31] =	ssyncset.done $0x0  }
0xd3: {  	[sflag:s31] =	ssyncadd.s32 $0xFFFFC000  }
0xd4: {  	_ =	swait.ge [sflag:s11], $0x4000  }
0xd5: {  	[sflag:s11] =	ssyncset.done $0x0  }
0xd6: {  	[sflag:s11] =	ssyncadd.s32 $0xFFFFC000  }
0xd7: {  	[spmem:s1] =	stream.indirect.scatter.add.f32 [tilespmem:s2], [sflag:$0x7], $0x80, s25, s26, $0xb8;
	[tilespmem:$0x1FF00] =	vst v63  }
0xd8: {  	_ =	swait.ge [sflag:s31], $0x4000  }
0xd9: {  	[sflag:s31] =	ssyncset.done $0x0  }
0xda: {  	[sflag:s31] =	ssyncadd.s32 $0xFFFFC000  }
0xdb: {  	_ =	swait.ge [sflag:s12], $0x4000  }
0xdc: {  	[sflag:s12] =	ssyncset.done $0x0  }
0xdd: {  	[sflag:s12] =	ssyncadd.s32 $0xFFFFC000  }
0xde: {  	[spmem:s1] =	stream.indirect.scatter.add.f32 [tilespmem:s8], [sflag:$0x7], $0x80, s28, s26, $0xb8;
	[tilespmem:$0x1FF00] =	vst v63  }
0xdf: {  	_ =	swait.ge [sflag:s31], $0x4000  }
0xe0: {  	[sflag:s31] =	ssyncset.done $0x0  }
0xe1: {  	[sflag:s31] =	ssyncadd.s32 $0xFFFFC000  }
0xe2: {  	[bflag:$0x0] =	sbarrier.arrive $0xFFFF  }
0xe3: {  	[hbm:s24], [sflag:s15] =	dma.local [spmem:s16], $0x2780  }
0xe4: {  	_ =	swait.ge [sflag:s31], $0x2780  }
0xe5: {  	s14 =	sadd.s32 $0x1, s14;
	s20 =	rddreg [dreg:$0xf]  }
0xe6: {  	p0 =	sne.s32 s14, s20  }
.Ltmp1:
0xe7: {  	_ = 	snop;
	(pc) =	sbr.rel @p0 .LBB2_1-.Ltmp1, $3  }
0xe8: {  	_ =	sdelay $0x1  }
0xe9: {  	[sflag:s31] =	ssyncset.done $0x0  }
0xea: {  	[sflag:s31] =	ssyncadd.s32 $0xFFFFD880  }
0xeb: {  	_ =	sfence.sel $0x180000  }
0xec: {  	[bflag:$0x0] =	sbarrier.arrive $0xFFFF  }
0xed: {  	_ =	strace $0x9000004A  }
0xee: {  	s0 =	stileid.u32;
	[bflag:$0x2] =	sbarrier.arrive $0xFFFF  }
0xef: {  	p0 =	sne.s32 s0, $0x0;
	s0 =	rddreg [dreg:$0x2]  }
0xf0: {  	s0 =	sadd.s32 @!p0 $0x100000, s0  }
0xf1: {  	[sflag:s0] =	ssyncadd.tile.s32 @!p0 $0x1;
	_ =	shalt  }
.Lfunc_end2:
_tile_overlayer_lowered:
.L_overlay_start_2:
0xf2: {  	(tag) =	ssettag $0x2  }
0xf3: {  	s0 =	rddreg [dreg:$0x0];
	s2 =	stileid.u32  }
0xf4: {  	s1 =	rddreg [dreg:$0x1];
	p0 =	sne.s32 s2, $0x0  }
0xf5: {  	s3 =	rddreg [dreg:$0x2];
	[bflag:$0x3] =	sbarrier.arrive $0xFFFF;
	s2 =	simm.s32 @!p0 $0x1C07  }
0xf6: {  	[timem:s3], [sflag:s2] =	dma.local @!p0 [hbm:s0], s1  }
0xf7: {  	s0 =	simm.s32 @!p0 $0x7  }
0xf8: {  	_ =	swait.ge @!p0 [sflag:s0], s1  }
0xf9: {  	s1 =	ssub.s32 @!p0 $0x0, s1;
	[sflag:s0] =	ssyncset.done @!p0 $0x0  }
0xfa: {  	[sflag:s0] =	ssyncadd.s32 @!p0 s1  }
0xfb: {  	[bflag:$0x3] =	sbarrier.arrive $0xFFFF  }
0xfc: {  	_ =	shalt  }

// kernel: kernel.14.cloned.1.call-start
scs
__scs_entry_jumppad:
0x0: {  	(pc) =	sbr.rel $0x88, $3  }
0x1: {  	(tag) =	ssettag $0x0;
	lr =	simm.s32 $0x1  }
0x2: {  	[smem:$0x3F96] =	sst lr;
	_ =	strace $0xD0000000  }
0x3: {  	_ = 	snop  }
0x4: {  	_ = 	snop  }
0x5: {  	_ = 	snop  }
0x6: {  	_ = 	snop  }
0x7: {  	_ = 	snop  }
__scs_overlays_trampoline_lowered:
0x8: {  	[smem:$0x3FA5] =	sst s0  }
0x9: {  	[smem:$0x3FA6] =	sst s1  }
0xa: {  	[smem:$0x3FA7] =	sst s2  }
0xb: {  	[smem:$0x3FA8] =	sst s3  }
0xc: {  	[smem:$0x3FA9] =	sst s4  }
0xd: {  	[smem:$0x3FAA] =	sst s5  }
0xe: {  	[smem:$0x3FAB] =	sst s6  }
0xf: {  	[smem:$0x3FAC] =	sst s7  }
0x10: {  	[smem:$0x3FAD] =	sst s8  }
0x11: {  	[smem:$0x3FAE] =	sst s9;
	s0 =	simm.s32 @!p0 $0x0  }
0x12: {  	s1 =	sld [smem:$0x3F94];
	s0 =	simm.s32 @p0 $0x1  }
0x13: {  	[smem:$0x3FAF] =	sst s0;
	s0 =	simm.s32 @!p1 $0x0  }
0x14: {  	s2 =	sld [smem:$0x3F93];
	s0 =	simm.s32 @p1 $0x1  }
0x15: {  	[smem:$0x3FB0] =	sst s0;
	s0 =	simm.s32 @!p2 $0x0  }
0x16: {  	s3 =	sld [smem:$0x3FDB];
	s0 =	simm.s32 @p2 $0x1  }
0x17: {  	s4 =	simm.s32 $0x1BF5;
	[smem:$0x3FB2] =	sst s0  }
0x18: {  	s0 =	sld [smem:$0x3F95];
	_ =	swait.ge [sflag:s4], $0x0  }
0x19: {  	s7 =	sld [smem:$0x3F96]  }
0x1a: {  	s8 =	sadd.s32 $0xFFFFE003, lr  }
0x1b: {  	s9 =	sadd.s32 $0xFFFFFEF7, lr;
	s5 =	simm.s32 $0xFFFFFFFF;
	p2 =	slt.u32 s8, $0xFFFFF086  }
0x1c: {  	p1 =	slt.u32 s9, $0xF7A;
	s5 =	simm.s32 @!p2 $0x0  }
0x1d: {  	s5 =	simm.s32 @p1 $0x1;
	p0 =	seq.s32 s7, s2  }
0x1e: {  	s7 =	smul.u32 @!p0 $0xF7A, s2;
	p2 =	seq.s32 @!p0 s5, $0x0  }
0x1f: {  	s9 =	smul.u32 $0xF7A, s1;
	s8 =	simm.s32 @!p0 $0x1BF5;
	p2 =	por !p2, p0  }
0x20: {  	[sflag:s8] =	ssyncset.s32 @!p0 $0xFFFFF086;
	s6 =	sadd.s32 @!p0 s3, s7;
	s7 =	simm.s32 @!p0 $0x108  }
0x21: {  	s3 =	sadd.s32 s3, s9;
	s6 =	sadd.s32 @!p0 $0x88, s6;
	s7 =	simm.s32 @p2 $0x1082  }
0x22: {  	[simem:s7], [sflag:s8] =	dma.local @!p0 [hbm:s6], $0xF7A  }
0x23: {  	s9 =	sor.u32 $0xD0000000, s2;
	s6 =	simm.s32 $0x108;
	_ =	swait.ge @!p0 [sflag:s8], $0x0  }
0x24: {  	s3 =	sadd.s32 $0x88, s3;
	s6 =	simm.s32 @!p1 $0x1082;
	[sflag:s4] =	ssyncset.s32 $0xFFFFF086  }
0x25: {  	[simem:s6], [sflag:s4] =	dma.local [hbm:s3], $0xF7A  }
0x26: {  	[smem:$0x3F96] =	sst s1;
	(tag) =	ssettag s2;
	_ =	strace s9  }
0x27: {  	s1 =	sld [smem:$0x3FA6]  }
0x28: {  	s2 =	sld [smem:$0x3FA7]  }
0x29: {  	s4 =	sld [smem:$0x3FA9]  }
0x2a: {  	p0 =	seq.s32 s5, $0x0;
	s5 =	sld [smem:$0x3FAA]  }
0x2b: {  	s6 =	sld [smem:$0x3FAB]  }
0x2c: {  	s7 =	sld [smem:$0x3FAC]  }
0x2d: {  	s3 =	simm.s32 $0x108;
	s8 =	sld [smem:$0x3FAD]  }
0x2e: {  	s3 =	simm.s32 @!p0 $0x1082;
	s9 =	sld [smem:$0x3FAE]  }
0x2f: {  	lr =	sadd.s32 s0, s3;
	s0 =	sld [smem:$0x3FA5]  }
0x30: {  	s3 =	sld [smem:$0x3FA8]  }
0x31: {  	[smem:$0x3FB1] =	sst s10  }
0x32: {  	s10 =	sld [smem:$0x3FAF];
	_ =	sdelay $0x3  }
0x33: {  	p0 =	seq.s32 s10, $0x1;
	s10 =	sld [smem:$0x3FB1];
	_ =	sdelay $0x3  }
0x34: {  	[smem:$0x3FB1] =	sst s10  }
0x35: {  	s10 =	sld [smem:$0x3FB0];
	_ =	sdelay $0x3  }
0x36: {  	p1 =	seq.s32 s10, $0x1;
	s10 =	sld [smem:$0x3FB1];
	_ =	sdelay $0x3  }
0x37: {  	[smem:$0x3FB1] =	sst s10  }
0x38: {  	s10 =	sld [smem:$0x3FB2]  }
0x39: {  	_ = 	snop;
	(pc) =	sbr.ind lr, $3  }
0x3a: {  	_ = 	snop  }
0x3b: {  	_ = 	snop  }
0x3c: {  	p2 =	seq.s32 s10, $0x1;
	s10 =	sld [smem:$0x3FB1]  }
0x3d: {  	_ =	shalt  }
0x3e: {  	_ =	shalt  }
0x3f: {  	_ =	shalt  }
0x40: {  	_ =	shalt  }
0x41: {  	_ =	shalt  }
0x42: {  	_ =	shalt  }
0x43: {  	_ =	shalt  }
0x44: {  	_ =	shalt  }
0x45: {  	_ =	shalt  }
0x46: {  	_ =	shalt  }
0x47: {  	_ =	shalt  }
0x48: {  	_ =	shalt  }
0x49: {  	_ =	shalt  }
0x4a: {  	_ =	shalt  }
0x4b: {  	_ =	shalt  }
0x4c: {  	_ =	shalt  }
0x4d: {  	_ =	shalt  }
0x4e: {  	_ =	shalt  }
0x4f: {  	_ =	shalt  }
0x50: {  	_ =	shalt  }
0x51: {  	_ =	shalt  }
0x52: {  	_ =	shalt  }
0x53: {  	_ =	shalt  }
0x54: {  	_ =	shalt  }
0x55: {  	_ =	shalt  }
0x56: {  	_ =	shalt  }
0x57: {  	_ =	shalt  }
0x58: {  	_ =	shalt  }
0x59: {  	_ =	shalt  }
0x5a: {  	_ =	shalt  }
0x5b: {  	_ =	shalt  }
0x5c: {  	_ =	shalt  }
0x5d: {  	_ =	shalt  }
0x5e: {  	_ =	shalt  }
0x5f: {  	_ =	shalt  }
0x60: {  	_ =	shalt  }
0x61: {  	_ =	shalt  }
0x62: {  	_ =	shalt  }
0x63: {  	_ =	shalt  }
0x64: {  	_ =	shalt  }
0x65: {  	_ =	shalt  }
0x66: {  	_ =	shalt  }
0x67: {  	_ =	shalt  }
0x68: {  	_ =	shalt  }
0x69: {  	_ =	shalt  }
0x6a: {  	_ =	shalt  }
0x6b: {  	_ =	shalt  }
0x6c: {  	_ =	shalt  }
0x6d: {  	_ =	shalt  }
0x6e: {  	_ =	shalt  }
0x6f: {  	_ =	shalt  }
0x70: {  	_ =	shalt  }
0x71: {  	_ =	shalt  }
0x72: {  	_ =	shalt  }
0x73: {  	_ =	shalt  }
0x74: {  	_ =	shalt  }
0x75: {  	_ =	shalt  }
0x76: {  	_ =	shalt  }
0x77: {  	_ =	shalt  }
0x78: {  	_ =	shalt  }
0x79: {  	_ =	shalt  }
0x7a: {  	_ =	shalt  }
0x7b: {  	_ =	shalt  }
0x7c: {  	_ =	shalt  }
0x7d: {  	_ =	shalt  }
0x7e: {  	_ =	shalt  }
0x7f: {  	_ =	shalt  }
0x80: {  	_ =	shalt  }
0x81: {  	_ =	shalt  }
0x82: {  	_ =	shalt  }
0x83: {  	_ =	shalt  }
0x84: {  	_ =	shalt  }
0x85: {  	_ =	shalt  }
0x86: {  	_ =	shalt  }
0x87: {  	_ =	shalt  }
.Lfunc_end0:
.L_simem_size_0:
called_computation.2_lowered:
.L_overlay_start_0:
0x88: {  	s2 =	sld [smem:$0x3FD9]  }
0x89: {  	s3 =	sld [smem:$0x3FFE];
	_ =	sdelay $0x1  }
0x8a: {  	s1 =	srdreg.scid  }
0x8b: {  	s0 =	sand.u32 $0x1, s1  }
0x8c: {  	s16 =	sshll.u32 s0, $0xA;
	s2 =	sadd.s32 s3, s2  }
0x8d: {  	s2 =	sadd.s32 s2, s16  }
0x8e: {  	[smem:$0x3FBD] =	sst s2  }
0x8f: {  	_ = 	snop  }
0x90: {  	(tm) =	ssettm $0x1  }
0x91: {  	s17 =	sld [smem:$0x3FFB];
	_ =	sdelay $0x3  }
0x92: {  	_ =	strace s17  }
0x93: {  	s2 =	sld [smem:$0x3FFC];
	_ =	sdelay $0x3  }
0x94: {  	_ =	strace s2  }
0x95: {  	s2 =	sld [smem:$0x3FFD];
	_ =	sdelay $0x3  }
0x96: {  	_ =	strace s2  }
0x97: {  	_ =	strace $0x8FFFFFFF  }
0x98: {  	s18 =	sld [smem:$0x3FDB];
	_ =	sdelay $0x1  }
0x99: {  	s19 =	simm.s32 $_scs_section_size  }
0x9a: {  	s4 =	simm.s32 $_size__tile_overlayer_lowered;
	s5 =	simm.s32 $_tile_overlayer_lowered  }
0x9b: {  	s22 =	simm.s32 $0x1BFF;
	s21 =	sshll.u32 s5, $0x1;
	s2 =	sadd.s32 s19, s18  }
0x9c: {  	s6 =	simm.s32 $0x0;
	s20 =	sshll.u32 s4, $0x1;
	s4 =	sadd.s32 s21, s2  }
0x9d: {  	[timem:s6], [sflag:s22] =	dma.local [hbm:s4], s20  }
0x9e: {  	_ =	swait.ge [sflag:s22], s20  }
0x9f: {  	s3 =	ssub.s32 $0x0, s20;
	[sflag:s22] =	ssyncset.done $0x0  }
0xa0: {  	[sflag:s22] =	ssyncadd.s32 s3;
	_ =	sdelay $0x1  }
0xa1: {  	s23 =	simm.s32 $0x1B8B  }
0xa2: {  	_ =	swait.ge [sflag:s23], $0x1  }
0xa3: {  	[sflag:s23] =	ssyncset.done $0x0  }
0xa4: {  	s25 =	simm.s32 $0x1B8E;
	s24 =	sld [smem:$0x3FFE];
	[sflag:s23] =	ssyncadd.s32 $0xFFFFFFFF  }
0xa5: {  	s26 =	simm.s32 $execute0_lowered;
	[smem:$0x3FD2] =	sst s25  }
0xa6: {  	s4 =	sshll.u32 s26, $0x1;
	_ =	strace $0x8000004C;
	[dreg:$0x1] =	wrdreg $0xFFFFFFFF  }
0xa7: {  	s28 =	simm.s32 $_size_execute0_lowered;
	s2 =	sadd.s32 s2, s4;
	[dreg:$0x0] =	wrdreg $0x0  }
0xa8: {  	s4 =	sshll.u32 s28, $0x1;
	[dreg:$0x2] =	wrdreg s2  }
0xa9: {  	[dreg:$0x3] =	wrdreg s4  }
0xaa: {  	[dreg:$0x4] =	wrdreg $0xC0  }
0xab: {  	_ =	task [dreg:s6], $0x5FFFF  }
0xac: {  	[dreg:$0x1] =	wrdreg $0xFFFFFFFF  }
0xad: {  	[dreg:$0x0] =	wrdreg $0x60  }
0xae: {  	[dreg:$0x2] =	wrdreg s24  }
0xaf: {  	[dreg:$0x3] =	wrdreg $0xC3000  }
0xb0: {  	[dreg:$0x4] =	wrdreg $0x9  }
0xb1: {  	_ =	task.clear_ibuf [dreg:s6], $0x5FFFF;
	_ =	strace $0x9000004C  }
0xb2: {  	s29 =	simm.s32 $0x9;
	_ =	strace $0x8000004E  }
0xb3: {  	_ =	swait.ge [sflag:s29], $0x1  }
0xb4: {  	[sflag:s29] =	ssyncadd.s32 $0xFFFFFFFF  }
0xb5: {  	_ =	strace $0x9000004E  }
0xb6: {  	_ =	sfence  }
0xb7: {  	s30 =	sld [smem:$0x0];
	_ =	sdelay $0x2  }
0xb8: {  	s31 =	sshll.u32 s1, $0xD;
	s1 =	sshrl.u32 s1, $0x2  }
0xb9: {  	s3 =	sand.u32 $0x4000, s31;
	s1 =	sadd.s32 s1, s30  }
0xba: {  	s0 =	sor.u32 s3, s0;
	s1 =	sshll.u32 s1, $0x11  }
0xbb: {  	s0 =	sor.u32 s1, s0  }
0xbc: {  	s0 =	sadd.s32 $0x8F2B, s0  }
0xbd: {  	[sflag:s0] =	ssyncadd.remote.s32 $0x1  }
0xbe: {  	_ =	sfence.sel $0xFFFF  }
0xbf: {  	[dreg:$0x0] =	wrdreg $0xFFFFFFFF;
	(pc) =	sbr.abs _section_cstart, $3  }
0xc0: {  	[dreg:$0x1] =	wrdreg $0xFFFFFFFF  }
0xc1: {  	_ =	task.clear_ibuf [dreg:s6], $0x2FFFF;
	_ =	strace $0x9FFFFFFF  }
0xc2: {  	(tm) =	ssettm $0x7FFFFFFF  }
0xc3: {  	_ =	shalt  }
tec
execute0_lowered:
.L_overlay_start_1:
0x0: {  	(tag) =	ssettag $0x1  }
0x1: {  	s0 =	rddreg [dreg:$0x0]  }
0x2: {  	s1 =	rddreg [dreg:$0x1];
	s3 =	simm.s32 $0x0;
	s2 =	srdreg.scid  }
0x3: {  	s12 =	stileid.u32;
	s28 =	simm.s32 $0x200;
	s29 =	simm.s32 $0x100  }
0x4: {  	s30 =	simm.s32 $0x280;
	s31 =	simm.s32 $0x7;
	[smem:$0x7FF] =	sst s3  }
0x5: {  	s2 =	sand.u32 $0x1, s2;
	s5 =	sshll.u32 s12, $0x1;
	s13 =	smul.u32 $0x4F000, s12  }
0x6: {  	s4 =	sadd.s32 $0x19000, s0;
	s10 =	sadd.s32 $0x16800, s0;
	s21 =	smul.u32 $0x5000, s12  }
0x7: {  	s19 =	sshll.u32 s12, $0x6;
	_ =	strace $0x8000004D;
	s7 =	smul.u32 $0x27800, s2  }
0x8: {  	s6 =	sor.u32 s2, s5;
	s8 =	ssub.s32 $0x2, s2;
	s2 =	smul.u32 $0x2800, s2  }
0x9: {  	s5 =	sadd.s32 $0xC800, s0;
	[dreg:$0x3] =	wrdreg s10;
	s9 =	smul.u32 $0x2800, s6  }
0xa: {  	s6 =	sadd.s32 $0x2800, s0;
	s24 =	sshrl.u32 s8, $0x1;
	s17 =	sshrl.u32 s13, $0x2  }
0xb: {  	s13 =	simm.s32 $0x6;
	s0 =	sadd.s32 s7, s0;
	s25 =	ssub.s32 s8, s24  }
0xc: {  	s24 =	smul.u32 $0x2780, s12;
	s2 =	sadd.s32 s2, s21;
	s12 =	simm.s32 $0x5  }
0xd: {  	s26 =	sshrl.u32 s9, $0x3;
	s0 =	sadd.s32 $0x40200, s0;
	s7 =	smax.u32 s25, $0x1  }
0xe: {  	s25 =	sor.u32 $0x280, s2;
	s9 =	sadd.s32 s5, s26;
	s10 =	sor.u32 $0x10, s26  }
0xf: {  	s11 =	sadd.s32 s6, s26;
	s15 =	sor.u32 $0x20, s26;
	s20 =	sadd.s32 $0x4E0, s26  }
0x10: {  	s8 =	sadd.s32 $0x4F0, s26;
	[dreg:$0xf] =	wrdreg s7;
	s26 =	sor.u32 $0x200, s2  }
0x11: {  	s21 =	sshrl.u32 s25, $0x3;
	s2 =	sor.u32 $0x180, s2;
	[dreg:$0x4] =	wrdreg s9  }
0x12: {  	s24 =	sadd.s32 s24, s0;
	[dreg:$0x5] =	wrdreg s11;
	s14 =	sadd.s32 s5, s10  }
0x13: {  	s25 =	simm.s32 $0x180;
	s9 =	sadd.s32 s6, s10;
	[dreg:$0x6] =	wrdreg s14  }
0x14: {  	s0 =	simm.s32 $0x1;
	s16 =	sadd.s32 s5, s15;
	[dreg:$0x7] =	wrdreg s9  }
0x15: {  	s7 =	simm.s32 $0x2;
	s18 =	sadd.s32 s6, s15;
	[dreg:$0x8] =	wrdreg s16  }
0x16: {  	s15 =	sor.u32 $0x1C07, s19;
	s22 =	sadd.s32 s5, s20;
	[dreg:$0x9] =	wrdreg s18  }
0x17: {  	s23 =	sadd.s32 s5, s8;
	s8 =	sadd.s32 s6, s8;
	[dreg:$0xb] =	wrdreg s22  }
0x18: {  	s10 =	simm.s32 $0x8300;
	s11 =	simm.s32 $0x4;
	[dreg:$0xd] =	wrdreg s23  }
0x19: {  	s9 =	sadd.s32 s17, s1;
	[dreg:$0xe] =	wrdreg s8;
	s22 =	sshrl.u32 s26, $0x3  }
0x1a: {  	s23 =	sshrl.u32 s2, $0x3;
	s26 =	simm.s32 $0x80;
	s2 =	simm.s32 $0x300  }
0x1b: {  	s8 =	simm.s32 $0x4300;
	[dreg:$0xa] =	wrdreg s9;
	s9 =	sadd.s32 s6, s20  }
0x1c: {  	s14 =	simm.s32 $0x0;
	[dreg:$0xc] =	wrdreg s9;
	s9 =	simm.s32 $0x3  }
.LBB2_1:
0x1d: {  	s16 =	rddreg [dreg:$0x4]  }
0x1e: {  	s17 =	rddreg [dreg:$0x5]  }
0x1f: {  	[tilespmem:s3], [sflag:$0x1] =	stream.linear.gather [hbm4b:s16+s3], $0x80, $0x38;
	[tilespmem:$0x1FF00] =	vst v63  }
0x20: {  	s18 =	rddreg [dreg:$0x6]  }
0x21: {  	[tilespmem:s25], [sflag:$0x1] =	stream.linear.gather [hbm4b:s17+s3], $0x80, $0x38;
	[tilespmem:$0x1FF00] =	vst v63  }
0x22: {  	s19 =	rddreg [dreg:$0x7]  }
0x23: {  	[tilespmem:s26], [sflag:$0x2] =	stream.linear.gather [hbm4b:s18+s3], $0x80, $0x38;
	[tilespmem:$0x1FF00] =	vst v63  }
0x24: {  	s20 =	rddreg [dreg:$0x8]  }
0x25: {  	[tilespmem:s28], [sflag:$0x2] =	stream.linear.gather [hbm4b:s19+s3], $0x80, $0x38;
	[tilespmem:$0x1FF00] =	vst v63  }
0x26: {  	s17 =	rddreg [dreg:$0x9]  }
0x27: {  	[tilespmem:s29], [sflag:$0x3] =	stream.linear.gather [hbm4b:s20+s3], $0x80, $0x38;
	[tilespmem:$0x1FF00] =	vst v63  }
0x28: {  	s18 =	rddreg [dreg:$0xa]  }
0x29: {  	[tilespmem:s30], [sflag:$0x3] =	stream.linear.gather [hbm4b:s17+s3], $0x80, $0x38;
	[tilespmem:$0x1FF00] =	vst v63  }
0x2a: {  	s16 =	sshrl.u32 s18, $0x3;
	s17 =	rddreg [dreg:$0x3]  }
0x2b: {  	[spmem:s16], [sflag:s15] =	dma.local [hbm:s17], $0x2780  }
0x2c: {  	_ =	swait.ge [sflag:s31], $0x2780  }
0x2d: {  	[sflag:s31] =	ssyncset.done $0x0  }
0x2e: {  	[sflag:s31] =	ssyncadd.s32 $0xFFFFD880  }
0x2f: {  	_ =	swait.ge [sflag:s0], $0x80  }
0x30: {  	[sflag:s0] =	ssyncset.done $0x0  }
0x31: {  	[sflag:s0] =	ssyncadd.s32 $0xFFFFFF80  }
0x32: {  	_ =	swait.ge [sflag:s0], $0x80  }
0x33: {  	[sflag:s0] =	ssyncset.done $0x0  }
0x34: {  	[sflag:s0] =	ssyncadd.s32 $0xFFFFFF80  }
0x35: {  	[tilespmem:s2], [sflag:$0x4] =	stream.indirect.gather [hbm4b:s4+s26], $0x80, s3, s26, $0xb8;
	[tilespmem:$0x1FF00] =	vst v63  }
0x36: {  	_ =	swait.ge [sflag:s7], $0x80  }
0x37: {  	[sflag:s7] =	ssyncset.done $0x0  }
0x38: {  	[sflag:s7] =	ssyncadd.s32 $0xFFFFFF80  }
0x39: {  	_ =	swait.ge [sflag:s7], $0x80  }
0x3a: {  	[sflag:s7] =	ssyncset.done $0x0  }
0x3b: {  	[sflag:s7] =	ssyncadd.s32 $0xFFFFFF80  }
0x3c: {  	[tilespmem:s8], [sflag:$0x5] =	stream.indirect.gather [hbm4b:s4+s26], $0x80, s26, s26, $0xb8;
	[tilespmem:$0x1FF00] =	vst v63  }
0x3d: {  	[bflag:$0x0] =	sbarrier.arrive $0xFFFF  }
0x3e: {  	_ =	swait.ge [sflag:s9], $0x80  }
0x3f: {  	[sflag:s9] =	ssyncset.done $0x0  }
0x40: {  	[sflag:s9] =	ssyncadd.s32 $0xFFFFFF80  }
0x41: {  	_ =	swait.ge [sflag:s9], $0x80  }
0x42: {  	[sflag:s9] =	ssyncset.done $0x0  }
0x43: {  	[sflag:s9] =	ssyncadd.s32 $0xFFFFFF80  }
0x44: {  	[tilespmem:s10], [sflag:$0x6] =	stream.indirect.gather [hbm4b:s4+s26], $0x80, s29, s26, $0xb8;
	[tilespmem:$0x1FF00] =	vst v63  }
0x45: {  	_ =	swait.ge [sflag:s11], $0x4000  }
0x46: {  	[sflag:s11] =	ssyncset.done $0x0  }
0x47: {  	[sflag:s11] =	ssyncadd.s32 $0xFFFFC000  }
0x48: {  	[spmem:s1] =	stream.indirect.scatter.add.f32 [tilespmem:s2], [sflag:$0x7], $0x80, s25, s26, $0xb8;
	[tilespmem:$0x1FF00] =	vst v63  }
0x49: {  	_ =	swait.ge [sflag:s31], $0x4000  }
0x4a: {  	[sflag:s31] =	ssyncset.done $0x0  }
0x4b: {  	s19 =	sadd.s32 s5, s23;
	[sflag:s31] =	ssyncadd.s32 $0xFFFFC000  }
0x4c: {  	[tilespmem:s3], [sflag:$0x1] =	stream.linear.gather [hbm4b:s19+s3], $0x80, $0x38;
	[tilespmem:$0x1FF00] =	vst v63  }
0x4d: {  	s20 =	sadd.s32 s6, s23  }
0x4e: {  	[tilespmem:s25], [sflag:$0x1] =	stream.linear.gather [hbm4b:s20+s3], $0x80, $0x38;
	[tilespmem:$0x1FF00] =	vst v63  }
0x4f: {  	_ =	swait.ge [sflag:s0], $0x80  }
0x50: {  	[sflag:s0] =	ssyncset.done $0x0  }
0x51: {  	[sflag:s0] =	ssyncadd.s32 $0xFFFFFF80  }
0x52: {  	_ =	swait.ge [sflag:s0], $0x80  }
0x53: {  	[sflag:s0] =	ssyncset.done $0x0  }
0x54: {  	[sflag:s0] =	ssyncadd.s32 $0xFFFFFF80  }
0x55: {  	[tilespmem:s2], [sflag:$0x4] =	stream.indirect.gather [hbm4b:s4+s26], $0x80, s3, s26, $0xb8;
	[tilespmem:$0x1FF00] =	vst v63  }
0x56: {  	_ =	swait.ge [sflag:s12], $0x4000  }
0x57: {  	[sflag:s12] =	ssyncset.done $0x0  }
0x58: {  	[sflag:s12] =	ssyncadd.s32 $0xFFFFC000  }
0x59: {  	[spmem:s1] =	stream.indirect.scatter.add.f32 [tilespmem:s8], [sflag:$0x7], $0x80, s28, s26, $0xb8;
	[tilespmem:$0x1FF00] =	vst v63  }
0x5a: {  	_ =	swait.ge [sflag:s31], $0x4000  }
0x5b: {  	[sflag:s31] =	ssyncset.done $0x0  }
0x5c: {  	s18 =	sadd.s32 s5, s22;
	[sflag:s31] =	ssyncadd.s32 $0xFFFFC000  }
0x5d: {  	[tilespmem:s26], [sflag:$0x2] =	stream.linear.gather [hbm4b:s18+s3], $0x80, $0x38;
	[tilespmem:$0x1FF00] =	vst v63  }
0x5e: {  	s19 =	sadd.s32 s6, s22  }
0x5f: {  	[tilespmem:s28], [sflag:$0x2] =	stream.linear.gather [hbm4b:s19+s3], $0x80, $0x38;
	[tilespmem:$0x1FF00] =	vst v63  }
0x60: {  	_ =	swait.ge [sflag:s7], $0x80  }
0x61: {  	[sflag:s7] =	ssyncset.done $0x0  }
0x62: {  	[sflag:s7] =	ssyncadd.s32 $0xFFFFFF80  }
0x63: {  	_ =	swait.ge [sflag:s7], $0x80  }
0x64: {  	[sflag:s7] =	ssyncset.done $0x0  }
0x65: {  	[sflag:s7] =	ssyncadd.s32 $0xFFFFFF80  }
0x66: {  	[tilespmem:s8], [sflag:$0x5] =	stream.indirect.gather [hbm4b:s4+s26], $0x80, s26, s26, $0xb8;
	[tilespmem:$0x1FF00] =	vst v63  }
0x67: {  	_ =	swait.ge [sflag:s13], $0x4000  }
0x68: {  	[sflag:s13] =	ssyncset.done $0x0  }
0x69: {  	[sflag:s13] =	ssyncadd.s32 $0xFFFFC000  }
0x6a: {  	[spmem:s1] =	stream.indirect.scatter.add.f32 [tilespmem:s10], [sflag:$0x7], $0x80, s30, s26, $0xb8;
	[tilespmem:$0x1FF00] =	vst v63  }
0x6b: {  	_ =	swait.ge [sflag:s31], $0x4000  }
0x6c: {  	[sflag:s31] =	ssyncset.done $0x0  }
0x6d: {  	s17 =	simm.s32 $0x18;
	s20 =	sadd.s32 s5, s21;
	[sflag:s31] =	ssyncadd.s32 $0xFFFFC000  }
0x6e: {  	[tilespmem:s29], [sflag:$0x3] =	stream.linear.gather [hbm4b:s20+s3], $0x80, $0x38;
	[tilespmem:$0x1FF00] =	vst v63  }
0x6f: {  	s18 =	sadd.s32 $0x30, s6;
	s19 =	sadd.s32 $0x30, s5;
	s20 =	sadd.s32 s6, s21  }
.LBB2_2:
0x70: {  	[tilespmem:s30], [sflag:$0x3] =	stream.linear.gather [hbm4b:s20+s3], $0x80, $0x38;
	[tilespmem:$0x1FF00] =	vst v63  }
0x71: {  	p0 =	sne.s32 s17, $0x1;
	s17 =	sadd.s32 $0xFFFFFFFF, s17;
	_ =	swait.ge [sflag:s9], $0x80  }
0x72: {  	[sflag:s9] =	ssyncset.done $0x0  }
0x73: {  	[sflag:s9] =	ssyncadd.s32 $0xFFFFFF80  }
0x74: {  	_ =	swait.ge [sflag:s9], $0x80  }
0x75: {  	[sflag:s9] =	ssyncset.done $0x0  }
0x76: {  	[sflag:s9] =	ssyncadd.s32 $0xFFFFFF80  }
0x77: {  	[tilespmem:s10], [sflag:$0x6] =	stream.indirect.gather [hbm4b:s4+s26], $0x80, s29, s26, $0xb8;
	[tilespmem:$0x1FF00] =	vst v63  }
0x78: {  	_ =	swait.ge [sflag:s11], $0x4000  }
0x79: {  	[sflag:s11] =	ssyncset.done $0x0  }
0x7a: {  	[sflag:s11] =	ssyncadd.s32 $0xFFFFC000  }
0x7b: {  	[spmem:s1] =	stream.indirect.scatter.add.f32 [tilespmem:s2], [sflag:$0x7], $0x80, s25, s26, $0xb8;
	[tilespmem:$0x1FF00] =	vst v63  }
0x7c: {  	_ =	swait.ge [sflag:s31], $0x4000  }
0x7d: {  	[sflag:s31] =	ssyncset.done $0x0  }
0x7e: {  	s20 =	sadd.s32 s19, s23;
	[sflag:s31] =	ssyncadd.s32 $0xFFFFC000  }
0x7f: {  	[tilespmem:s3], [sflag:$0x1] =	stream.linear.gather [hbm4b:s20+s3], $0x80, $0x38;
	[tilespmem:$0x1FF00] =	vst v63  }
0x80: {  	s20 =	sadd.s32 s18, s23  }
0x81: {  	[tilespmem:s25], [sflag:$0x1] =	stream.linear.gather [hbm4b:s20+s3], $0x80, $0x38;
	[tilespmem:$0x1FF00] =	vst v63  }
0x82: {  	_ =	swait.ge [sflag:s0], $0x80  }
0x83: {  	[sflag:s0] =	ssyncset.done $0x0  }
0x84: {  	[sflag:s0] =	ssyncadd.s32 $0xFFFFFF80  }
0x85: {  	_ =	swait.ge [sflag:s0], $0x80  }
0x86: {  	[sflag:s0] =	ssyncset.done $0x0  }
0x87: {  	[sflag:s0] =	ssyncadd.s32 $0xFFFFFF80  }
0x88: {  	[tilespmem:s2], [sflag:$0x4] =	stream.indirect.gather [hbm4b:s4+s26], $0x80, s3, s26, $0xb8;
	[tilespmem:$0x1FF00] =	vst v63  }
0x89: {  	_ =	swait.ge [sflag:s12], $0x4000  }
0x8a: {  	[sflag:s12] =	ssyncset.done $0x0  }
0x8b: {  	[sflag:s12] =	ssyncadd.s32 $0xFFFFC000  }
0x8c: {  	[spmem:s1] =	stream.indirect.scatter.add.f32 [tilespmem:s8], [sflag:$0x7], $0x80, s28, s26, $0xb8;
	[tilespmem:$0x1FF00] =	vst v63  }
0x8d: {  	_ =	swait.ge [sflag:s31], $0x4000  }
0x8e: {  	[sflag:s31] =	ssyncset.done $0x0  }
0x8f: {  	s20 =	sadd.s32 s19, s22;
	[sflag:s31] =	ssyncadd.s32 $0xFFFFC000  }
0x90: {  	[tilespmem:s26], [sflag:$0x2] =	stream.linear.gather [hbm4b:s20+s3], $0x80, $0x38;
	[tilespmem:$0x1FF00] =	vst v63  }
0x91: {  	s20 =	sadd.s32 s18, s22  }
0x92: {  	[tilespmem:s28], [sflag:$0x2] =	stream.linear.gather [hbm4b:s20+s3], $0x80, $0x38;
	[tilespmem:$0x1FF00] =	vst v63  }
0x93: {  	_ =	swait.ge [sflag:s7], $0x80  }
0x94: {  	[sflag:s7] =	ssyncset.done $0x0  }
0x95: {  	[sflag:s7] =	ssyncadd.s32 $0xFFFFFF80  }
0x96: {  	_ =	swait.ge [sflag:s7], $0x80  }
0x97: {  	[sflag:s7] =	ssyncset.done $0x0  }
0x98: {  	[sflag:s7] =	ssyncadd.s32 $0xFFFFFF80  }
0x99: {  	[tilespmem:s8], [sflag:$0x5] =	stream.indirect.gather [hbm4b:s4+s26], $0x80, s26, s26, $0xb8;
	[tilespmem:$0x1FF00] =	vst v63  }
0x9a: {  	_ =	swait.ge [sflag:s13], $0x4000  }
0x9b: {  	[sflag:s13] =	ssyncset.done $0x0  }
0x9c: {  	[sflag:s13] =	ssyncadd.s32 $0xFFFFC000  }
0x9d: {  	[spmem:s1] =	stream.indirect.scatter.add.f32 [tilespmem:s10], [sflag:$0x7], $0x80, s30, s26, $0xb8;
	[tilespmem:$0x1FF00] =	vst v63  }
.Ltmp0:
0x9e: {  	_ =	swait.ge [sflag:s31], $0x4000;
	(pc) =	sbr.rel @p0 .LBB2_2-.Ltmp0, $4  }
0x9f: {  	[sflag:s31] =	ssyncset.done $0x0  }
0xa0: {  	s20 =	sadd.s32 s19, s21;
	[sflag:s31] =	ssyncadd.s32 $0xFFFFC000  }
0xa1: {  	[tilespmem:s29], [sflag:$0x3] =	stream.linear.gather [hbm4b:s20+s3], $0x80, $0x38;
	[tilespmem:$0x1FF00] =	vst v63  }
0xa2: {  	s19 =	sadd.s32 $0x30, s19;
	s20 =	sadd.s32 s18, s21;
	s18 =	sadd.s32 $0x30, s18  }
0xa3: {  	[tilespmem:s30], [sflag:$0x3] =	stream.linear.gather [hbm4b:s20+s3], $0x80, $0x38;
	[tilespmem:$0x1FF00] =	vst v63  }
0xa4: {  	_ =	swait.ge [sflag:s9], $0x80  }
0xa5: {  	[sflag:s9] =	ssyncset.done $0x0  }
0xa6: {  	[sflag:s9] =	ssyncadd.s32 $0xFFFFFF80  }
0xa7: {  	_ =	swait.ge [sflag:s9], $0x80  }
0xa8: {  	[sflag:s9] =	ssyncset.done $0x0  }
0xa9: {  	[sflag:s9] =	ssyncadd.s32 $0xFFFFFF80  }
0xaa: {  	[tilespmem:s10], [sflag:$0x6] =	stream.indirect.gather [hbm4b:s4+s26], $0x80, s29, s26, $0xb8;
	[tilespmem:$0x1FF00] =	vst v63  }
0xab: {  	_ =	swait.ge [sflag:s11], $0x4000  }
0xac: {  	[sflag:s11] =	ssyncset.done $0x0  }
0xad: {  	[sflag:s11] =	ssyncadd.s32 $0xFFFFC000  }
0xae: {  	[spmem:s1] =	stream.indirect.scatter.add.f32 [tilespmem:s2], [sflag:$0x7], $0x80, s25, s26, $0xb8;
	[tilespmem:$0x1FF00] =	vst v63  }
0xaf: {  	_ =	swait.ge [sflag:s31], $0x4000  }
0xb0: {  	[sflag:s31] =	ssyncset.done $0x0  }
0xb1: {  	s17 =	rddreg [dreg:$0xb];
	[sflag:s31] =	ssyncadd.s32 $0xFFFFC000  }
0xb2: {  	[tilespmem:s3], [sflag:$0x1] =	stream.linear.gather [hbm4b:s17+s3], $0x80, $0x38;
	[tilespmem:$0x1FF00] =	vst v63  }
0xb3: {  	s20 =	rddreg [dreg:$0xc]  }
0xb4: {  	[tilespmem:s25], [sflag:$0x1] =	stream.linear.gather [hbm4b:s20+s3], $0x80, $0x38;
	[tilespmem:$0x1FF00] =	vst v63  }
0xb5: {  	_ =	swait.ge [sflag:s0], $0x80  }
0xb6: {  	[sflag:s0] =	ssyncset.done $0x0  }
0xb7: {  	[sflag:s0] =	ssyncadd.s32 $0xFFFFFF80  }
0xb8: {  	_ =	swait.ge [sflag:s0], $0x80  }
0xb9: {  	[sflag:s0] =	ssyncset.done $0x0  }
0xba: {  	[sflag:s0] =	ssyncadd.s32 $0xFFFFFF80  }
0xbb: {  	[tilespmem:s2], [sflag:$0x4] =	stream.indirect.gather [hbm4b:s4+s26], $0x80, s3, s26, $0xb8;
	[tilespmem:$0x1FF00] =	vst v63  }
0xbc: {  	_ =	swait.ge [sflag:s12], $0x4000  }
0xbd: {  	[sflag:s12] =	ssyncset.done $0x0  }
0xbe: {  	[sflag:s12] =	ssyncadd.s32 $0xFFFFC000  }
0xbf: {  	[spmem:s1] =	stream.indirect.scatter.add.f32 [tilespmem:s8], [sflag:$0x7], $0x80, s28, s26, $0xb8;
	[tilespmem:$0x1FF00] =	vst v63  }
0xc0: {  	_ =	swait.ge [sflag:s31], $0x4000  }
0xc1: {  	[sflag:s31] =	ssyncset.done $0x0  }
0xc2: {  	s18 =	rddreg [dreg:$0xd];
	[sflag:s31] =	ssyncadd.s32 $0xFFFFC000  }
0xc3: {  	[tilespmem:s26], [sflag:$0x2] =	stream.linear.gather [hbm4b:s18+s3], $0x80, $0x38;
	[tilespmem:$0x1FF00] =	vst v63  }
0xc4: {  	s19 =	rddreg [dreg:$0xe]  }
0xc5: {  	[tilespmem:s28], [sflag:$0x2] =	stream.linear.gather [hbm4b:s19+s3], $0x80, $0x38;
	[tilespmem:$0x1FF00] =	vst v63  }
0xc6: {  	_ =	swait.ge [sflag:s7], $0x80  }
0xc7: {  	[sflag:s7] =	ssyncset.done $0x0  }
0xc8: {  	[sflag:s7] =	ssyncadd.s32 $0xFFFFFF80  }
0xc9: {  	_ =	swait.ge [sflag:s7], $0x80  }
0xca: {  	[sflag:s7] =	ssyncset.done $0x0  }
0xcb: {  	[sflag:s7] =	ssyncadd.s32 $0xFFFFFF80  }
0xcc: {  	[tilespmem:s8], [sflag:$0x5] =	stream.indirect.gather [hbm4b:s4+s26], $0x80, s26, s26, $0xb8;
	[tilespmem:$0x1FF00] =	vst v63  }
0xcd: {  	_ =	swait.ge [sflag:s13], $0x4000  }
0xce: {  	[sflag:s13] =	ssyncset.done $0x0  }
0xcf: {  	[sflag:s13] =	ssyncadd.s32 $0xFFFFC000  }
0xd0: {  	[spmem:s1] =	stream.indirect.scatter.add.f32 [tilespmem:s10], [sflag:$0x7], $0x80, s30, s26, $0xb8;
	[tilespmem:$0x1FF00] =	vst v63  }
0xd1: {  	_ =	swait.ge [sflag:s31], $0x4000  }
0xd2: {  	[sflag:s31] =	ssyncset.done $0x0  }
0xd3: {  	[sflag:s31] =	ssyncadd.s32 $0xFFFFC000  }
0xd4: {  	_ =	swait.ge [sflag:s11], $0x4000  }
0xd5: {  	[sflag:s11] =	ssyncset.done $0x0  }
0xd6: {  	[sflag:s11] =	ssyncadd.s32 $0xFFFFC000  }
0xd7: {  	[spmem:s1] =	stream.indirect.scatter.add.f32 [tilespmem:s2], [sflag:$0x7], $0x80, s25, s26, $0xb8;
	[tilespmem:$0x1FF00] =	vst v63  }
0xd8: {  	_ =	swait.ge [sflag:s31], $0x4000  }
0xd9: {  	[sflag:s31] =	ssyncset.done $0x0  }
0xda: {  	[sflag:s31] =	ssyncadd.s32 $0xFFFFC000  }
0xdb: {  	_ =	swait.ge [sflag:s12], $0x4000  }
0xdc: {  	[sflag:s12] =	ssyncset.done $0x0  }
0xdd: {  	[sflag:s12] =	ssyncadd.s32 $0xFFFFC000  }
0xde: {  	[spmem:s1] =	stream.indirect.scatter.add.f32 [tilespmem:s8], [sflag:$0x7], $0x80, s28, s26, $0xb8;
	[tilespmem:$0x1FF00] =	vst v63  }
0xdf: {  	_ =	swait.ge [sflag:s31], $0x4000  }
0xe0: {  	[sflag:s31] =	ssyncset.done $0x0  }
0xe1: {  	[sflag:s31] =	ssyncadd.s32 $0xFFFFC000  }
0xe2: {  	[bflag:$0x0] =	sbarrier.arrive $0xFFFF  }
0xe3: {  	[hbm:s24], [sflag:s15] =	dma.local [spmem:s16], $0x2780  }
0xe4: {  	_ =	swait.ge [sflag:s31], $0x2780  }
0xe5: {  	s14 =	sadd.s32 $0x1, s14;
	s20 =	rddreg [dreg:$0xf]  }
0xe6: {  	p0 =	sne.s32 s14, s20  }
.Ltmp1:
0xe7: {  	_ = 	snop;
	(pc) =	sbr.rel @p0 .LBB2_1-.Ltmp1, $3  }
0xe8: {  	_ =	sdelay $0x1  }
0xe9: {  	[sflag:s31] =	ssyncset.done $0x0  }
0xea: {  	[sflag:s31] =	ssyncadd.s32 $0xFFFFD880  }
0xeb: {  	_ =	sfence.sel $0x180000  }
0xec: {  	[bflag:$0x0] =	sbarrier.arrive $0xFFFF  }
0xed: {  	_ =	strace $0x9000004D  }
0xee: {  	s0 =	stileid.u32;
	[bflag:$0x2] =	sbarrier.arrive $0xFFFF  }
0xef: {  	p0 =	sne.s32 s0, $0x0;
	s0 =	rddreg [dreg:$0x2]  }
0xf0: {  	s0 =	sadd.s32 @!p0 $0x100000, s0  }
0xf1: {  	[sflag:s0] =	ssyncadd.tile.s32 @!p0 $0x1;
	_ =	shalt  }
.Lfunc_end2:
_tile_overlayer_lowered:
.L_overlay_start_2:
0xf2: {  	(tag) =	ssettag $0x2  }
0xf3: {  	s0 =	rddreg [dreg:$0x0];
	s2 =	stileid.u32  }
0xf4: {  	s1 =	rddreg [dreg:$0x1];
	p0 =	sne.s32 s2, $0x0  }
0xf5: {  	s3 =	rddreg [dreg:$0x2];
	[bflag:$0x3] =	sbarrier.arrive $0xFFFF;
	s2 =	simm.s32 @!p0 $0x1C07  }
0xf6: {  	[timem:s3], [sflag:s2] =	dma.local @!p0 [hbm:s0], s1  }
0xf7: {  	s0 =	simm.s32 @!p0 $0x7  }
0xf8: {  	_ =	swait.ge @!p0 [sflag:s0], s1  }
0xf9: {  	s1 =	ssub.s32 @!p0 $0x0, s1;
	[sflag:s0] =	ssyncset.done @!p0 $0x0  }
0xfa: {  	[sflag:s0] =	ssyncadd.s32 @!p0 s1  }
0xfb: {  	[bflag:$0x3] =	sbarrier.arrive $0xFFFF  }
0xfc: {  	_ =	shalt  }

// kernel: kernel.8.cloned.1.call-start
scs
__scs_entry_jumppad:
0x0: {  	(pc) =	sbr.rel $0x88, $3  }
0x1: {  	(tag) =	ssettag $0x0;
	lr =	simm.s32 $0x1  }
0x2: {  	[smem:$0x3F96] =	sst lr;
	_ =	strace $0xD0000000  }
0x3: {  	_ = 	snop  }
0x4: {  	_ = 	snop  }
0x5: {  	_ = 	snop  }
0x6: {  	_ = 	snop  }
0x7: {  	_ = 	snop  }
__scs_overlays_trampoline_lowered:
0x8: {  	[smem:$0x3FA5] =	sst s0  }
0x9: {  	[smem:$0x3FA6] =	sst s1  }
0xa: {  	[smem:$0x3FA7] =	sst s2  }
0xb: {  	[smem:$0x3FA8] =	sst s3  }
0xc: {  	[smem:$0x3FA9] =	sst s4  }
0xd: {  	[smem:$0x3FAA] =	sst s5  }
0xe: {  	[smem:$0x3FAB] =	sst s6  }
0xf: {  	[smem:$0x3FAC] =	sst s7  }
0x10: {  	[smem:$0x3FAD] =	sst s8  }
0x11: {  	[smem:$0x3FAE] =	sst s9;
	s0 =	simm.s32 @!p0 $0x0  }
0x12: {  	s1 =	sld [smem:$0x3F94];
	s0 =	simm.s32 @p0 $0x1  }
0x13: {  	[smem:$0x3FAF] =	sst s0;
	s0 =	simm.s32 @!p1 $0x0  }
0x14: {  	s2 =	sld [smem:$0x3F93];
	s0 =	simm.s32 @p1 $0x1  }
0x15: {  	[smem:$0x3FB0] =	sst s0;
	s0 =	simm.s32 @!p2 $0x0  }
0x16: {  	s3 =	sld [smem:$0x3FDB];
	s0 =	simm.s32 @p2 $0x1  }
0x17: {  	s4 =	simm.s32 $0x1BF5;
	[smem:$0x3FB2] =	sst s0  }
0x18: {  	s0 =	sld [smem:$0x3F95];
	_ =	swait.ge [sflag:s4], $0x0  }
0x19: {  	s7 =	sld [smem:$0x3F96]  }
0x1a: {  	s8 =	sadd.s32 $0xFFFFE003, lr  }
0x1b: {  	s9 =	sadd.s32 $0xFFFFFEF7, lr;
	s5 =	simm.s32 $0xFFFFFFFF;
	p2 =	slt.u32 s8, $0xFFFFF086  }
0x1c: {  	p1 =	slt.u32 s9, $0xF7A;
	s5 =	simm.s32 @!p2 $0x0  }
0x1d: {  	s5 =	simm.s32 @p1 $0x1;
	p0 =	seq.s32 s7, s2  }
0x1e: {  	s7 =	smul.u32 @!p0 $0xF7A, s2;
	p2 =	seq.s32 @!p0 s5, $0x0  }
0x1f: {  	s9 =	smul.u32 $0xF7A, s1;
	s8 =	simm.s32 @!p0 $0x1BF5;
	p2 =	por !p2, p0  }
0x20: {  	[sflag:s8] =	ssyncset.s32 @!p0 $0xFFFFF086;
	s6 =	sadd.s32 @!p0 s3, s7;
	s7 =	simm.s32 @!p0 $0x108  }
0x21: {  	s3 =	sadd.s32 s3, s9;
	s6 =	sadd.s32 @!p0 $0x88, s6;
	s7 =	simm.s32 @p2 $0x1082  }
0x22: {  	[simem:s7], [sflag:s8] =	dma.local @!p0 [hbm:s6], $0xF7A  }
0x23: {  	s9 =	sor.u32 $0xD0000000, s2;
	s6 =	simm.s32 $0x108;
	_ =	swait.ge @!p0 [sflag:s8], $0x0  }
0x24: {  	s3 =	sadd.s32 $0x88, s3;
	s6 =	simm.s32 @!p1 $0x1082;
	[sflag:s4] =	ssyncset.s32 $0xFFFFF086  }
0x25: {  	[simem:s6], [sflag:s4] =	dma.local [hbm:s3], $0xF7A  }
0x26: {  	[smem:$0x3F96] =	sst s1;
	(tag) =	ssettag s2;
	_ =	strace s9  }
0x27: {  	s1 =	sld [smem:$0x3FA6]  }
0x28: {  	s2 =	sld [smem:$0x3FA7]  }
0x29: {  	s4 =	sld [smem:$0x3FA9]  }
0x2a: {  	p0 =	seq.s32 s5, $0x0;
	s5 =	sld [smem:$0x3FAA]  }
0x2b: {  	s6 =	sld [smem:$0x3FAB]  }
0x2c: {  	s7 =	sld [smem:$0x3FAC]  }
0x2d: {  	s3 =	simm.s32 $0x108;
	s8 =	sld [smem:$0x3FAD]  }
0x2e: {  	s3 =	simm.s32 @!p0 $0x1082;
	s9 =	sld [smem:$0x3FAE]  }
0x2f: {  	lr =	sadd.s32 s0, s3;
	s0 =	sld [smem:$0x3FA5]  }
0x30: {  	s3 =	sld [smem:$0x3FA8]  }
0x31: {  	[smem:$0x3FB1] =	sst s10  }
0x32: {  	s10 =	sld [smem:$0x3FAF];
	_ =	sdelay $0x3  }
0x33: {  	p0 =	seq.s32 s10, $0x1;
	s10 =	sld [smem:$0x3FB1];
	_ =	sdelay $0x3  }
0x34: {  	[smem:$0x3FB1] =	sst s10  }
0x35: {  	s10 =	sld [smem:$0x3FB0];
	_ =	sdelay $0x3  }
0x36: {  	p1 =	seq.s32 s10, $0x1;
	s10 =	sld [smem:$0x3FB1];
	_ =	sdelay $0x3  }
0x37: {  	[smem:$0x3FB1] =	sst s10  }
0x38: {  	s10 =	sld [smem:$0x3FB2]  }
0x39: {  	_ = 	snop;
	(pc) =	sbr.ind lr, $3  }
0x3a: {  	_ = 	snop  }
0x3b: {  	_ = 	snop  }
0x3c: {  	p2 =	seq.s32 s10, $0x1;
	s10 =	sld [smem:$0x3FB1]  }
0x3d: {  	_ =	shalt  }
0x3e: {  	_ =	shalt  }
0x3f: {  	_ =	shalt  }
0x40: {  	_ =	shalt  }
0x41: {  	_ =	shalt  }
0x42: {  	_ =	shalt  }
0x43: {  	_ =	shalt  }
0x44: {  	_ =	shalt  }
0x45: {  	_ =	shalt  }
0x46: {  	_ =	shalt  }
0x47: {  	_ =	shalt  }
0x48: {  	_ =	shalt  }
0x49: {  	_ =	shalt  }
0x4a: {  	_ =	shalt  }
0x4b: {  	_ =	shalt  }
0x4c: {  	_ =	shalt  }
0x4d: {  	_ =	shalt  }
0x4e: {  	_ =	shalt  }
0x4f: {  	_ =	shalt  }
0x50: {  	_ =	shalt  }
0x51: {  	_ =	shalt  }
0x52: {  	_ =	shalt  }
0x53: {  	_ =	shalt  }
0x54: {  	_ =	shalt  }
0x55: {  	_ =	shalt  }
0x56: {  	_ =	shalt  }
0x57: {  	_ =	shalt  }
0x58: {  	_ =	shalt  }
0x59: {  	_ =	shalt  }
0x5a: {  	_ =	shalt  }
0x5b: {  	_ =	shalt  }
0x5c: {  	_ =	shalt  }
0x5d: {  	_ =	shalt  }
0x5e: {  	_ =	shalt  }
0x5f: {  	_ =	shalt  }
0x60: {  	_ =	shalt  }
0x61: {  	_ =	shalt  }
0x62: {  	_ =	shalt  }
0x63: {  	_ =	shalt  }
0x64: {  	_ =	shalt  }
0x65: {  	_ =	shalt  }
0x66: {  	_ =	shalt  }
0x67: {  	_ =	shalt  }
0x68: {  	_ =	shalt  }
0x69: {  	_ =	shalt  }
0x6a: {  	_ =	shalt  }
0x6b: {  	_ =	shalt  }
0x6c: {  	_ =	shalt  }
0x6d: {  	_ =	shalt  }
0x6e: {  	_ =	shalt  }
0x6f: {  	_ =	shalt  }
0x70: {  	_ =	shalt  }
0x71: {  	_ =	shalt  }
0x72: {  	_ =	shalt  }
0x73: {  	_ =	shalt  }
0x74: {  	_ =	shalt  }
0x75: {  	_ =	shalt  }
0x76: {  	_ =	shalt  }
0x77: {  	_ =	shalt  }
0x78: {  	_ =	shalt  }
0x79: {  	_ =	shalt  }
0x7a: {  	_ =	shalt  }
0x7b: {  	_ =	shalt  }
0x7c: {  	_ =	shalt  }
0x7d: {  	_ =	shalt  }
0x7e: {  	_ =	shalt  }
0x7f: {  	_ =	shalt  }
0x80: {  	_ =	shalt  }
0x81: {  	_ =	shalt  }
0x82: {  	_ =	shalt  }
0x83: {  	_ =	shalt  }
0x84: {  	_ =	shalt  }
0x85: {  	_ =	shalt  }
0x86: {  	_ =	shalt  }
0x87: {  	_ =	shalt  }
.Lfunc_end0:
.L_simem_size_0:
called_computation_lowered:
.L_overlay_start_0:
0x88: {  	s2 =	sld [smem:$0x3FD9]  }
0x89: {  	s3 =	sld [smem:$0x3FFE];
	_ =	sdelay $0x1  }
0x8a: {  	s1 =	srdreg.scid  }
0x8b: {  	s0 =	sand.u32 $0x1, s1  }
0x8c: {  	s16 =	sshll.u32 s0, $0xA;
	s2 =	sadd.s32 s3, s2  }
0x8d: {  	s2 =	sadd.s32 s2, s16  }
0x8e: {  	[smem:$0x3FBD] =	sst s2  }
0x8f: {  	_ = 	snop  }
0x90: {  	(tm) =	ssettm $0x1  }
0x91: {  	s17 =	sld [smem:$0x3FFB];
	_ =	sdelay $0x3  }
0x92: {  	_ =	strace s17  }
0x93: {  	s2 =	sld [smem:$0x3FFC];
	_ =	sdelay $0x3  }
0x94: {  	_ =	strace s2  }
0x95: {  	s2 =	sld [smem:$0x3FFD];
	_ =	sdelay $0x3  }
0x96: {  	_ =	strace s2  }
0x97: {  	_ =	strace $0x8FFFFFFF  }
0x98: {  	s18 =	sld [smem:$0x3FDB];
	_ =	sdelay $0x1  }
0x99: {  	s19 =	simm.s32 $_scs_section_size  }
0x9a: {  	s4 =	simm.s32 $_size__tile_overlayer_lowered;
	s5 =	simm.s32 $_tile_overlayer_lowered  }
0x9b: {  	s22 =	simm.s32 $0x1BFF;
	s21 =	sshll.u32 s5, $0x1;
	s2 =	sadd.s32 s19, s18  }
0x9c: {  	s6 =	simm.s32 $0x0;
	s20 =	sshll.u32 s4, $0x1;
	s4 =	sadd.s32 s21, s2  }
0x9d: {  	[timem:s6], [sflag:s22] =	dma.local [hbm:s4], s20  }
0x9e: {  	_ =	swait.ge [sflag:s22], s20  }
0x9f: {  	s3 =	ssub.s32 $0x0, s20;
	[sflag:s22] =	ssyncset.done $0x0  }
0xa0: {  	[sflag:s22] =	ssyncadd.s32 s3;
	_ =	sdelay $0x1  }
0xa1: {  	s23 =	simm.s32 $0x1B8B  }
0xa2: {  	_ =	swait.ge [sflag:s23], $0x1  }
0xa3: {  	[sflag:s23] =	ssyncset.done $0x0  }
0xa4: {  	s25 =	simm.s32 $0x1B8E;
	s24 =	sld [smem:$0x3FFE];
	[sflag:s23] =	ssyncadd.s32 $0xFFFFFFFF  }
0xa5: {  	s26 =	simm.s32 $execute0_lowered;
	[smem:$0x3FD2] =	sst s25  }
0xa6: {  	s4 =	sshll.u32 s26, $0x1;
	_ =	strace $0x80000046;
	[dreg:$0x1] =	wrdreg $0xFFFFFFFF  }
0xa7: {  	s28 =	simm.s32 $_size_execute0_lowered;
	s2 =	sadd.s32 s2, s4;
	[dreg:$0x0] =	wrdreg $0x0  }
0xa8: {  	s4 =	sshll.u32 s28, $0x1;
	[dreg:$0x2] =	wrdreg s2  }
0xa9: {  	[dreg:$0x3] =	wrdreg s4  }
0xaa: {  	[dreg:$0x4] =	wrdreg $0xC0  }
0xab: {  	_ =	task [dreg:s6], $0x5FFFF  }
0xac: {  	[dreg:$0x1] =	wrdreg $0xFFFFFFFF  }
0xad: {  	[dreg:$0x0] =	wrdreg $0x60  }
0xae: {  	[dreg:$0x2] =	wrdreg s24  }
0xaf: {  	[dreg:$0x3] =	wrdreg $0x41800  }
0xb0: {  	[dreg:$0x4] =	wrdreg $0x9  }
0xb1: {  	_ =	task.clear_ibuf [dreg:s6], $0x5FFFF;
	_ =	strace $0x90000046  }
0xb2: {  	s29 =	simm.s32 $0x9;
	_ =	strace $0x80000048  }
0xb3: {  	_ =	swait.ge [sflag:s29], $0x1  }
0xb4: {  	[sflag:s29] =	ssyncadd.s32 $0xFFFFFFFF  }
0xb5: {  	_ =	strace $0x90000048  }
0xb6: {  	_ =	sfence  }
0xb7: {  	s30 =	sld [smem:$0x0];
	_ =	sdelay $0x2  }
0xb8: {  	s31 =	sshll.u32 s1, $0xD;
	s1 =	sshrl.u32 s1, $0x2  }
0xb9: {  	s3 =	sand.u32 $0x4000, s31;
	s1 =	sadd.s32 s1, s30  }
0xba: {  	s0 =	sor.u32 s3, s0;
	s1 =	sshll.u32 s1, $0x11  }
0xbb: {  	s0 =	sor.u32 s1, s0  }
0xbc: {  	s0 =	sadd.s32 $0x8F2B, s0  }
0xbd: {  	[sflag:s0] =	ssyncadd.remote.s32 $0x1  }
0xbe: {  	_ =	sfence.sel $0xFFFF  }
0xbf: {  	[dreg:$0x0] =	wrdreg $0xFFFFFFFF;
	(pc) =	sbr.abs _section_cstart, $3  }
0xc0: {  	[dreg:$0x1] =	wrdreg $0xFFFFFFFF  }
0xc1: {  	_ =	task.clear_ibuf [dreg:s6], $0x2FFFF;
	_ =	strace $0x9FFFFFFF  }
0xc2: {  	(tm) =	ssettm $0x7FFFFFFF  }
0xc3: {  	_ =	shalt  }
tec
execute0_lowered:
.L_overlay_start_1:
0x0: {  	(tag) =	ssettag $0x1  }
0x1: {  	s6 =	rddreg [dreg:$0x0]  }
0x2: {  	s2 =	rddreg [dreg:$0x1]  }
0x3: {  	s0 =	rddreg [dreg:$0x2]  }
0x4: {  	s4 =	srdreg.scid;
	s1 =	stileid.u32  }
0x5: {  	s3 =	simm.s32 $0x0;
	s19 =	simm.s32 $0x4;
	s20 =	simm.s32 $0x180  }
0x6: {  	s21 =	simm.s32 $0x1;
	s22 =	simm.s32 $0x2;
	s23 =	simm.s32 $0x3  }
0x7: {  	s9 =	sand.u32 $0x1, s4;
	s26 =	sshll.u32 s1, $0x1;
	s30 =	smul.u32 $0x4F000, s1  }
0x8: {  	[smem:$0x7FF] =	sst s3;
	s15 =	sadd.s32 $0x2800, s6;
	s14 =	smul.u32 $0x5000, s1  }
0x9: {  	s5 =	sadd.s32 $0x16800, s6;
	s11 =	sshll.u32 s1, $0x6;
	s25 =	smul.u32 $0x2780, s1  }
0xa: {  	s7 =	smul.u32 $0x27800, s9;
	s4 =	sor.u32 s9, s26;
	_ =	strace $0x80000047  }
0xb: {  	s10 =	ssub.s32 $0x2, s9;
	s16 =	smul.u32 $0x2800, s9;
	s9 =	sor.u32 $0x1C04, s11  }
0xc: {  	s8 =	smul.u32 $0x2800, s4;
	s4 =	sadd.s32 $0x19000, s6;
	s28 =	sshrl.u32 s10, $0x1  }
0xd: {  	s12 =	sadd.s32 s7, s6;
	s13 =	ssub.s32 s10, s28;
	s10 =	sshrl.u32 s30, $0x2  }
0xe: {  	s14 =	sadd.s32 s16, s14;
	s29 =	sshrl.u32 s8, $0x3;
	s18 =	sadd.s32 s10, s2  }
0xf: {  	s24 =	sadd.s32 $0x19800, s12;
	s12 =	smax.u32 s13, $0x1;
	s31 =	sor.u32 $0x280, s14  }
0x10: {  	s16 =	sor.u32 $0x200, s14;
	s14 =	sor.u32 $0x180, s14;
	s6 =	sadd.s32 s15, s29  }
0x11: {  	s13 =	sshrl.u32 s31, $0x3;
	s16 =	sshrl.u32 s16, $0x3;
	s17 =	sshrl.u32 s14, $0x3  }
0x12: {  	s18 =	sshrl.u32 s18, $0x3;
	s24 =	sadd.s32 s25, s24;
	s25 =	simm.s32 $0x0  }
0x13: {  	s7 =	sadd.s32 $0x10, s6;
	s8 =	sadd.s32 $0x20, s6;
	s10 =	sadd.s32 $0x4E0, s6  }
0x14: {  	s11 =	sadd.s32 $0x4F0, s6;
	s13 =	sadd.s32 s13, s15;
	s14 =	sadd.s32 s16, s15  }
0x15: {  	s15 =	sadd.s32 s17, s15;
	s16 =	simm.s32 $0x80;
	s17 =	simm.s32 $0x100  }
.LBB2_1:
0x16: {  	[tilespmem:s3], [sflag:$0x1] =	stream.linear.gather [hbm4b:s6+s3], $0x80, $0x38;
	[tilespmem:$0x17D80] =	vst v63  }
0x17: {  	_ = 	snop  }
0x18: {  	[tilespmem:s16], [sflag:$0x2] =	stream.linear.gather [hbm4b:s7+s3], $0x80, $0x38;
	[tilespmem:$0x17D80] =	vst v63  }
0x19: {  	_ = 	snop  }
0x1a: {  	[tilespmem:s17], [sflag:$0x3] =	stream.linear.gather [hbm4b:s8+s3], $0x80, $0x38;
	[tilespmem:$0x17D80] =	vst v63  }
0x1b: {  	[spmem:s18], [sflag:s9] =	dma.local [hbm:s5], $0x2780  }
0x1c: {  	_ =	swait.ge [sflag:s19], $0x2780  }
0x1d: {  	[sflag:s19] =	ssyncset.done $0x0  }
0x1e: {  	[sflag:s19] =	ssyncadd.s32 $0xFFFFD880  }
0x1f: {  	[tilespmem:s20], [sflag:$0x4] =	stream.linear.gather [hbm4b:s4+s3], $0x4000, $0x38;
	[tilespmem:$0x17D80] =	vst v63  }
0x20: {  	_ =	swait.ge [sflag:s19], $0x4000  }
0x21: {  	[sflag:s19] =	ssyncset.done $0x0  }
0x22: {  	[sflag:s19] =	ssyncadd.s32 $0xFFFFC000  }
0x23: {  	[bflag:$0x0] =	sbarrier.arrive $0xFFFF  }
0x24: {  	_ =	swait.ge [sflag:s21], $0x80  }
0x25: {  	[sflag:s21] =	ssyncset.done $0x0  }
0x26: {  	[sflag:s21] =	ssyncadd.s32 $0xFFFFFF80  }
0x27: {  	[spmem:s2] =	stream.indirect.scatter.add.f32 [tilespmem:s20], [sflag:$0x4], $0x80, s3, s16, $0xb8;
	[tilespmem:$0x17D80] =	vst v63  }
0x28: {  	_ =	swait.ge [sflag:s19], $0x4000  }
0x29: {  	[sflag:s19] =	ssyncset.done $0x0  }
0x2a: {  	s26 =	sadd.s32 $0x0, s15;
	[sflag:s19] =	ssyncadd.s32 $0xFFFFC000  }
0x2b: {  	[tilespmem:s3], [sflag:$0x1] =	stream.linear.gather [hbm4b:s26+s3], $0x80, $0x38;
	[tilespmem:$0x17D80] =	vst v63  }
0x2c: {  	_ =	swait.ge [sflag:s22], $0x80  }
0x2d: {  	[sflag:s22] =	ssyncset.done $0x0  }
0x2e: {  	[sflag:s22] =	ssyncadd.s32 $0xFFFFFF80  }
0x2f: {  	[spmem:s2] =	stream.indirect.scatter.add.f32 [tilespmem:s20], [sflag:$0x4], $0x80, s16, s16, $0xb8;
	[tilespmem:$0x17D80] =	vst v63  }
0x30: {  	_ =	swait.ge [sflag:s19], $0x4000  }
0x31: {  	[sflag:s19] =	ssyncset.done $0x0  }
0x32: {  	s31 =	sadd.s32 $0x0, s14;
	[sflag:s19] =	ssyncadd.s32 $0xFFFFC000  }
0x33: {  	[tilespmem:s16], [sflag:$0x2] =	stream.linear.gather [hbm4b:s31+s3], $0x80, $0x38;
	[tilespmem:$0x17D80] =	vst v63  }
0x34: {  	_ =	swait.ge [sflag:s23], $0x80  }
0x35: {  	[sflag:s23] =	ssyncset.done $0x0  }
0x36: {  	[sflag:s23] =	ssyncadd.s32 $0xFFFFFF80  }
0x37: {  	[spmem:s2] =	stream.indirect.scatter.add.f32 [tilespmem:s20], [sflag:$0x4], $0x80, s17, s16, $0xb8;
	[tilespmem:$0x17D80] =	vst v63  }
0x38: {  	_ =	swait.ge [sflag:s19], $0x4000  }
0x39: {  	[sflag:s19] =	ssyncset.done $0x0  }
0x3a: {  	s28 =	sadd.s32 $0x0, s13;
	s26 =	simm.s32 $0x30;
	[sflag:s19] =	ssyncadd.s32 $0xFFFFC000  }
.LBB2_2:
0x3b: {  	[tilespmem:s17], [sflag:$0x3] =	stream.linear.gather [hbm4b:s28+s3], $0x80, $0x38;
	[tilespmem:$0x17D80] =	vst v63  }
0x3c: {  	s28 =	smov.u32 s26  }
0x3d: {  	p0 =	sne.s32 s26, $0x480;
	s26 =	sadd.s32 $0x30, s26;
	_ =	swait.ge [sflag:s21], $0x80  }
0x3e: {  	[sflag:s21] =	ssyncset.done $0x0  }
0x3f: {  	[sflag:s21] =	ssyncadd.s32 $0xFFFFFF80  }
0x40: {  	[spmem:s2] =	stream.indirect.scatter.add.f32 [tilespmem:s20], [sflag:$0x4], $0x80, s3, s16, $0xb8;
	[tilespmem:$0x17D80] =	vst v63  }
0x41: {  	_ =	swait.ge [sflag:s19], $0x4000  }
0x42: {  	[sflag:s19] =	ssyncset.done $0x0  }
0x43: {  	s29 =	sadd.s32 s28, s15;
	[sflag:s19] =	ssyncadd.s32 $0xFFFFC000  }
0x44: {  	[tilespmem:s3], [sflag:$0x1] =	stream.linear.gather [hbm4b:s29+s3], $0x80, $0x38;
	[tilespmem:$0x17D80] =	vst v63  }
0x45: {  	_ =	swait.ge [sflag:s22], $0x80  }
0x46: {  	[sflag:s22] =	ssyncset.done $0x0  }
0x47: {  	[sflag:s22] =	ssyncadd.s32 $0xFFFFFF80  }
0x48: {  	[spmem:s2] =	stream.indirect.scatter.add.f32 [tilespmem:s20], [sflag:$0x4], $0x80, s16, s16, $0xb8;
	[tilespmem:$0x17D80] =	vst v63  }
0x49: {  	_ =	swait.ge [sflag:s19], $0x4000  }
0x4a: {  	[sflag:s19] =	ssyncset.done $0x0  }
0x4b: {  	s29 =	sadd.s32 s28, s14;
	[sflag:s19] =	ssyncadd.s32 $0xFFFFC000  }
0x4c: {  	[tilespmem:s16], [sflag:$0x2] =	stream.linear.gather [hbm4b:s29+s3], $0x80, $0x38;
	[tilespmem:$0x17D80] =	vst v63  }
0x4d: {  	_ =	swait.ge [sflag:s23], $0x80  }
0x4e: {  	[sflag:s23] =	ssyncset.done $0x0  }
.Ltmp0:
0x4f: {  	[sflag:s23] =	ssyncadd.s32 $0xFFFFFF80;
	(pc) =	sbr.rel @p0 .LBB2_2-.Ltmp0, $4  }
0x50: {  	[spmem:s2] =	stream.indirect.scatter.add.f32 [tilespmem:s20], [sflag:$0x4], $0x80, s17, s16, $0xb8;
	[tilespmem:$0x17D80] =	vst v63  }
0x51: {  	_ =	swait.ge [sflag:s19], $0x4000  }
0x52: {  	[sflag:s19] =	ssyncset.done $0x0  }
0x53: {  	s28 =	sadd.s32 s28, s13;
	[sflag:s19] =	ssyncadd.s32 $0xFFFFC000  }
0x54: {  	[tilespmem:s17], [sflag:$0x3] =	stream.linear.gather [hbm4b:s28+s3], $0x80, $0x38;
	[tilespmem:$0x17D80] =	vst v63  }
0x55: {  	_ =	swait.ge [sflag:s21], $0x80  }
0x56: {  	[sflag:s21] =	ssyncset.done $0x0  }
0x57: {  	[sflag:s21] =	ssyncadd.s32 $0xFFFFFF80  }
0x58: {  	[spmem:s2] =	stream.indirect.scatter.add.f32 [tilespmem:s20], [sflag:$0x4], $0x80, s3, s16, $0xb8;
	[tilespmem:$0x17D80] =	vst v63  }
0x59: {  	_ =	swait.ge [sflag:s19], $0x4000  }
0x5a: {  	[sflag:s19] =	ssyncset.done $0x0  }
0x5b: {  	[sflag:s19] =	ssyncadd.s32 $0xFFFFC000  }
0x5c: {  	[tilespmem:s3], [sflag:$0x1] =	stream.linear.gather [hbm4b:s10+s3], $0x80, $0x38;
	[tilespmem:$0x17D80] =	vst v63  }
0x5d: {  	_ =	swait.ge [sflag:s22], $0x80  }
0x5e: {  	[sflag:s22] =	ssyncset.done $0x0  }
0x5f: {  	[sflag:s22] =	ssyncadd.s32 $0xFFFFFF80  }
0x60: {  	[spmem:s2] =	stream.indirect.scatter.add.f32 [tilespmem:s20], [sflag:$0x4], $0x80, s16, s16, $0xb8;
	[tilespmem:$0x17D80] =	vst v63  }
0x61: {  	_ =	swait.ge [sflag:s19], $0x4000  }
0x62: {  	[sflag:s19] =	ssyncset.done $0x0  }
0x63: {  	[sflag:s19] =	ssyncadd.s32 $0xFFFFC000  }
0x64: {  	[tilespmem:s16], [sflag:$0x2] =	stream.linear.gather [hbm4b:s11+s3], $0x80, $0x38;
	[tilespmem:$0x17D80] =	vst v63  }
0x65: {  	_ =	swait.ge [sflag:s23], $0x80  }
0x66: {  	[sflag:s23] =	ssyncset.done $0x0  }
0x67: {  	[sflag:s23] =	ssyncadd.s32 $0xFFFFFF80  }
0x68: {  	[spmem:s2] =	stream.indirect.scatter.add.f32 [tilespmem:s20], [sflag:$0x4], $0x80, s17, s16, $0xb8;
	[tilespmem:$0x17D80] =	vst v63  }
0x69: {  	_ =	swait.ge [sflag:s19], $0x4000  }
0x6a: {  	[sflag:s19] =	ssyncset.done $0x0  }
0x6b: {  	[sflag:s19] =	ssyncadd.s32 $0xFFFFC000  }
0x6c: {  	_ =	swait.ge [sflag:s21], $0x80  }
0x6d: {  	[sflag:s21] =	ssyncset.done $0x0  }
0x6e: {  	[sflag:s21] =	ssyncadd.s32 $0xFFFFFF80  }
0x6f: {  	[spmem:s2] =	stream.indirect.scatter.add.f32 [tilespmem:s20], [sflag:$0x4], $0x80, s3, s16, $0xb8;
	[tilespmem:$0x17D80] =	vst v63  }
0x70: {  	_ =	swait.ge [sflag:s19], $0x4000  }
0x71: {  	[sflag:s19] =	ssyncset.done $0x0  }
0x72: {  	[sflag:s19] =	ssyncadd.s32 $0xFFFFC000  }
0x73: {  	_ =	swait.ge [sflag:s22], $0x80  }
0x74: {  	[sflag:s22] =	ssyncset.done $0x0  }
0x75: {  	[sflag:s22] =	ssyncadd.s32 $0xFFFFFF80  }
0x76: {  	[spmem:s2] =	stream.indirect.scatter.add.f32 [tilespmem:s20], [sflag:$0x4], $0x80, s16, s16, $0xb8;
	[tilespmem:$0x17D80] =	vst v63  }
0x77: {  	_ =	swait.ge [sflag:s19], $0x4000  }
0x78: {  	s25 =	sadd.s32 $0x1, s25;
	[sflag:s19] =	ssyncset.done $0x0  }
0x79: {  	p0 =	sne.s32 s25, s12;
	[sflag:s19] =	ssyncadd.s32 $0xFFFFC000  }
.Ltmp1:
0x7a: {  	[bflag:$0x0] =	sbarrier.arrive $0xFFFF;
	(pc) =	sbr.rel @p0 .LBB2_1-.Ltmp1, $4  }
0x7b: {  	[hbm:s24], [sflag:s9] =	dma.local [spmem:s18], $0x2780  }
0x7c: {  	_ =	swait.ge [sflag:s19], $0x2780  }
0x7d: {  	[sflag:s19] =	ssyncset.done $0x0  }
0x7e: {  	[sflag:s19] =	ssyncadd.s32 $0xFFFFD880  }
0x7f: {  	_ =	sfence.sel $0x180000  }
0x80: {  	[bflag:$0x0] =	sbarrier.arrive $0xFFFF  }
0x81: {  	p0 =	sne.s32 s1, $0x0;
	_ =	strace $0x90000047  }
0x82: {  	s0 =	sadd.s32 @!p0 $0x100000, s0;
	[bflag:$0x2] =	sbarrier.arrive $0xFFFF  }
0x83: {  	[sflag:s0] =	ssyncadd.tile.s32 @!p0 $0x1;
	_ =	shalt  }
.Lfunc_end2:
_tile_overlayer_lowered:
.L_overlay_start_2:
0x84: {  	(tag) =	ssettag $0x2  }
0x85: {  	s0 =	rddreg [dreg:$0x0];
	s2 =	stileid.u32  }
0x86: {  	s1 =	rddreg [dreg:$0x1];
	p0 =	sne.s32 s2, $0x0  }
0x87: {  	s3 =	rddreg [dreg:$0x2];
	[bflag:$0x3] =	sbarrier.arrive $0xFFFF;
	s2 =	simm.s32 @!p0 $0x1C04  }
0x88: {  	[timem:s3], [sflag:s2] =	dma.local @!p0 [hbm:s0], s1  }
0x89: {  	s0 =	simm.s32 @!p0 $0x4  }
0x8a: {  	_ =	swait.ge @!p0 [sflag:s0], s1  }
0x8b: {  	s1 =	ssub.s32 @!p0 $0x0, s1;
	[sflag:s0] =	ssyncset.done @!p0 $0x0  }
0x8c: {  	[sflag:s0] =	ssyncadd.s32 @!p0 s1  }
0x8d: {  	[bflag:$0x3] =	sbarrier.arrive $0xFFFF  }
0x8e: {  	_ =	shalt  }

</sc_bundles>
